<compile_context>
chip_gen: v7x
topology: tpu7x:2x2x1
jax: 0.10.2.dev20260603
libtpu: 0.0.44.dev20260713+nightly
codegen_flags: <defaults>
</compile_context>

<pallas_src>
import functools

import jax
import jax.numpy as jnp
from jax import lax
from jax.experimental import pallas as pl
from jax.experimental.pallas import tpu as pltpu
from jax.experimental.pallas import tpu_sc as plsc

N = 320000
H = 128
G = 1024

_BLK = 4096
_BLK_T = 512

_SEG_SCS = (104, 104, 104)
_SEG_LENS = tuple(s * 1024 for s in _SEG_SCS)
_TAIL_LEN = N - sum(_SEG_LENS)


def _gate_body(emb_ref, feat_ref, wg_ref, bg_ref, wt_ref, bt_ref, out_ref):
    emb = emb_ref[...]
    feat = feat_ref[...]
    wg = wg_ref[...]
    cdims = (((1,), (1,)), ((), ()))
    z = (lax.dot_general(emb, wg[:, :H], cdims,
                         preferred_element_type=jnp.float32)
         + lax.dot_general(feat, wg[:, H:], cdims,
                           preferred_element_type=jnp.float32)
         + bg_ref[...])
    gate = jax.nn.sigmoid(z)
    t = jnp.tanh(
        lax.dot_general(emb, wt_ref[...], cdims,
                        preferred_element_type=jnp.float32)
        + bt_ref[...])
    out_ref[...] = gate * t


def _gate_call(emb, feat, wg, bg2, wt, bt2, row0, seg_len, blk):
    nblocks = seg_len // blk
    blk0 = row0 // blk
    row_spec = pl.BlockSpec((blk, H), lambda i: (i + blk0, 0))
    out_spec = pl.BlockSpec((blk, H), lambda i: (i, 0))
    wg_spec = pl.BlockSpec((H, 2 * H), lambda i: (0, 0))
    wt_spec = pl.BlockSpec((H, H), lambda i: (0, 0))
    b_spec = pl.BlockSpec((1, H), lambda i: (0, 0))
    return pl.pallas_call(
        _gate_body,
        grid=(nblocks,),
        in_specs=[row_spec, row_spec, wg_spec, b_spec, wt_spec, b_spec],
        out_specs=out_spec,
        out_shape=jax.ShapeDtypeStruct((seg_len, H), jnp.float32),
    )(emb, feat, wg, bg2, wt, bt2)


_RP = 2504
_SC_FULL = N // 1024
_GPS = G // 16
_Q = 256


def _make_segsum_body(sc0, scnt, has_tail):
    q, r = divmod(scnt * 4, 32)

    def body(gated, *rest):
        if has_tail:
            gated_tail, ids, zeros64, out, idx_v, rows0, rows1, \
                acc, sem0, sem1 = rest
        else:
            ids, zeros64, out, idx_v, rows0, rows1, \
                acc, sem0, sem1 = rest
        c = lax.axis_index("c")
        s = lax.axis_index("s")
        wid = s * 2 + c
        bufs = (rows0, rows1)
        sems = (sem0, sem1)

        pltpu.sync_copy(zeros64, acc.at[pl.ds(s * _GPS, _GPS)])
        plsc.subcore_barrier()

        qbase = wid * q + jnp.minimum(wid, r)
        qcnt = q + (wid < r)

        def gather_start(node0, buf, sem):
            pltpu.make_async_copy(gated.at[pl.ds(node0, _Q)], buf,
                                  sem).start()

        def gather_wait(buf, sem):
            pltpu.make_async_copy(gated.at[pl.ds(0, _Q)], buf, sem).wait()

        gather_start(qbase * _Q, rows0, sem0)

        def pair_body(p, carry):
            for b in range(2):
                j = 2 * p + b

                @pl.when(j < qcnt)
                def _step():
                    qtr = qbase + j
                    sc = qtr // 4
                    qq = qtr % 4

                    @pl.when((qq == 0) | (j == 0))
                    def _load_idx():
                        pltpu.sync_copy(ids.at[pl.ds((sc0 + sc) * 8, 8)],
                                        idx_v)

                    gather_wait(bufs[b], sems[b])

                    @pl.when(j + 1 < qcnt)
                    def _prefetch_next():
                        gather_start((qbase + j + 1) * _Q, bufs[1 - b],
                                     sems[1 - b])

                    cps = [pltpu.make_async_copy(
                        bufs[b].at[pl.ds(h * H, H)],
                        acc.at[idx_v.at[2 * qq + h]], sems[b])
                        for h in range(2)]
                    for cp in cps:
                        cp.start(add=True)
                    for cp in cps:
                        cp.wait()
            return carry

        lax.fori_loop(0, (qcnt + 1) // 2, pair_body, 0)

        if has_tail:
            @pl.when(wid == 31)
            def _tail():
                pltpu.sync_copy(ids.at[pl.ds(_SC_FULL * 8, 8)], idx_v)
                for qq in range(2):
                    pltpu.sync_copy(gated_tail.at[pl.ds(qq * _Q, _Q)],
                                    rows0)
                    for h in range(2):
                        pltpu.sync_copy(rows0.at[pl.ds(h * H, H)],
                                        acc.at[idx_v.at[2 * qq + h]],
                                        add=True)

        plsc.subcore_barrier()

        pltpu.sync_copy(acc.at[pl.ds(s * _GPS, _GPS)],
                        out.at[c].at[pl.ds(s * _GPS, _GPS)])

    return body


def _make_segsum_call(sc0, scnt, has_tail):
    return functools.partial(
        pl.kernel,
        out_type=jax.ShapeDtypeStruct((2, G, H), jnp.float32),
        mesh=plsc.VectorSubcoreMesh(core_axis_name="c", subcore_axis_name="s"),
        scratch_types=[
            pltpu.VMEM((8, H), jnp.int32),
            pltpu.VMEM((_Q, H), jnp.float32),
            pltpu.VMEM((_Q, H), jnp.float32),
            pltpu.VMEM_SHARED((G, H), jnp.float32),
            pltpu.SemaphoreType.DMA,
            pltpu.SemaphoreType.DMA,
        ],
    )(_make_segsum_body(sc0, scnt, has_tail))


_NSEG = len(_SEG_SCS)
_SEG_SC0S = tuple(sum(_SEG_SCS[:k]) for k in range(_NSEG))
_segsum_calls = tuple(
    _make_segsum_call(_SEG_SC0S[k], _SEG_SCS[k], k == _NSEG - 1)
    for k in range(_NSEG)
)


def _combine_body(*refs):
    p_refs = refs[:_NSEG]
    wo_ref, bo_ref, pred_ref, repr_ref = refs[_NSEG:]
    grepr = p_refs[0][0] + p_refs[0][1]
    for p in p_refs[1:]:
        grepr = grepr + p[0] + p[1]
    repr_ref[...] = grepr
    pred_ref[...] = (jnp.sum(grepr * wo_ref[...], axis=1, keepdims=True)
                     + bo_ref[...])


def _combine_call(partials, wo, bo2):
    return pl.pallas_call(
        _combine_body,
        out_shape=(
            jax.ShapeDtypeStruct((G, 1), jnp.float32),
            jax.ShapeDtypeStruct((G, H), jnp.float32),
        ),
    )(*partials, wo, bo2)


def kernel(node_embeddings, initial_features, graph_nodes_list, num_graphs,
           Wg, bg, Wt, bt, Wo, bo):
    bg2 = bg.reshape(1, H)
    bt2 = bt.reshape(1, H)
    ids2d = jnp.concatenate(
        [graph_nodes_list,
         jnp.zeros((_RP * H - N,), jnp.int32)]).reshape(_RP, H)
    zeros64 = jnp.zeros((_GPS, H), jnp.float32)

    row0s = tuple(s * 1024 for s in _SEG_SC0S)
    gated = [
        _gate_call(node_embeddings, initial_features, Wg, bg2, Wt, bt2,
                   row0s[k], _SEG_LENS[k], _BLK)
        for k in range(_NSEG)
    ]
    gated_t = _gate_call(node_embeddings, initial_features, Wg, bg2, Wt, bt2,
                         sum(_SEG_LENS), _TAIL_LEN, _BLK_T)
    partials = [
        _segsum_calls[k](*((gated[k], gated_t) if k == _NSEG - 1
                           else (gated[k],)), ids2d, zeros64)
        for k in range(_NSEG)
    ]
    pred, graph_repr = _combine_call(partials, Wo, bo.reshape(1, 1))
    return pred.reshape(G), graph_repr

# --- scband reference (transcript-rebuilt; emitter-appended) ---
"""Pipeline reference for scband-gated-regression-22325240004852 (READ-ONLY COPY).

The authoritative reference and input builder live on the scoring server;
editing this copy changes nothing except your own understanding.
"""

import jax, jax.numpy as jnp
import numpy as np

N = 320000
H = 128
G = 1024

def setup_inputs(seed: int = 0) -> dict:
    key = jax.random.key(seed)
    ks = jax.random.split(key, 9)
    node_embeddings = jax.random.normal(ks[0], (N, H), dtype=jnp.float32)
    initial_features = jax.random.normal(ks[1], (N, H), dtype=jnp.float32)
    graph_nodes_list = jnp.sort(jax.random.randint(ks[2], (N,), 0, G, dtype=jnp.int32))
    # learned params (torch Linear convention: weight [out, in])
    Wg = jax.random.normal(ks[3], (H, 2 * H), dtype=jnp.float32) * 0.05
    bg = jnp.zeros((H,), dtype=jnp.float32)
    Wt = jax.random.normal(ks[4], (H, H), dtype=jnp.float32) * 0.05
    bt = jnp.zeros((H,), dtype=jnp.float32)
    Wo = jax.random.normal(ks[5], (1, H), dtype=jnp.float32) * 0.05
    bo = jnp.zeros((1,), dtype=jnp.float32)
    return {
        'node_embeddings': node_embeddings,
        'initial_features': initial_features,
        'graph_nodes_list': graph_nodes_list,
        'num_graphs': G,
        'Wg': Wg, 'bg': bg, 'Wt': Wt, 'bt': bt, 'Wo': Wo, 'bo': bo,
    }

def reference(node_embeddings, initial_features, graph_nodes_list, num_graphs, Wg, bg, Wt, bt, Wo, bo):
    # feature_proj is Identity since hidden_dim == node_feature_dim
    projected_features = initial_features
    gate_input = jnp.concatenate([node_embeddings, projected_features], axis=-1)
    gate = jax.nn.sigmoid(gate_input @ Wg.T + bg)
    gated_outputs = gate * jnp.tanh(node_embeddings @ Wt.T + bt)
    # scatter_add over graph ids -> segment sum
    valid = (graph_nodes_list < num_graphs)[:, None]
    masked_outputs = jnp.where(valid, gated_outputs, jnp.zeros_like(gated_outputs))
    graph_repr = jax.ops.segment_sum(masked_outputs, graph_nodes_list, num_segments=G)
    prediction = (graph_repr @ Wo.T + bo).squeeze(-1)
    return prediction, graph_repr

if __name__ == "__main__":
    import jax
    _d = setup_inputs()
    print(jax.jit(kernel)(*tuple(_d.values())))

</pallas_src>

<mosaic_0001>
#map = affine_map<(d0, d1) -> (0, 0)>
#map1 = affine_map<(d0, d1) -> (0, 0, 0)>
module attributes {stable_mosaic.version = 14 : i64} {
  func.func @body(%arg0: i32, %arg1: i32, %arg2: memref<106496x128xf32, #tpu.memory_space<hbm>>, %arg3: memref<2504x128xi32, #tpu.memory_space<hbm>>, %arg4: memref<64x128xf32, #tpu.memory_space<hbm>>, %arg5: memref<2x1024x128xf32, #tpu.memory_space<hbm>>, %arg6: memref<8x128xi32, #tpu.memory_space<vmem>>, %arg7: memref<256x128xf32, #tpu.memory_space<vmem>>, %arg8: memref<256x128xf32, #tpu.memory_space<vmem>>, %arg9: memref<1024x128xf32, #tpu.memory_space<vmem_shared>>, %arg10: memref<!tpu.dma_semaphore, #tpu.memory_space<semaphore_mem>>, %arg11: memref<!tpu.dma_semaphore, #tpu.memory_space<semaphore_mem>>) attributes {dimension_semantics = [#tpu.dimension_semantics<core_parallel>, #tpu.dimension_semantics<subcore_parallel>], iteration_bounds = array<i64: 2, 16>, scalar_prefetch = 0 : i64, scratch_operands = 6 : i64, tpu.core_type = #tpu.core_type<sc_vector_subcore>, window_params = [{transform_indices = #map}, {transform_indices = #map}, {transform_indices = #map}, {transform_indices = #map1}]} {
    %mul3A = arith.constant 2 : i32
    %mul3A_0 = arith.muli %arg1, %mul3A : i32
    %add3A = arith.addi %mul3A_0, %arg0 : i32
    %mul3A_1 = arith.constant 64 : i32
    %mul3A_2 = arith.muli %arg1, %mul3A_1 : i32
    "tpu.region"() ({
      %run_scoped3A = tpu.sem_alloc : memref<!tpu.dma_semaphore, #tpu.memory_space<semaphore_mem>>
      %dma_start3A_47 = arith.constant 0 : i32
      %dma_start3A_48 = tpu.memref_slice %arg9[%mul3A_2, %dma_start3A_47] : memref<1024x128xf32, #tpu.memory_space<vmem_shared>> -> memref<64x128xf32, #tpu.memory_space<vmem_shared>>
      tpu.enqueue_dma source(%arg4 : memref<64x128xf32, #tpu.memory_space<hbm>>) target(%dma_start3A_48 : memref<64x128xf32, #tpu.memory_space<vmem_shared>>) target_semaphore(%run_scoped3A : memref<!tpu.dma_semaphore, #tpu.memory_space<semaphore_mem>>)
      %dma_wait3A = arith.constant 0 : i32
      %dma_wait3A_49 = tpu.memref_slice %arg9[%mul3A_2, %dma_wait3A] : memref<1024x128xf32, #tpu.memory_space<vmem_shared>> -> memref<64x128xf32, #tpu.memory_space<vmem_shared>>
      tpu.wait_dma2 semaphore(%run_scoped3A : memref<!tpu.dma_semaphore, #tpu.memory_space<semaphore_mem>>) src(%arg4 : memref<64x128xf32, #tpu.memory_space<hbm>>) dst(%dma_wait3A_49 : memref<64x128xf32, #tpu.memory_space<vmem_shared>>)
      tpu.yield
    }) : () -> ()
    %barrier3A = arith.constant 0 : index
    tpu.barrier barrier_id(%barrier3A)
    %mul3A_3 = arith.constant 13 : i32
    %mul3A_4 = arith.muli %add3A, %mul3A_3 : i32
    %min3A = arith.constant 0 : i32
    %min3A_5 = arith.minsi %add3A, %min3A : i32
    %add3A_6 = arith.addi %mul3A_4, %min3A_5 : i32
    %lt3A = arith.constant 0 : i32
    %lt3A_7 = arith.cmpi slt, %add3A, %lt3A : i32
    %convert_element_type3A = arith.extui %lt3A_7 : i1 to i32
    %add3A_8 = arith.constant 13 : i32
    %add3A_9 = arith.addi %add3A_8, %convert_element_type3A : i32
    %mul3A_10 = arith.constant 256 : i32
    %mul3A_11 = arith.muli %add3A_6, %mul3A_10 : i32
    %dma_start3A = arith.constant 0 : i32
    %dma_start3A_12 = tpu.memref_slice %arg2[%mul3A_11, %dma_start3A] : memref<106496x128xf32, #tpu.memory_space<hbm>> -> memref<256x128xf32, #tpu.memory_space<hbm>>
    %dma_start3A_13 = arith.constant 0 : i32
    %dma_start3A_14 = tpu.memref_slice %arg2[%mul3A_11, %dma_start3A_13] : memref<106496x128xf32, #tpu.memory_space<hbm>> -> memref<256x128xf32, #tpu.memory_space<hbm>>
    tpu.enqueue_dma source(%dma_start3A_14 : memref<256x128xf32, #tpu.memory_space<hbm>>) target(%arg7 : memref<256x128xf32, #tpu.memory_space<vmem>>) target_semaphore(%arg10 : memref<!tpu.dma_semaphore, #tpu.memory_space<semaphore_mem>>)
    %add3A_15 = arith.constant 1 : i32
    %add3A_16 = arith.addi %add3A_9, %add3A_15 : i32
    %jit3A = arith.constant 2 : i32
    %div3A = arith.divsi %add3A_16, %jit3A : i32
    %sign3A = arith.constant 0 : i32
    %sign3A_17 = arith.cmpi sgt, %add3A_16, %sign3A : i32
    %sign3A_18 = arith.extui %sign3A_17 : i1 to i32
    %sign3A_19 = arith.constant 0 : i32
    %sign3A_20 = arith.cmpi slt, %add3A_16, %sign3A_19 : i32
    %sign3A_21 = arith.extui %sign3A_20 : i1 to i32
    %sign3A_22 = arith.subi %sign3A_18, %sign3A_21 : i32
    %sign3A_23 = arith.constant 0 : i32
    %sign3A_24 = arith.cmpi sgt, %jit3A, %sign3A_23 : i32
    %sign3A_25 = arith.extui %sign3A_24 : i1 to i32
    %sign3A_26 = arith.constant 0 : i32
    %sign3A_27 = arith.cmpi slt, %jit3A, %sign3A_26 : i32
    %sign3A_28 = arith.extui %sign3A_27 : i1 to i32
    %sign3A_29 = arith.subi %sign3A_25, %sign3A_28 : i32
    %ne3A = arith.cmpi ne, %sign3A_22, %sign3A_29 : i32
    %rem3A = arith.remsi %add3A_16, %jit3A : i32
    %ne3A_30 = arith.constant 0 : i32
    %ne3A_31 = arith.cmpi ne, %rem3A, %ne3A_30 : i32
    %and3A = arith.andi %ne3A, %ne3A_31 : i1
    %sub3A = arith.constant 1 : i32
    %sub3A_32 = arith.subi %div3A, %sub3A : i32
    %select_n3A = arith.select %and3A, %sub3A_32, %div3A : i32
    %while3A = arith.constant 0 : i32
    %while3A_33 = arith.constant 0 : i32
    %while3A_34 = arith.subi %select_n3A, %while3A_33 : i32
    %while3A_35 = arith.addi %while3A_33, %while3A_34 : i32
    %while3A_36 = arith.constant 1 : i32
    %while3A_37 = arith.divsi %while3A_34, %while3A_36 : i32
    %while3A_38 = arith.muli %while3A_37, %while3A_36 : i32
    %while3A_39 = arith.addi %while3A_33, %while3A_38 : i32
    %while3A_40 = arith.constant 1 : i32
    scf.for %while3A_47 = %while3A_33 to %while3A_39 step %while3A_40  : i32 {
      %mul3A_48 = arith.constant 2 : i32
      %mul3A_49 = arith.muli %mul3A_48, %while3A_47 : i32
      %add3A_50 = arith.constant 0 : i32
      %add3A_51 = arith.addi %mul3A_49, %add3A_50 : i32
      %lt3A_52 = arith.cmpi slt, %add3A_51, %add3A_9 : i32
      %convert_element_type3A_53 = arith.extui %lt3A_52 : i1 to i32
      %cond3A = arith.constant 0 : i32
      %cond3A_54 = arith.cmpi ne, %convert_element_type3A_53, %cond3A : i32
      scf.if %cond3A_54 {
        %add3A_63 = arith.addi %add3A_6, %add3A_51 : i32
        %jit3A_64 = arith.constant 4 : i32
        %div3A_65 = arith.divsi %add3A_63, %jit3A_64 : i32
        %sign3A_66 = arith.constant 0 : i32
        %sign3A_67 = arith.cmpi sgt, %add3A_63, %sign3A_66 : i32
        %sign3A_68 = arith.extui %sign3A_67 : i1 to i32
        %sign3A_69 = arith.constant 0 : i32
        %sign3A_70 = arith.cmpi slt, %add3A_63, %sign3A_69 : i32
        %sign3A_71 = arith.extui %sign3A_70 : i1 to i32
        %sign3A_72 = arith.subi %sign3A_68, %sign3A_71 : i32
        %sign3A_73 = arith.constant 0 : i32
        %sign3A_74 = arith.cmpi sgt, %jit3A_64, %sign3A_73 : i32
        %sign3A_75 = arith.extui %sign3A_74 : i1 to i32
        %sign3A_76 = arith.constant 0 : i32
        %sign3A_77 = arith.cmpi slt, %jit3A_64, %sign3A_76 : i32
        %sign3A_78 = arith.extui %sign3A_77 : i1 to i32
        %sign3A_79 = arith.subi %sign3A_75, %sign3A_78 : i32
        %ne3A_80 = arith.cmpi ne, %sign3A_72, %sign3A_79 : i32
        %rem3A_81 = arith.remsi %add3A_63, %jit3A_64 : i32
        %ne3A_82 = arith.constant 0 : i32
        %ne3A_83 = arith.cmpi ne, %rem3A_81, %ne3A_82 : i32
        %and3A_84 = arith.andi %ne3A_80, %ne3A_83 : i1
        %sub3A_85 = arith.constant 1 : i32
        %sub3A_86 = arith.subi %div3A_65, %sub3A_85 : i32
        %select_n3A_87 = arith.select %and3A_84, %sub3A_86, %div3A_65 : i32
        %jit3A_88 = arith.constant 4 : i32
        %eq3A = arith.constant 0 : i32
        %eq3A_89 = arith.cmpi eq, %jit3A_88, %eq3A : i32
        %jit3A_90 = arith.constant 1 : i32
        %select_n3A_91 = arith.select %eq3A_89, %jit3A_90, %jit3A_88 : i32
        %rem3A_92 = arith.remsi %add3A_63, %select_n3A_91 : i32
        %ne3A_93 = arith.constant 0 : i32
        %ne3A_94 = arith.cmpi ne, %rem3A_92, %ne3A_93 : i32
        %lt3A_95 = arith.constant 0 : i32
        %lt3A_96 = arith.cmpi slt, %rem3A_92, %lt3A_95 : i32
        %lt3A_97 = arith.constant 0 : i32
        %lt3A_98 = arith.cmpi slt, %select_n3A_91, %lt3A_97 : i32
        %ne3A_99 = arith.xori %lt3A_96, %lt3A_98 : i1
        %and3A_100 = arith.andi %ne3A_99, %ne3A_94 : i1
        %add3A_101 = arith.addi %rem3A_92, %select_n3A_91 : i32
        %select_n3A_102 = arith.select %and3A_100, %add3A_101, %rem3A_92 : i32
        %eq3A_103 = arith.constant 0 : i32
        %eq3A_104 = arith.cmpi eq, %select_n3A_102, %eq3A_103 : i32
        %eq3A_105 = arith.constant 0 : i32
        %eq3A_106 = arith.cmpi eq, %add3A_51, %eq3A_105 : i32
        %or3A = arith.ori %eq3A_104, %eq3A_106 : i1
        %convert_element_type3A_107 = arith.extui %or3A : i1 to i32
        %cond3A_108 = arith.constant 0 : i32
        %cond3A_109 = arith.cmpi ne, %convert_element_type3A_107, %cond3A_108 : i32
        scf.if %cond3A_109 {
          %add3A_165 = arith.constant 104 : i32
          %add3A_166 = arith.addi %add3A_165, %select_n3A_87 : i32
          %mul3A_167 = arith.constant 8 : i32
          %mul3A_168 = arith.muli %add3A_166, %mul3A_167 : i32
          "tpu.region"() ({
            %run_scoped3A = tpu.sem_alloc : memref<!tpu.dma_semaphore, #tpu.memory_space<semaphore_mem>>
            %dma_start3A_169 = arith.constant 0 : i32
            %dma_start3A_170 = tpu.memref_slice %arg3[%mul3A_168, %dma_start3A_169] : memref<2504x128xi32, #tpu.memory_space<hbm>> -> memref<8x128xi32, #tpu.memory_space<hbm>>
            %dma_start3A_171 = arith.constant 0 : i32
            %dma_start3A_172 = tpu.memref_slice %arg3[%mul3A_168, %dma_start3A_171] : memref<2504x128xi32, #tpu.memory_space<hbm>> -> memref<8x128xi32, #tpu.memory_space<hbm>>
            tpu.enqueue_dma source(%dma_start3A_172 : memref<8x128xi32, #tpu.memory_space<hbm>>) target(%arg6 : memref<8x128xi32, #tpu.memory_space<vmem>>) target_semaphore(%run_scoped3A : memref<!tpu.dma_semaphore, #tpu.memory_space<semaphore_mem>>)
            %dma_wait3A_173 = arith.constant 0 : i32
            %dma_wait3A_174 = tpu.memref_slice %arg3[%mul3A_168, %dma_wait3A_173] : memref<2504x128xi32, #tpu.memory_space<hbm>> -> memref<8x128xi32, #tpu.memory_space<hbm>>
            %dma_wait3A_175 = arith.constant 0 : i32
            %dma_wait3A_176 = tpu.memref_slice %arg3[%mul3A_168, %dma_wait3A_175] : memref<2504x128xi32, #tpu.memory_space<hbm>> -> memref<8x128xi32, #tpu.memory_space<hbm>>
            tpu.wait_dma2 semaphore(%run_scoped3A : memref<!tpu.dma_semaphore, #tpu.memory_space<semaphore_mem>>) src(%dma_wait3A_176 : memref<8x128xi32, #tpu.memory_space<hbm>>) dst(%arg6 : memref<8x128xi32, #tpu.memory_space<vmem>>)
            tpu.yield
          }) : () -> ()
        } else {
        }
        %dma_wait3A = arith.constant 0 : i32
        %dma_wait3A_110 = arith.constant 0 : i32
        %dma_wait3A_111 = tpu.memref_slice %arg2[%dma_wait3A, %dma_wait3A_110] : memref<106496x128xf32, #tpu.memory_space<hbm>> -> memref<256x128xf32, #tpu.memory_space<hbm>>
        %dma_wait3A_112 = arith.constant 0 : i32
        %dma_wait3A_113 = arith.constant 0 : i32
        %dma_wait3A_114 = tpu.memref_slice %arg2[%dma_wait3A_112, %dma_wait3A_113] : memref<106496x128xf32, #tpu.memory_space<hbm>> -> memref<256x128xf32, #tpu.memory_space<hbm>>
        tpu.wait_dma2 semaphore(%arg10 : memref<!tpu.dma_semaphore, #tpu.memory_space<semaphore_mem>>) src(%dma_wait3A_114 : memref<256x128xf32, #tpu.memory_space<hbm>>) dst(%arg7 : memref<256x128xf32, #tpu.memory_space<vmem>>)
        %add3A_115 = arith.constant 1 : i32
        %add3A_116 = arith.addi %add3A_51, %add3A_115 : i32
        %lt3A_117 = arith.cmpi slt, %add3A_116, %add3A_9 : i32
        %convert_element_type3A_118 = arith.extui %lt3A_117 : i1 to i32
        %cond3A_119 = arith.constant 0 : i32
        %cond3A_120 = arith.cmpi ne, %convert_element_type3A_118, %cond3A_119 : i32
        scf.if %cond3A_120 {
          %add3A_165 = arith.addi %add3A_6, %add3A_51 : i32
          %add3A_166 = arith.constant 1 : i32
          %add3A_167 = arith.addi %add3A_165, %add3A_166 : i32
          %mul3A_168 = arith.constant 256 : i32
          %mul3A_169 = arith.muli %add3A_167, %mul3A_168 : i32
          %dma_start3A_170 = arith.constant 0 : i32
          %dma_start3A_171 = tpu.memref_slice %arg2[%mul3A_169, %dma_start3A_170] : memref<106496x128xf32, #tpu.memory_space<hbm>> -> memref<256x128xf32, #tpu.memory_space<hbm>>
          %dma_start3A_172 = arith.constant 0 : i32
          %dma_start3A_173 = tpu.memref_slice %arg2[%mul3A_169, %dma_start3A_172] : memref<106496x128xf32, #tpu.memory_space<hbm>> -> memref<256x128xf32, #tpu.memory_space<hbm>>
          tpu.enqueue_dma source(%dma_start3A_173 : memref<256x128xf32, #tpu.memory_space<hbm>>) target(%arg8 : memref<256x128xf32, #tpu.memory_space<vmem>>) target_semaphore(%arg11 : memref<!tpu.dma_semaphore, #tpu.memory_space<semaphore_mem>>)
        } else {
        }
        %mul3A_121 = arith.constant 2 : i32
        %mul3A_122 = arith.muli %mul3A_121, %select_n3A_102 : i32
        %add3A_123 = arith.constant 0 : i32
        %add3A_124 = arith.addi %mul3A_122, %add3A_123 : i32
        %mul3A_125 = arith.constant 2 : i32
        %mul3A_126 = arith.muli %mul3A_125, %select_n3A_102 : i32
        %add3A_127 = arith.constant 1 : i32
        %add3A_128 = arith.addi %mul3A_126, %add3A_127 : i32
        %dma_start3A_129 = arith.constant 0 : i32
        %dma_start3A_130 = arith.constant 0 : i32
        %dma_start3A_131 = tpu.memref_slice %arg7[%dma_start3A_129, %dma_start3A_130] : memref<256x128xf32, #tpu.memory_space<vmem>> -> memref<128x128xf32, #tpu.memory_space<vmem>>
        %dma_start3A_132 = arith.constant 0 : i32
        %dma_start3A_133 = tpu.memref_slice %arg6[%add3A_124, %dma_start3A_132] : memref<8x128xi32, #tpu.memory_space<vmem>> -> memref<1x128xi32, #tpu.memory_space<vmem>>
        %dma_start3A_134 = tpu.memref_squeeze %dma_start3A_133 : memref<1x128xi32, #tpu.memory_space<vmem>> -> memref<128xi32, #tpu.memory_space<vmem>>
        %dma_start3A_135 = arith.constant 0 : i32
        %dma_start3A_136 = arith.constant 0 : i32
        %dma_start3A_137 = tpu.memref_slice %arg9[%dma_start3A_135, %dma_start3A_136] : memref<1024x128xf32, #tpu.memory_space<vmem_shared>> -> memref<1024x128xf32, #tpu.memory_space<vmem_shared>>
        tpu.enqueue_indirect_dma source(%dma_start3A_131 : memref<128x128xf32, #tpu.memory_space<vmem>>) target(%dma_start3A_137 : memref<1024x128xf32, #tpu.memory_space<vmem_shared>>) offsets(%dma_start3A_134 : memref<128xi32, #tpu.memory_space<vmem>>) semaphore(%arg10 : memref<!tpu.dma_semaphore, #tpu.memory_space<semaphore_mem>>) {add = true}
        %dma_start3A_138 = arith.constant 128 : i32
        %dma_start3A_139 = arith.constant 0 : i32
        %dma_start3A_140 = tpu.memref_slice %arg7[%dma_start3A_138, %dma_start3A_139] : memref<256x128xf32, #tpu.memory_space<vmem>> -> memref<128x128xf32, #tpu.memory_space<vmem>>
        %dma_start3A_141 = arith.constant 0 : i32
        %dma_start3A_142 = tpu.memref_slice %arg6[%add3A_128, %dma_start3A_141] : memref<8x128xi32, #tpu.memory_space<vmem>> -> memref<1x128xi32, #tpu.memory_space<vmem>>
        %dma_start3A_143 = tpu.memref_squeeze %dma_start3A_142 : memref<1x128xi32, #tpu.memory_space<vmem>> -> memref<128xi32, #tpu.memory_space<vmem>>
        %dma_start3A_144 = arith.constant 0 : i32
        %dma_start3A_145 = arith.constant 0 : i32
        %dma_start3A_146 = tpu.memref_slice %arg9[%dma_start3A_144, %dma_start3A_145] : memref<1024x128xf32, #tpu.memory_space<vmem_shared>> -> memref<1024x128xf32, #tpu.memory_space<vmem_shared>>
        tpu.enqueue_indirect_dma source(%dma_start3A_140 : memref<128x128xf32, #tpu.memory_space<vmem>>) target(%dma_start3A_146 : memref<1024x128xf32, #tpu.memory_space<vmem_shared>>) offsets(%dma_start3A_143 : memref<128xi32, #tpu.memory_space<vmem>>) semaphore(%arg10 : memref<!tpu.dma_semaphore, #tpu.memory_space<semaphore_mem>>) {add = true}
        %dma_wait3A_147 = arith.constant 0 : i32
        %dma_wait3A_148 = arith.constant 0 : i32
        %dma_wait3A_149 = tpu.memref_slice %arg7[%dma_wait3A_147, %dma_wait3A_148] : memref<256x128xf32, #tpu.memory_space<vmem>> -> memref<128x128xf32, #tpu.memory_space<vmem>>
        %dma_wait3A_150 = arith.constant 0 : i32
        %dma_wait3A_151 = tpu.memref_slice %arg6[%add3A_124, %dma_wait3A_150] : memref<8x128xi32, #tpu.memory_space<vmem>> -> memref<1x128xi32, #tpu.memory_space<vmem>>
        %dma_wait3A_152 = tpu.memref_squeeze %dma_wait3A_151 : memref<1x128xi32, #tpu.memory_space<vmem>> -> memref<128xi32, #tpu.memory_space<vmem>>
        %dma_wait3A_153 = arith.constant 0 : i32
        %dma_wait3A_154 = arith.constant 0 : i32
        %dma_wait3A_155 = tpu.memref_slice %arg9[%dma_wait3A_153, %dma_wait3A_154] : memref<1024x128xf32, #tpu.memory_space<vmem_shared>> -> memref<1024x128xf32, #tpu.memory_space<vmem_shared>>
        tpu.wait_indirect_dma semaphore(%arg10 : memref<!tpu.dma_semaphore, #tpu.memory_space<semaphore_mem>>) src(%dma_wait3A_149 : memref<128x128xf32, #tpu.memory_space<vmem>>) dst(%dma_wait3A_155 : memref<1024x128xf32, #tpu.memory_space<vmem_shared>>)
        %dma_wait3A_156 = arith.constant 128 : i32
        %dma_wait3A_157 = arith.constant 0 : i32
        %dma_wait3A_158 = tpu.memref_slice %arg7[%dma_wait3A_156, %dma_wait3A_157] : memref<256x128xf32, #tpu.memory_space<vmem>> -> memref<128x128xf32, #tpu.memory_space<vmem>>
        %dma_wait3A_159 = arith.constant 0 : i32
        %dma_wait3A_160 = tpu.memref_slice %arg6[%add3A_128, %dma_wait3A_159] : memref<8x128xi32, #tpu.memory_space<vmem>> -> memref<1x128xi32, #tpu.memory_space<vmem>>
        %dma_wait3A_161 = tpu.memref_squeeze %dma_wait3A_160 : memref<1x128xi32, #tpu.memory_space<vmem>> -> memref<128xi32, #tpu.memory_space<vmem>>
        %dma_wait3A_162 = arith.constant 0 : i32
        %dma_wait3A_163 = arith.constant 0 : i32
        %dma_wait3A_164 = tpu.memref_slice %arg9[%dma_wait3A_162, %dma_wait3A_163] : memref<1024x128xf32, #tpu.memory_space<vmem_shared>> -> memref<1024x128xf32, #tpu.memory_space<vmem_shared>>
        tpu.wait_indirect_dma semaphore(%arg10 : memref<!tpu.dma_semaphore, #tpu.memory_space<semaphore_mem>>) src(%dma_wait3A_158 : memref<128x128xf32, #tpu.memory_space<vmem>>) dst(%dma_wait3A_164 : memref<1024x128xf32, #tpu.memory_space<vmem_shared>>)
      } else {
      }
      %mul3A_55 = arith.constant 2 : i32
      %mul3A_56 = arith.muli %mul3A_55, %while3A_47 : i32
      %add3A_57 = arith.constant 1 : i32
      %add3A_58 = arith.addi %mul3A_56, %add3A_57 : i32
      %lt3A_59 = arith.cmpi slt, %add3A_58, %add3A_9 : i32
      %convert_element_type3A_60 = arith.extui %lt3A_59 : i1 to i32
      %cond3A_61 = arith.constant 0 : i32
      %cond3A_62 = arith.cmpi ne, %convert_element_type3A_60, %cond3A_61 : i32
      scf.if %cond3A_62 {
        %add3A_63 = arith.addi %add3A_6, %add3A_58 : i32
        %jit3A_64 = arith.constant 4 : i32
        %div3A_65 = arith.divsi %add3A_63, %jit3A_64 : i32
        %sign3A_66 = arith.constant 0 : i32
        %sign3A_67 = arith.cmpi sgt, %add3A_63, %sign3A_66 : i32
        %sign3A_68 = arith.extui %sign3A_67 : i1 to i32
        %sign3A_69 = arith.constant 0 : i32
        %sign3A_70 = arith.cmpi slt, %add3A_63, %sign3A_69 : i32
        %sign3A_71 = arith.extui %sign3A_70 : i1 to i32
        %sign3A_72 = arith.subi %sign3A_68, %sign3A_71 : i32
        %sign3A_73 = arith.constant 0 : i32
        %sign3A_74 = arith.cmpi sgt, %jit3A_64, %sign3A_73 : i32
        %sign3A_75 = arith.extui %sign3A_74 : i1 to i32
        %sign3A_76 = arith.constant 0 : i32
        %sign3A_77 = arith.cmpi slt, %jit3A_64, %sign3A_76 : i32
        %sign3A_78 = arith.extui %sign3A_77 : i1 to i32
        %sign3A_79 = arith.subi %sign3A_75, %sign3A_78 : i32
        %ne3A_80 = arith.cmpi ne, %sign3A_72, %sign3A_79 : i32
        %rem3A_81 = arith.remsi %add3A_63, %jit3A_64 : i32
        %ne3A_82 = arith.constant 0 : i32
        %ne3A_83 = arith.cmpi ne, %rem3A_81, %ne3A_82 : i32
        %and3A_84 = arith.andi %ne3A_80, %ne3A_83 : i1
        %sub3A_85 = arith.constant 1 : i32
        %sub3A_86 = arith.subi %div3A_65, %sub3A_85 : i32
        %select_n3A_87 = arith.select %and3A_84, %sub3A_86, %div3A_65 : i32
        %jit3A_88 = arith.constant 4 : i32
        %eq3A = arith.constant 0 : i32
        %eq3A_89 = arith.cmpi eq, %jit3A_88, %eq3A : i32
        %jit3A_90 = arith.constant 1 : i32
        %select_n3A_91 = arith.select %eq3A_89, %jit3A_90, %jit3A_88 : i32
        %rem3A_92 = arith.remsi %add3A_63, %select_n3A_91 : i32
        %ne3A_93 = arith.constant 0 : i32
        %ne3A_94 = arith.cmpi ne, %rem3A_92, %ne3A_93 : i32
        %lt3A_95 = arith.constant 0 : i32
        %lt3A_96 = arith.cmpi slt, %rem3A_92, %lt3A_95 : i32
        %lt3A_97 = arith.constant 0 : i32
        %lt3A_98 = arith.cmpi slt, %select_n3A_91, %lt3A_97 : i32
        %ne3A_99 = arith.xori %lt3A_96, %lt3A_98 : i1
        %and3A_100 = arith.andi %ne3A_99, %ne3A_94 : i1
        %add3A_101 = arith.addi %rem3A_92, %select_n3A_91 : i32
        %select_n3A_102 = arith.select %and3A_100, %add3A_101, %rem3A_92 : i32
        %eq3A_103 = arith.constant 0 : i32
        %eq3A_104 = arith.cmpi eq, %select_n3A_102, %eq3A_103 : i32
        %eq3A_105 = arith.constant 0 : i32
        %eq3A_106 = arith.cmpi eq, %add3A_58, %eq3A_105 : i32
        %or3A = arith.ori %eq3A_104, %eq3A_106 : i1
        %convert_element_type3A_107 = arith.extui %or3A : i1 to i32
        %cond3A_108 = arith.constant 0 : i32
        %cond3A_109 = arith.cmpi ne, %convert_element_type3A_107, %cond3A_108 : i32
        scf.if %cond3A_109 {
          %add3A_165 = arith.constant 104 : i32
          %add3A_166 = arith.addi %add3A_165, %select_n3A_87 : i32
          %mul3A_167 = arith.constant 8 : i32
          %mul3A_168 = arith.muli %add3A_166, %mul3A_167 : i32
          "tpu.region"() ({
            %run_scoped3A = tpu.sem_alloc : memref<!tpu.dma_semaphore, #tpu.memory_space<semaphore_mem>>
            %dma_start3A_169 = arith.constant 0 : i32
            %dma_start3A_170 = tpu.memref_slice %arg3[%mul3A_168, %dma_start3A_169] : memref<2504x128xi32, #tpu.memory_space<hbm>> -> memref<8x128xi32, #tpu.memory_space<hbm>>
            %dma_start3A_171 = arith.constant 0 : i32
            %dma_start3A_172 = tpu.memref_slice %arg3[%mul3A_168, %dma_start3A_171] : memref<2504x128xi32, #tpu.memory_space<hbm>> -> memref<8x128xi32, #tpu.memory_space<hbm>>
            tpu.enqueue_dma source(%dma_start3A_172 : memref<8x128xi32, #tpu.memory_space<hbm>>) target(%arg6 : memref<8x128xi32, #tpu.memory_space<vmem>>) target_semaphore(%run_scoped3A : memref<!tpu.dma_semaphore, #tpu.memory_space<semaphore_mem>>)
            %dma_wait3A_173 = arith.constant 0 : i32
            %dma_wait3A_174 = tpu.memref_slice %arg3[%mul3A_168, %dma_wait3A_173] : memref<2504x128xi32, #tpu.memory_space<hbm>> -> memref<8x128xi32, #tpu.memory_space<hbm>>
            %dma_wait3A_175 = arith.constant 0 : i32
            %dma_wait3A_176 = tpu.memref_slice %arg3[%mul3A_168, %dma_wait3A_175] : memref<2504x128xi32, #tpu.memory_space<hbm>> -> memref<8x128xi32, #tpu.memory_space<hbm>>
            tpu.wait_dma2 semaphore(%run_scoped3A : memref<!tpu.dma_semaphore, #tpu.memory_space<semaphore_mem>>) src(%dma_wait3A_176 : memref<8x128xi32, #tpu.memory_space<hbm>>) dst(%arg6 : memref<8x128xi32, #tpu.memory_space<vmem>>)
            tpu.yield
          }) : () -> ()
        } else {
        }
        %dma_wait3A = arith.constant 0 : i32
        %dma_wait3A_110 = arith.constant 0 : i32
        %dma_wait3A_111 = tpu.memref_slice %arg2[%dma_wait3A, %dma_wait3A_110] : memref<106496x128xf32, #tpu.memory_space<hbm>> -> memref<256x128xf32, #tpu.memory_space<hbm>>
        %dma_wait3A_112 = arith.constant 0 : i32
        %dma_wait3A_113 = arith.constant 0 : i32
        %dma_wait3A_114 = tpu.memref_slice %arg2[%dma_wait3A_112, %dma_wait3A_113] : memref<106496x128xf32, #tpu.memory_space<hbm>> -> memref<256x128xf32, #tpu.memory_space<hbm>>
        tpu.wait_dma2 semaphore(%arg11 : memref<!tpu.dma_semaphore, #tpu.memory_space<semaphore_mem>>) src(%dma_wait3A_114 : memref<256x128xf32, #tpu.memory_space<hbm>>) dst(%arg8 : memref<256x128xf32, #tpu.memory_space<vmem>>)
        %add3A_115 = arith.constant 1 : i32
        %add3A_116 = arith.addi %add3A_58, %add3A_115 : i32
        %lt3A_117 = arith.cmpi slt, %add3A_116, %add3A_9 : i32
        %convert_element_type3A_118 = arith.extui %lt3A_117 : i1 to i32
        %cond3A_119 = arith.constant 0 : i32
        %cond3A_120 = arith.cmpi ne, %convert_element_type3A_118, %cond3A_119 : i32
        scf.if %cond3A_120 {
          %add3A_165 = arith.addi %add3A_6, %add3A_58 : i32
          %add3A_166 = arith.constant 1 : i32
          %add3A_167 = arith.addi %add3A_165, %add3A_166 : i32
          %mul3A_168 = arith.constant 256 : i32
          %mul3A_169 = arith.muli %add3A_167, %mul3A_168 : i32
          %dma_start3A_170 = arith.constant 0 : i32
          %dma_start3A_171 = tpu.memref_slice %arg2[%mul3A_169, %dma_start3A_170] : memref<106496x128xf32, #tpu.memory_space<hbm>> -> memref<256x128xf32, #tpu.memory_space<hbm>>
          %dma_start3A_172 = arith.constant 0 : i32
          %dma_start3A_173 = tpu.memref_slice %arg2[%mul3A_169, %dma_start3A_172] : memref<106496x128xf32, #tpu.memory_space<hbm>> -> memref<256x128xf32, #tpu.memory_space<hbm>>
          tpu.enqueue_dma source(%dma_start3A_173 : memref<256x128xf32, #tpu.memory_space<hbm>>) target(%arg7 : memref<256x128xf32, #tpu.memory_space<vmem>>) target_semaphore(%arg10 : memref<!tpu.dma_semaphore, #tpu.memory_space<semaphore_mem>>)
        } else {
        }
        %mul3A_121 = arith.constant 2 : i32
        %mul3A_122 = arith.muli %mul3A_121, %select_n3A_102 : i32
        %add3A_123 = arith.constant 0 : i32
        %add3A_124 = arith.addi %mul3A_122, %add3A_123 : i32
        %mul3A_125 = arith.constant 2 : i32
        %mul3A_126 = arith.muli %mul3A_125, %select_n3A_102 : i32
        %add3A_127 = arith.constant 1 : i32
        %add3A_128 = arith.addi %mul3A_126, %add3A_127 : i32
        %dma_start3A_129 = arith.constant 0 : i32
        %dma_start3A_130 = arith.constant 0 : i32
        %dma_start3A_131 = tpu.memref_slice %arg8[%dma_start3A_129, %dma_start3A_130] : memref<256x128xf32, #tpu.memory_space<vmem>> -> memref<128x128xf32, #tpu.memory_space<vmem>>
        %dma_start3A_132 = arith.constant 0 : i32
        %dma_start3A_133 = tpu.memref_slice %arg6[%add3A_124, %dma_start3A_132] : memref<8x128xi32, #tpu.memory_space<vmem>> -> memref<1x128xi32, #tpu.memory_space<vmem>>
        %dma_start3A_134 = tpu.memref_squeeze %dma_start3A_133 : memref<1x128xi32, #tpu.memory_space<vmem>> -> memref<128xi32, #tpu.memory_space<vmem>>
        %dma_start3A_135 = arith.constant 0 : i32
        %dma_start3A_136 = arith.constant 0 : i32
        %dma_start3A_137 = tpu.memref_slice %arg9[%dma_start3A_135, %dma_start3A_136] : memref<1024x128xf32, #tpu.memory_space<vmem_shared>> -> memref<1024x128xf32, #tpu.memory_space<vmem_shared>>
        tpu.enqueue_indirect_dma source(%dma_start3A_131 : memref<128x128xf32, #tpu.memory_space<vmem>>) target(%dma_start3A_137 : memref<1024x128xf32, #tpu.memory_space<vmem_shared>>) offsets(%dma_start3A_134 : memref<128xi32, #tpu.memory_space<vmem>>) semaphore(%arg11 : memref<!tpu.dma_semaphore, #tpu.memory_space<semaphore_mem>>) {add = true}
        %dma_start3A_138 = arith.constant 128 : i32
        %dma_start3A_139 = arith.constant 0 : i32
        %dma_start3A_140 = tpu.memref_slice %arg8[%dma_start3A_138, %dma_start3A_139] : memref<256x128xf32, #tpu.memory_space<vmem>> -> memref<128x128xf32, #tpu.memory_space<vmem>>
        %dma_start3A_141 = arith.constant 0 : i32
        %dma_start3A_142 = tpu.memref_slice %arg6[%add3A_128, %dma_start3A_141] : memref<8x128xi32, #tpu.memory_space<vmem>> -> memref<1x128xi32, #tpu.memory_space<vmem>>
        %dma_start3A_143 = tpu.memref_squeeze %dma_start3A_142 : memref<1x128xi32, #tpu.memory_space<vmem>> -> memref<128xi32, #tpu.memory_space<vmem>>
        %dma_start3A_144 = arith.constant 0 : i32
        %dma_start3A_145 = arith.constant 0 : i32
        %dma_start3A_146 = tpu.memref_slice %arg9[%dma_start3A_144, %dma_start3A_145] : memref<1024x128xf32, #tpu.memory_space<vmem_shared>> -> memref<1024x128xf32, #tpu.memory_space<vmem_shared>>
        tpu.enqueue_indirect_dma source(%dma_start3A_140 : memref<128x128xf32, #tpu.memory_space<vmem>>) target(%dma_start3A_146 : memref<1024x128xf32, #tpu.memory_space<vmem_shared>>) offsets(%dma_start3A_143 : memref<128xi32, #tpu.memory_space<vmem>>) semaphore(%arg11 : memref<!tpu.dma_semaphore, #tpu.memory_space<semaphore_mem>>) {add = true}
        %dma_wait3A_147 = arith.constant 0 : i32
        %dma_wait3A_148 = arith.constant 0 : i32
        %dma_wait3A_149 = tpu.memref_slice %arg8[%dma_wait3A_147, %dma_wait3A_148] : memref<256x128xf32, #tpu.memory_space<vmem>> -> memref<128x128xf32, #tpu.memory_space<vmem>>
        %dma_wait3A_150 = arith.constant 0 : i32
        %dma_wait3A_151 = tpu.memref_slice %arg6[%add3A_124, %dma_wait3A_150] : memref<8x128xi32, #tpu.memory_space<vmem>> -> memref<1x128xi32, #tpu.memory_space<vmem>>
        %dma_wait3A_152 = tpu.memref_squeeze %dma_wait3A_151 : memref<1x128xi32, #tpu.memory_space<vmem>> -> memref<128xi32, #tpu.memory_space<vmem>>
        %dma_wait3A_153 = arith.constant 0 : i32
        %dma_wait3A_154 = arith.constant 0 : i32
        %dma_wait3A_155 = tpu.memref_slice %arg9[%dma_wait3A_153, %dma_wait3A_154] : memref<1024x128xf32, #tpu.memory_space<vmem_shared>> -> memref<1024x128xf32, #tpu.memory_space<vmem_shared>>
        tpu.wait_indirect_dma semaphore(%arg11 : memref<!tpu.dma_semaphore, #tpu.memory_space<semaphore_mem>>) src(%dma_wait3A_149 : memref<128x128xf32, #tpu.memory_space<vmem>>) dst(%dma_wait3A_155 : memref<1024x128xf32, #tpu.memory_space<vmem_shared>>)
        %dma_wait3A_156 = arith.constant 128 : i32
        %dma_wait3A_157 = arith.constant 0 : i32
        %dma_wait3A_158 = tpu.memref_slice %arg8[%dma_wait3A_156, %dma_wait3A_157] : memref<256x128xf32, #tpu.memory_space<vmem>> -> memref<128x128xf32, #tpu.memory_space<vmem>>
        %dma_wait3A_159 = arith.constant 0 : i32
        %dma_wait3A_160 = tpu.memref_slice %arg6[%add3A_128, %dma_wait3A_159] : memref<8x128xi32, #tpu.memory_space<vmem>> -> memref<1x128xi32, #tpu.memory_space<vmem>>
        %dma_wait3A_161 = tpu.memref_squeeze %dma_wait3A_160 : memref<1x128xi32, #tpu.memory_space<vmem>> -> memref<128xi32, #tpu.memory_space<vmem>>
        %dma_wait3A_162 = arith.constant 0 : i32
        %dma_wait3A_163 = arith.constant 0 : i32
        %dma_wait3A_164 = tpu.memref_slice %arg9[%dma_wait3A_162, %dma_wait3A_163] : memref<1024x128xf32, #tpu.memory_space<vmem_shared>> -> memref<1024x128xf32, #tpu.memory_space<vmem_shared>>
        tpu.wait_indirect_dma semaphore(%arg11 : memref<!tpu.dma_semaphore, #tpu.memory_space<semaphore_mem>>) src(%dma_wait3A_158 : memref<128x128xf32, #tpu.memory_space<vmem>>) dst(%dma_wait3A_164 : memref<1024x128xf32, #tpu.memory_space<vmem_shared>>)
      } else {
      }
    }
    %while3A_41 = arith.constant 1 : i32
    scf.for %while3A_47 = %while3A_39 to %while3A_35 step %while3A_41  : i32 {
      %mul3A_48 = arith.constant 2 : i32
      %mul3A_49 = arith.muli %mul3A_48, %while3A_47 : i32
      %add3A_50 = arith.constant 0 : i32
      %add3A_51 = arith.addi %mul3A_49, %add3A_50 : i32
      %lt3A_52 = arith.cmpi slt, %add3A_51, %add3A_9 : i32
      %convert_element_type3A_53 = arith.extui %lt3A_52 : i1 to i32
      %cond3A = arith.constant 0 : i32
      %cond3A_54 = arith.cmpi ne, %convert_element_type3A_53, %cond3A : i32
      scf.if %cond3A_54 {
        %add3A_63 = arith.addi %add3A_6, %add3A_51 : i32
        %jit3A_64 = arith.constant 4 : i32
        %div3A_65 = arith.divsi %add3A_63, %jit3A_64 : i32
        %sign3A_66 = arith.constant 0 : i32
        %sign3A_67 = arith.cmpi sgt, %add3A_63, %sign3A_66 : i32
        %sign3A_68 = arith.extui %sign3A_67 : i1 to i32
        %sign3A_69 = arith.constant 0 : i32
        %sign3A_70 = arith.cmpi slt, %add3A_63, %sign3A_69 : i32
        %sign3A_71 = arith.extui %sign3A_70 : i1 to i32
        %sign3A_72 = arith.subi %sign3A_68, %sign3A_71 : i32
        %sign3A_73 = arith.constant 0 : i32
        %sign3A_74 = arith.cmpi sgt, %jit3A_64, %sign3A_73 : i32
        %sign3A_75 = arith.extui %sign3A_74 : i1 to i32
        %sign3A_76 = arith.constant 0 : i32
        %sign3A_77 = arith.cmpi slt, %jit3A_64, %sign3A_76 : i32
        %sign3A_78 = arith.extui %sign3A_77 : i1 to i32
        %sign3A_79 = arith.subi %sign3A_75, %sign3A_78 : i32
        %ne3A_80 = arith.cmpi ne, %sign3A_72, %sign3A_79 : i32
        %rem3A_81 = arith.remsi %add3A_63, %jit3A_64 : i32
        %ne3A_82 = arith.constant 0 : i32
        %ne3A_83 = arith.cmpi ne, %rem3A_81, %ne3A_82 : i32
        %and3A_84 = arith.andi %ne3A_80, %ne3A_83 : i1
        %sub3A_85 = arith.constant 1 : i32
        %sub3A_86 = arith.subi %div3A_65, %sub3A_85 : i32
        %select_n3A_87 = arith.select %and3A_84, %sub3A_86, %div3A_65 : i32
        %jit3A_88 = arith.constant 4 : i32
        %eq3A = arith.constant 0 : i32
        %eq3A_89 = arith.cmpi eq, %jit3A_88, %eq3A : i32
        %jit3A_90 = arith.constant 1 : i32
        %select_n3A_91 = arith.select %eq3A_89, %jit3A_90, %jit3A_88 : i32
        %rem3A_92 = arith.remsi %add3A_63, %select_n3A_91 : i32
        %ne3A_93 = arith.constant 0 : i32
        %ne3A_94 = arith.cmpi ne, %rem3A_92, %ne3A_93 : i32
        %lt3A_95 = arith.constant 0 : i32
        %lt3A_96 = arith.cmpi slt, %rem3A_92, %lt3A_95 : i32
        %lt3A_97 = arith.constant 0 : i32
        %lt3A_98 = arith.cmpi slt, %select_n3A_91, %lt3A_97 : i32
        %ne3A_99 = arith.xori %lt3A_96, %lt3A_98 : i1
        %and3A_100 = arith.andi %ne3A_99, %ne3A_94 : i1
        %add3A_101 = arith.addi %rem3A_92, %select_n3A_91 : i32
        %select_n3A_102 = arith.select %and3A_100, %add3A_101, %rem3A_92 : i32
        %eq3A_103 = arith.constant 0 : i32
        %eq3A_104 = arith.cmpi eq, %select_n3A_102, %eq3A_103 : i32
        %eq3A_105 = arith.constant 0 : i32
        %eq3A_106 = arith.cmpi eq, %add3A_51, %eq3A_105 : i32
        %or3A = arith.ori %eq3A_104, %eq3A_106 : i1
        %convert_element_type3A_107 = arith.extui %or3A : i1 to i32
        %cond3A_108 = arith.constant 0 : i32
        %cond3A_109 = arith.cmpi ne, %convert_element_type3A_107, %cond3A_108 : i32
        scf.if %cond3A_109 {
          %add3A_165 = arith.constant 104 : i32
          %add3A_166 = arith.addi %add3A_165, %select_n3A_87 : i32
          %mul3A_167 = arith.constant 8 : i32
          %mul3A_168 = arith.muli %add3A_166, %mul3A_167 : i32
          "tpu.region"() ({
            %run_scoped3A = tpu.sem_alloc : memref<!tpu.dma_semaphore, #tpu.memory_space<semaphore_mem>>
            %dma_start3A_169 = arith.constant 0 : i32
            %dma_start3A_170 = tpu.memref_slice %arg3[%mul3A_168, %dma_start3A_169] : memref<2504x128xi32, #tpu.memory_space<hbm>> -> memref<8x128xi32, #tpu.memory_space<hbm>>
            %dma_start3A_171 = arith.constant 0 : i32
            %dma_start3A_172 = tpu.memref_slice %arg3[%mul3A_168, %dma_start3A_171] : memref<2504x128xi32, #tpu.memory_space<hbm>> -> memref<8x128xi32, #tpu.memory_space<hbm>>
            tpu.enqueue_dma source(%dma_start3A_172 : memref<8x128xi32, #tpu.memory_space<hbm>>) target(%arg6 : memref<8x128xi32, #tpu.memory_space<vmem>>) target_semaphore(%run_scoped3A : memref<!tpu.dma_semaphore, #tpu.memory_space<semaphore_mem>>)
            %dma_wait3A_173 = arith.constant 0 : i32
            %dma_wait3A_174 = tpu.memref_slice %arg3[%mul3A_168, %dma_wait3A_173] : memref<2504x128xi32, #tpu.memory_space<hbm>> -> memref<8x128xi32, #tpu.memory_space<hbm>>
            %dma_wait3A_175 = arith.constant 0 : i32
            %dma_wait3A_176 = tpu.memref_slice %arg3[%mul3A_168, %dma_wait3A_175] : memref<2504x128xi32, #tpu.memory_space<hbm>> -> memref<8x128xi32, #tpu.memory_space<hbm>>
            tpu.wait_dma2 semaphore(%run_scoped3A : memref<!tpu.dma_semaphore, #tpu.memory_space<semaphore_mem>>) src(%dma_wait3A_176 : memref<8x128xi32, #tpu.memory_space<hbm>>) dst(%arg6 : memref<8x128xi32, #tpu.memory_space<vmem>>)
            tpu.yield
          }) : () -> ()
        } else {
        }
        %dma_wait3A = arith.constant 0 : i32
        %dma_wait3A_110 = arith.constant 0 : i32
        %dma_wait3A_111 = tpu.memref_slice %arg2[%dma_wait3A, %dma_wait3A_110] : memref<106496x128xf32, #tpu.memory_space<hbm>> -> memref<256x128xf32, #tpu.memory_space<hbm>>
        %dma_wait3A_112 = arith.constant 0 : i32
        %dma_wait3A_113 = arith.constant 0 : i32
        %dma_wait3A_114 = tpu.memref_slice %arg2[%dma_wait3A_112, %dma_wait3A_113] : memref<106496x128xf32, #tpu.memory_space<hbm>> -> memref<256x128xf32, #tpu.memory_space<hbm>>
        tpu.wait_dma2 semaphore(%arg10 : memref<!tpu.dma_semaphore, #tpu.memory_space<semaphore_mem>>) src(%dma_wait3A_114 : memref<256x128xf32, #tpu.memory_space<hbm>>) dst(%arg7 : memref<256x128xf32, #tpu.memory_space<vmem>>)
        %add3A_115 = arith.constant 1 : i32
        %add3A_116 = arith.addi %add3A_51, %add3A_115 : i32
        %lt3A_117 = arith.cmpi slt, %add3A_116, %add3A_9 : i32
        %convert_element_type3A_118 = arith.extui %lt3A_117 : i1 to i32
        %cond3A_119 = arith.constant 0 : i32
        %cond3A_120 = arith.cmpi ne, %convert_element_type3A_118, %cond3A_119 : i32
        scf.if %cond3A_120 {
          %add3A_165 = arith.addi %add3A_6, %add3A_51 : i32
          %add3A_166 = arith.constant 1 : i32
          %add3A_167 = arith.addi %add3A_165, %add3A_166 : i32
          %mul3A_168 = arith.constant 256 : i32
          %mul3A_169 = arith.muli %add3A_167, %mul3A_168 : i32
          %dma_start3A_170 = arith.constant 0 : i32
          %dma_start3A_171 = tpu.memref_slice %arg2[%mul3A_169, %dma_start3A_170] : memref<106496x128xf32, #tpu.memory_space<hbm>> -> memref<256x128xf32, #tpu.memory_space<hbm>>
          %dma_start3A_172 = arith.constant 0 : i32
          %dma_start3A_173 = tpu.memref_slice %arg2[%mul3A_169, %dma_start3A_172] : memref<106496x128xf32, #tpu.memory_space<hbm>> -> memref<256x128xf32, #tpu.memory_space<hbm>>
          tpu.enqueue_dma source(%dma_start3A_173 : memref<256x128xf32, #tpu.memory_space<hbm>>) target(%arg8 : memref<256x128xf32, #tpu.memory_space<vmem>>) target_semaphore(%arg11 : memref<!tpu.dma_semaphore, #tpu.memory_space<semaphore_mem>>)
        } else {
        }
        %mul3A_121 = arith.constant 2 : i32
        %mul3A_122 = arith.muli %mul3A_121, %select_n3A_102 : i32
        %add3A_123 = arith.constant 0 : i32
        %add3A_124 = arith.addi %mul3A_122, %add3A_123 : i32
        %mul3A_125 = arith.constant 2 : i32
        %mul3A_126 = arith.muli %mul3A_125, %select_n3A_102 : i32
        %add3A_127 = arith.constant 1 : i32
        %add3A_128 = arith.addi %mul3A_126, %add3A_127 : i32
        %dma_start3A_129 = arith.constant 0 : i32
        %dma_start3A_130 = arith.constant 0 : i32
        %dma_start3A_131 = tpu.memref_slice %arg7[%dma_start3A_129, %dma_start3A_130] : memref<256x128xf32, #tpu.memory_space<vmem>> -> memref<128x128xf32, #tpu.memory_space<vmem>>
        %dma_start3A_132 = arith.constant 0 : i32
        %dma_start3A_133 = tpu.memref_slice %arg6[%add3A_124, %dma_start3A_132] : memref<8x128xi32, #tpu.memory_space<vmem>> -> memref<1x128xi32, #tpu.memory_space<vmem>>
        %dma_start3A_134 = tpu.memref_squeeze %dma_start3A_133 : memref<1x128xi32, #tpu.memory_space<vmem>> -> memref<128xi32, #tpu.memory_space<vmem>>
        %dma_start3A_135 = arith.constant 0 : i32
        %dma_start3A_136 = arith.constant 0 : i32
        %dma_start3A_137 = tpu.memref_slice %arg9[%dma_start3A_135, %dma_start3A_136] : memref<1024x128xf32, #tpu.memory_space<vmem_shared>> -> memref<1024x128xf32, #tpu.memory_space<vmem_shared>>
        tpu.enqueue_indirect_dma source(%dma_start3A_131 : memref<128x128xf32, #tpu.memory_space<vmem>>) target(%dma_start3A_137 : memref<1024x128xf32, #tpu.memory_space<vmem_shared>>) offsets(%dma_start3A_134 : memref<128xi32, #tpu.memory_space<vmem>>) semaphore(%arg10 : memref<!tpu.dma_semaphore, #tpu.memory_space<semaphore_mem>>) {add = true}
        %dma_start3A_138 = arith.constant 128 : i32
        %dma_start3A_139 = arith.constant 0 : i32
        %dma_start3A_140 = tpu.memref_slice %arg7[%dma_start3A_138, %dma_start3A_139] : memref<256x128xf32, #tpu.memory_space<vmem>> -> memref<128x128xf32, #tpu.memory_space<vmem>>
        %dma_start3A_141 = arith.constant 0 : i32
        %dma_start3A_142 = tpu.memref_slice %arg6[%add3A_128, %dma_start3A_141] : memref<8x128xi32, #tpu.memory_space<vmem>> -> memref<1x128xi32, #tpu.memory_space<vmem>>
        %dma_start3A_143 = tpu.memref_squeeze %dma_start3A_142 : memref<1x128xi32, #tpu.memory_space<vmem>> -> memref<128xi32, #tpu.memory_space<vmem>>
        %dma_start3A_144 = arith.constant 0 : i32
        %dma_start3A_145 = arith.constant 0 : i32
        %dma_start3A_146 = tpu.memref_slice %arg9[%dma_start3A_144, %dma_start3A_145] : memref<1024x128xf32, #tpu.memory_space<vmem_shared>> -> memref<1024x128xf32, #tpu.memory_space<vmem_shared>>
        tpu.enqueue_indirect_dma source(%dma_start3A_140 : memref<128x128xf32, #tpu.memory_space<vmem>>) target(%dma_start3A_146 : memref<1024x128xf32, #tpu.memory_space<vmem_shared>>) offsets(%dma_start3A_143 : memref<128xi32, #tpu.memory_space<vmem>>) semaphore(%arg10 : memref<!tpu.dma_semaphore, #tpu.memory_space<semaphore_mem>>) {add = true}
        %dma_wait3A_147 = arith.constant 0 : i32
        %dma_wait3A_148 = arith.constant 0 : i32
        %dma_wait3A_149 = tpu.memref_slice %arg7[%dma_wait3A_147, %dma_wait3A_148] : memref<256x128xf32, #tpu.memory_space<vmem>> -> memref<128x128xf32, #tpu.memory_space<vmem>>
        %dma_wait3A_150 = arith.constant 0 : i32
        %dma_wait3A_151 = tpu.memref_slice %arg6[%add3A_124, %dma_wait3A_150] : memref<8x128xi32, #tpu.memory_space<vmem>> -> memref<1x128xi32, #tpu.memory_space<vmem>>
        %dma_wait3A_152 = tpu.memref_squeeze %dma_wait3A_151 : memref<1x128xi32, #tpu.memory_space<vmem>> -> memref<128xi32, #tpu.memory_space<vmem>>
        %dma_wait3A_153 = arith.constant 0 : i32
        %dma_wait3A_154 = arith.constant 0 : i32
        %dma_wait3A_155 = tpu.memref_slice %arg9[%dma_wait3A_153, %dma_wait3A_154] : memref<1024x128xf32, #tpu.memory_space<vmem_shared>> -> memref<1024x128xf32, #tpu.memory_space<vmem_shared>>
        tpu.wait_indirect_dma semaphore(%arg10 : memref<!tpu.dma_semaphore, #tpu.memory_space<semaphore_mem>>) src(%dma_wait3A_149 : memref<128x128xf32, #tpu.memory_space<vmem>>) dst(%dma_wait3A_155 : memref<1024x128xf32, #tpu.memory_space<vmem_shared>>)
        %dma_wait3A_156 = arith.constant 128 : i32
        %dma_wait3A_157 = arith.constant 0 : i32
        %dma_wait3A_158 = tpu.memref_slice %arg7[%dma_wait3A_156, %dma_wait3A_157] : memref<256x128xf32, #tpu.memory_space<vmem>> -> memref<128x128xf32, #tpu.memory_space<vmem>>
        %dma_wait3A_159 = arith.constant 0 : i32
        %dma_wait3A_160 = tpu.memref_slice %arg6[%add3A_128, %dma_wait3A_159] : memref<8x128xi32, #tpu.memory_space<vmem>> -> memref<1x128xi32, #tpu.memory_space<vmem>>
        %dma_wait3A_161 = tpu.memref_squeeze %dma_wait3A_160 : memref<1x128xi32, #tpu.memory_space<vmem>> -> memref<128xi32, #tpu.memory_space<vmem>>
        %dma_wait3A_162 = arith.constant 0 : i32
        %dma_wait3A_163 = arith.constant 0 : i32
        %dma_wait3A_164 = tpu.memref_slice %arg9[%dma_wait3A_162, %dma_wait3A_163] : memref<1024x128xf32, #tpu.memory_space<vmem_shared>> -> memref<1024x128xf32, #tpu.memory_space<vmem_shared>>
        tpu.wait_indirect_dma semaphore(%arg10 : memref<!tpu.dma_semaphore, #tpu.memory_space<semaphore_mem>>) src(%dma_wait3A_158 : memref<128x128xf32, #tpu.memory_space<vmem>>) dst(%dma_wait3A_164 : memref<1024x128xf32, #tpu.memory_space<vmem_shared>>)
      } else {
      }
      %mul3A_55 = arith.constant 2 : i32
      %mul3A_56 = arith.muli %mul3A_55, %while3A_47 : i32
      %add3A_57 = arith.constant 1 : i32
      %add3A_58 = arith.addi %mul3A_56, %add3A_57 : i32
      %lt3A_59 = arith.cmpi slt, %add3A_58, %add3A_9 : i32
      %convert_element_type3A_60 = arith.extui %lt3A_59 : i1 to i32
      %cond3A_61 = arith.constant 0 : i32
      %cond3A_62 = arith.cmpi ne, %convert_element_type3A_60, %cond3A_61 : i32
      scf.if %cond3A_62 {
        %add3A_63 = arith.addi %add3A_6, %add3A_58 : i32
        %jit3A_64 = arith.constant 4 : i32
        %div3A_65 = arith.divsi %add3A_63, %jit3A_64 : i32
        %sign3A_66 = arith.constant 0 : i32
        %sign3A_67 = arith.cmpi sgt, %add3A_63, %sign3A_66 : i32
        %sign3A_68 = arith.extui %sign3A_67 : i1 to i32
        %sign3A_69 = arith.constant 0 : i32
        %sign3A_70 = arith.cmpi slt, %add3A_63, %sign3A_69 : i32
        %sign3A_71 = arith.extui %sign3A_70 : i1 to i32
        %sign3A_72 = arith.subi %sign3A_68, %sign3A_71 : i32
        %sign3A_73 = arith.constant 0 : i32
        %sign3A_74 = arith.cmpi sgt, %jit3A_64, %sign3A_73 : i32
        %sign3A_75 = arith.extui %sign3A_74 : i1 to i32
        %sign3A_76 = arith.constant 0 : i32
        %sign3A_77 = arith.cmpi slt, %jit3A_64, %sign3A_76 : i32
        %sign3A_78 = arith.extui %sign3A_77 : i1 to i32
        %sign3A_79 = arith.subi %sign3A_75, %sign3A_78 : i32
        %ne3A_80 = arith.cmpi ne, %sign3A_72, %sign3A_79 : i32
        %rem3A_81 = arith.remsi %add3A_63, %jit3A_64 : i32
        %ne3A_82 = arith.constant 0 : i32
        %ne3A_83 = arith.cmpi ne, %rem3A_81, %ne3A_82 : i32
        %and3A_84 = arith.andi %ne3A_80, %ne3A_83 : i1
        %sub3A_85 = arith.constant 1 : i32
        %sub3A_86 = arith.subi %div3A_65, %sub3A_85 : i32
        %select_n3A_87 = arith.select %and3A_84, %sub3A_86, %div3A_65 : i32
        %jit3A_88 = arith.constant 4 : i32
        %eq3A = arith.constant 0 : i32
        %eq3A_89 = arith.cmpi eq, %jit3A_88, %eq3A : i32
        %jit3A_90 = arith.constant 1 : i32
        %select_n3A_91 = arith.select %eq3A_89, %jit3A_90, %jit3A_88 : i32
        %rem3A_92 = arith.remsi %add3A_63, %select_n3A_91 : i32
        %ne3A_93 = arith.constant 0 : i32
        %ne3A_94 = arith.cmpi ne, %rem3A_92, %ne3A_93 : i32
        %lt3A_95 = arith.constant 0 : i32
        %lt3A_96 = arith.cmpi slt, %rem3A_92, %lt3A_95 : i32
        %lt3A_97 = arith.constant 0 : i32
        %lt3A_98 = arith.cmpi slt, %select_n3A_91, %lt3A_97 : i32
        %ne3A_99 = arith.xori %lt3A_96, %lt3A_98 : i1
        %and3A_100 = arith.andi %ne3A_99, %ne3A_94 : i1
        %add3A_101 = arith.addi %rem3A_92, %select_n3A_91 : i32
        %select_n3A_102 = arith.select %and3A_100, %add3A_101, %rem3A_92 : i32
        %eq3A_103 = arith.constant 0 : i32
        %eq3A_104 = arith.cmpi eq, %select_n3A_102, %eq3A_103 : i32
        %eq3A_105 = arith.constant 0 : i32
        %eq3A_106 = arith.cmpi eq, %add3A_58, %eq3A_105 : i32
        %or3A = arith.ori %eq3A_104, %eq3A_106 : i1
        %convert_element_type3A_107 = arith.extui %or3A : i1 to i32
        %cond3A_108 = arith.constant 0 : i32
        %cond3A_109 = arith.cmpi ne, %convert_element_type3A_107, %cond3A_108 : i32
        scf.if %cond3A_109 {
          %add3A_165 = arith.constant 104 : i32
          %add3A_166 = arith.addi %add3A_165, %select_n3A_87 : i32
          %mul3A_167 = arith.constant 8 : i32
          %mul3A_168 = arith.muli %add3A_166, %mul3A_167 : i32
          "tpu.region"() ({
            %run_scoped3A = tpu.sem_alloc : memref<!tpu.dma_semaphore, #tpu.memory_space<semaphore_mem>>
            %dma_start3A_169 = arith.constant 0 : i32
            %dma_start3A_170 = tpu.memref_slice %arg3[%mul3A_168, %dma_start3A_169] : memref<2504x128xi32, #tpu.memory_space<hbm>> -> memref<8x128xi32, #tpu.memory_space<hbm>>
            %dma_start3A_171 = arith.constant 0 : i32
            %dma_start3A_172 = tpu.memref_slice %arg3[%mul3A_168, %dma_start3A_171] : memref<2504x128xi32, #tpu.memory_space<hbm>> -> memref<8x128xi32, #tpu.memory_space<hbm>>
            tpu.enqueue_dma source(%dma_start3A_172 : memref<8x128xi32, #tpu.memory_space<hbm>>) target(%arg6 : memref<8x128xi32, #tpu.memory_space<vmem>>) target_semaphore(%run_scoped3A : memref<!tpu.dma_semaphore, #tpu.memory_space<semaphore_mem>>)
            %dma_wait3A_173 = arith.constant 0 : i32
            %dma_wait3A_174 = tpu.memref_slice %arg3[%mul3A_168, %dma_wait3A_173] : memref<2504x128xi32, #tpu.memory_space<hbm>> -> memref<8x128xi32, #tpu.memory_space<hbm>>
            %dma_wait3A_175 = arith.constant 0 : i32
            %dma_wait3A_176 = tpu.memref_slice %arg3[%mul3A_168, %dma_wait3A_175] : memref<2504x128xi32, #tpu.memory_space<hbm>> -> memref<8x128xi32, #tpu.memory_space<hbm>>
            tpu.wait_dma2 semaphore(%run_scoped3A : memref<!tpu.dma_semaphore, #tpu.memory_space<semaphore_mem>>) src(%dma_wait3A_176 : memref<8x128xi32, #tpu.memory_space<hbm>>) dst(%arg6 : memref<8x128xi32, #tpu.memory_space<vmem>>)
            tpu.yield
          }) : () -> ()
        } else {
        }
        %dma_wait3A = arith.constant 0 : i32
        %dma_wait3A_110 = arith.constant 0 : i32
        %dma_wait3A_111 = tpu.memref_slice %arg2[%dma_wait3A, %dma_wait3A_110] : memref<106496x128xf32, #tpu.memory_space<hbm>> -> memref<256x128xf32, #tpu.memory_space<hbm>>
        %dma_wait3A_112 = arith.constant 0 : i32
        %dma_wait3A_113 = arith.constant 0 : i32
        %dma_wait3A_114 = tpu.memref_slice %arg2[%dma_wait3A_112, %dma_wait3A_113] : memref<106496x128xf32, #tpu.memory_space<hbm>> -> memref<256x128xf32, #tpu.memory_space<hbm>>
        tpu.wait_dma2 semaphore(%arg11 : memref<!tpu.dma_semaphore, #tpu.memory_space<semaphore_mem>>) src(%dma_wait3A_114 : memref<256x128xf32, #tpu.memory_space<hbm>>) dst(%arg8 : memref<256x128xf32, #tpu.memory_space<vmem>>)
        %add3A_115 = arith.constant 1 : i32
        %add3A_116 = arith.addi %add3A_58, %add3A_115 : i32
        %lt3A_117 = arith.cmpi slt, %add3A_116, %add3A_9 : i32
        %convert_element_type3A_118 = arith.extui %lt3A_117 : i1 to i32
        %cond3A_119 = arith.constant 0 : i32
        %cond3A_120 = arith.cmpi ne, %convert_element_type3A_118, %cond3A_119 : i32
        scf.if %cond3A_120 {
          %add3A_165 = arith.addi %add3A_6, %add3A_58 : i32
          %add3A_166 = arith.constant 1 : i32
          %add3A_167 = arith.addi %add3A_165, %add3A_166 : i32
          %mul3A_168 = arith.constant 256 : i32
          %mul3A_169 = arith.muli %add3A_167, %mul3A_168 : i32
          %dma_start3A_170 = arith.constant 0 : i32
          %dma_start3A_171 = tpu.memref_slice %arg2[%mul3A_169, %dma_start3A_170] : memref<106496x128xf32, #tpu.memory_space<hbm>> -> memref<256x128xf32, #tpu.memory_space<hbm>>
          %dma_start3A_172 = arith.constant 0 : i32
          %dma_start3A_173 = tpu.memref_slice %arg2[%mul3A_169, %dma_start3A_172] : memref<106496x128xf32, #tpu.memory_space<hbm>> -> memref<256x128xf32, #tpu.memory_space<hbm>>
          tpu.enqueue_dma source(%dma_start3A_173 : memref<256x128xf32, #tpu.memory_space<hbm>>) target(%arg7 : memref<256x128xf32, #tpu.memory_space<vmem>>) target_semaphore(%arg10 : memref<!tpu.dma_semaphore, #tpu.memory_space<semaphore_mem>>)
        } else {
        }
        %mul3A_121 = arith.constant 2 : i32
        %mul3A_122 = arith.muli %mul3A_121, %select_n3A_102 : i32
        %add3A_123 = arith.constant 0 : i32
        %add3A_124 = arith.addi %mul3A_122, %add3A_123 : i32
        %mul3A_125 = arith.constant 2 : i32
        %mul3A_126 = arith.muli %mul3A_125, %select_n3A_102 : i32
        %add3A_127 = arith.constant 1 : i32
        %add3A_128 = arith.addi %mul3A_126, %add3A_127 : i32
        %dma_start3A_129 = arith.constant 0 : i32
        %dma_start3A_130 = arith.constant 0 : i32
        %dma_start3A_131 = tpu.memref_slice %arg8[%dma_start3A_129, %dma_start3A_130] : memref<256x128xf32, #tpu.memory_space<vmem>> -> memref<128x128xf32, #tpu.memory_space<vmem>>
        %dma_start3A_132 = arith.constant 0 : i32
        %dma_start3A_133 = tpu.memref_slice %arg6[%add3A_124, %dma_start3A_132] : memref<8x128xi32, #tpu.memory_space<vmem>> -> memref<1x128xi32, #tpu.memory_space<vmem>>
        %dma_start3A_134 = tpu.memref_squeeze %dma_start3A_133 : memref<1x128xi32, #tpu.memory_space<vmem>> -> memref<128xi32, #tpu.memory_space<vmem>>
        %dma_start3A_135 = arith.constant 0 : i32
        %dma_start3A_136 = arith.constant 0 : i32
        %dma_start3A_137 = tpu.memref_slice %arg9[%dma_start3A_135, %dma_start3A_136] : memref<1024x128xf32, #tpu.memory_space<vmem_shared>> -> memref<1024x128xf32, #tpu.memory_space<vmem_shared>>
        tpu.enqueue_indirect_dma source(%dma_start3A_131 : memref<128x128xf32, #tpu.memory_space<vmem>>) target(%dma_start3A_137 : memref<1024x128xf32, #tpu.memory_space<vmem_shared>>) offsets(%dma_start3A_134 : memref<128xi32, #tpu.memory_space<vmem>>) semaphore(%arg11 : memref<!tpu.dma_semaphore, #tpu.memory_space<semaphore_mem>>) {add = true}
        %dma_start3A_138 = arith.constant 128 : i32
        %dma_start3A_139 = arith.constant 0 : i32
        %dma_start3A_140 = tpu.memref_slice %arg8[%dma_start3A_138, %dma_start3A_139] : memref<256x128xf32, #tpu.memory_space<vmem>> -> memref<128x128xf32, #tpu.memory_space<vmem>>
        %dma_start3A_141 = arith.constant 0 : i32
        %dma_start3A_142 = tpu.memref_slice %arg6[%add3A_128, %dma_start3A_141] : memref<8x128xi32, #tpu.memory_space<vmem>> -> memref<1x128xi32, #tpu.memory_space<vmem>>
        %dma_start3A_143 = tpu.memref_squeeze %dma_start3A_142 : memref<1x128xi32, #tpu.memory_space<vmem>> -> memref<128xi32, #tpu.memory_space<vmem>>
        %dma_start3A_144 = arith.constant 0 : i32
        %dma_start3A_145 = arith.constant 0 : i32
        %dma_start3A_146 = tpu.memref_slice %arg9[%dma_start3A_144, %dma_start3A_145] : memref<1024x128xf32, #tpu.memory_space<vmem_shared>> -> memref<1024x128xf32, #tpu.memory_space<vmem_shared>>
        tpu.enqueue_indirect_dma source(%dma_start3A_140 : memref<128x128xf32, #tpu.memory_space<vmem>>) target(%dma_start3A_146 : memref<1024x128xf32, #tpu.memory_space<vmem_shared>>) offsets(%dma_start3A_143 : memref<128xi32, #tpu.memory_space<vmem>>) semaphore(%arg11 : memref<!tpu.dma_semaphore, #tpu.memory_space<semaphore_mem>>) {add = true}
        %dma_wait3A_147 = arith.constant 0 : i32
        %dma_wait3A_148 = arith.constant 0 : i32
        %dma_wait3A_149 = tpu.memref_slice %arg8[%dma_wait3A_147, %dma_wait3A_148] : memref<256x128xf32, #tpu.memory_space<vmem>> -> memref<128x128xf32, #tpu.memory_space<vmem>>
        %dma_wait3A_150 = arith.constant 0 : i32
        %dma_wait3A_151 = tpu.memref_slice %arg6[%add3A_124, %dma_wait3A_150] : memref<8x128xi32, #tpu.memory_space<vmem>> -> memref<1x128xi32, #tpu.memory_space<vmem>>
        %dma_wait3A_152 = tpu.memref_squeeze %dma_wait3A_151 : memref<1x128xi32, #tpu.memory_space<vmem>> -> memref<128xi32, #tpu.memory_space<vmem>>
        %dma_wait3A_153 = arith.constant 0 : i32
        %dma_wait3A_154 = arith.constant 0 : i32
        %dma_wait3A_155 = tpu.memref_slice %arg9[%dma_wait3A_153, %dma_wait3A_154] : memref<1024x128xf32, #tpu.memory_space<vmem_shared>> -> memref<1024x128xf32, #tpu.memory_space<vmem_shared>>
        tpu.wait_indirect_dma semaphore(%arg11 : memref<!tpu.dma_semaphore, #tpu.memory_space<semaphore_mem>>) src(%dma_wait3A_149 : memref<128x128xf32, #tpu.memory_space<vmem>>) dst(%dma_wait3A_155 : memref<1024x128xf32, #tpu.memory_space<vmem_shared>>)
        %dma_wait3A_156 = arith.constant 128 : i32
        %dma_wait3A_157 = arith.constant 0 : i32
        %dma_wait3A_158 = tpu.memref_slice %arg8[%dma_wait3A_156, %dma_wait3A_157] : memref<256x128xf32, #tpu.memory_space<vmem>> -> memref<128x128xf32, #tpu.memory_space<vmem>>
        %dma_wait3A_159 = arith.constant 0 : i32
        %dma_wait3A_160 = tpu.memref_slice %arg6[%add3A_128, %dma_wait3A_159] : memref<8x128xi32, #tpu.memory_space<vmem>> -> memref<1x128xi32, #tpu.memory_space<vmem>>
        %dma_wait3A_161 = tpu.memref_squeeze %dma_wait3A_160 : memref<1x128xi32, #tpu.memory_space<vmem>> -> memref<128xi32, #tpu.memory_space<vmem>>
        %dma_wait3A_162 = arith.constant 0 : i32
        %dma_wait3A_163 = arith.constant 0 : i32
        %dma_wait3A_164 = tpu.memref_slice %arg9[%dma_wait3A_162, %dma_wait3A_163] : memref<1024x128xf32, #tpu.memory_space<vmem_shared>> -> memref<1024x128xf32, #tpu.memory_space<vmem_shared>>
        tpu.wait_indirect_dma semaphore(%arg11 : memref<!tpu.dma_semaphore, #tpu.memory_space<semaphore_mem>>) src(%dma_wait3A_158 : memref<128x128xf32, #tpu.memory_space<vmem>>) dst(%dma_wait3A_164 : memref<1024x128xf32, #tpu.memory_space<vmem_shared>>)
      } else {
      }
    }
    %barrier3A_42 = arith.constant 0 : index
    tpu.barrier barrier_id(%barrier3A_42)
    %mul3A_43 = arith.constant 64 : i32
    %mul3A_44 = arith.muli %arg1, %mul3A_43 : i32
    %mul3A_45 = arith.constant 64 : i32
    %mul3A_46 = arith.muli %arg1, %mul3A_45 : i32
    "tpu.region"() ({
      %run_scoped3A = tpu.sem_alloc : memref<!tpu.dma_semaphore, #tpu.memory_space<semaphore_mem>>
      %dma_start3A_47 = arith.constant 0 : i32
      %dma_start3A_48 = arith.constant 0 : i32
      %dma_start3A_49 = tpu.memref_slice %arg5[%arg0, %dma_start3A_47, %dma_start3A_48] : memref<2x1024x128xf32, #tpu.memory_space<hbm>> -> memref<1x1024x128xf32, #tpu.memory_space<hbm>>
      %dma_start3A_50 = tpu.memref_squeeze %dma_start3A_49 : memref<1x1024x128xf32, #tpu.memory_space<hbm>> -> memref<1024x128xf32, #tpu.memory_space<hbm>>
      %dma_start3A_51 = arith.constant 0 : i32
      %dma_start3A_52 = tpu.memref_slice %dma_start3A_50[%mul3A_46, %dma_start3A_51] : memref<1024x128xf32, #tpu.memory_space<hbm>> -> memref<64x128xf32, #tpu.memory_space<hbm>>
      %dma_start3A_53 = arith.constant 0 : i32
      %dma_start3A_54 = tpu.memref_slice %arg9[%mul3A_44, %dma_start3A_53] : memref<1024x128xf32, #tpu.memory_space<vmem_shared>> -> memref<64x128xf32, #tpu.memory_space<vmem_shared>>
      tpu.enqueue_dma source(%dma_start3A_54 : memref<64x128xf32, #tpu.memory_space<vmem_shared>>) target(%dma_start3A_52 : memref<64x128xf32, #tpu.memory_space<hbm>>) target_semaphore(%run_scoped3A : memref<!tpu.dma_semaphore, #tpu.memory_space<semaphore_mem>>)
      %dma_wait3A = arith.constant 0 : i32
      %dma_wait3A_55 = arith.constant 0 : i32
      %dma_wait3A_56 = tpu.memref_slice %arg5[%arg0, %dma_wait3A, %dma_wait3A_55] : memref<2x1024x128xf32, #tpu.memory_space<hbm>> -> memref<1x1024x128xf32, #tpu.memory_space<hbm>>
      %dma_wait3A_57 = tpu.memref_squeeze %dma_wait3A_56 : memref<1x1024x128xf32, #tpu.memory_space<hbm>> -> memref<1024x128xf32, #tpu.memory_space<hbm>>
      %dma_wait3A_58 = arith.constant 0 : i32
      %dma_wait3A_59 = tpu.memref_slice %dma_wait3A_57[%mul3A_46, %dma_wait3A_58] : memref<1024x128xf32, #tpu.memory_space<hbm>> -> memref<64x128xf32, #tpu.memory_space<hbm>>
      %dma_wait3A_60 = arith.constant 0 : i32
      %dma_wait3A_61 = tpu.memref_slice %arg9[%mul3A_44, %dma_wait3A_60] : memref<1024x128xf32, #tpu.memory_space<vmem_shared>> -> memref<64x128xf32, #tpu.memory_space<vmem_shared>>
      tpu.wait_dma2 semaphore(%run_scoped3A : memref<!tpu.dma_semaphore, #tpu.memory_space<semaphore_mem>>) src(%dma_wait3A_61 : memref<64x128xf32, #tpu.memory_space<vmem_shared>>) dst(%dma_wait3A_59 : memref<64x128xf32, #tpu.memory_space<hbm>>)
      tpu.yield
    }) : () -> ()
    return
  }
}

#map = affine_map<(d0, d1) -> (0, 0)>
#map1 = affine_map<(d0, d1) -> (0, 0, 0)>
module attributes {stable_mosaic.version = 14 : i64} {
  func.func @body(%arg0: i32, %arg1: i32, %arg2: memref<106496x128xf32, #tpu.memory_space<hbm>>, %arg3: memref<512x128xf32, #tpu.memory_space<hbm>>, %arg4: memref<2504x128xi32, #tpu.memory_space<hbm>>, %arg5: memref<64x128xf32, #tpu.memory_space<hbm>>, %arg6: memref<2x1024x128xf32, #tpu.memory_space<hbm>>, %arg7: memref<8x128xi32, #tpu.memory_space<vmem>>, %arg8: memref<256x128xf32, #tpu.memory_space<vmem>>, %arg9: memref<256x128xf32, #tpu.memory_space<vmem>>, %arg10: memref<1024x128xf32, #tpu.memory_space<vmem_shared>>, %arg11: memref<!tpu.dma_semaphore, #tpu.memory_space<semaphore_mem>>, %arg12: memref<!tpu.dma_semaphore, #tpu.memory_space<semaphore_mem>>) attributes {dimension_semantics = [#tpu.dimension_semantics<core_parallel>, #tpu.dimension_semantics<subcore_parallel>], iteration_bounds = array<i64: 2, 16>, scalar_prefetch = 0 : i64, scratch_operands = 6 : i64, tpu.core_type = #tpu.core_type<sc_vector_subcore>, window_params = [{transform_indices = #map}, {transform_indices = #map}, {transform_indices = #map}, {transform_indices = #map}, {transform_indices = #map1}]} {
    %mul3A = arith.constant 2 : i32
    %mul3A_0 = arith.muli %arg1, %mul3A : i32
    %add3A = arith.addi %mul3A_0, %arg0 : i32
    %mul3A_1 = arith.constant 64 : i32
    %mul3A_2 = arith.muli %arg1, %mul3A_1 : i32
    "tpu.region"() ({
      %run_scoped3A = tpu.sem_alloc : memref<!tpu.dma_semaphore, #tpu.memory_space<semaphore_mem>>
      %dma_start3A_50 = arith.constant 0 : i32
      %dma_start3A_51 = tpu.memref_slice %arg10[%mul3A_2, %dma_start3A_50] : memref<1024x128xf32, #tpu.memory_space<vmem_shared>> -> memref<64x128xf32, #tpu.memory_space<vmem_shared>>
      tpu.enqueue_dma source(%arg5 : memref<64x128xf32, #tpu.memory_space<hbm>>) target(%dma_start3A_51 : memref<64x128xf32, #tpu.memory_space<vmem_shared>>) target_semaphore(%run_scoped3A : memref<!tpu.dma_semaphore, #tpu.memory_space<semaphore_mem>>)
      %dma_wait3A = arith.constant 0 : i32
      %dma_wait3A_52 = tpu.memref_slice %arg10[%mul3A_2, %dma_wait3A] : memref<1024x128xf32, #tpu.memory_space<vmem_shared>> -> memref<64x128xf32, #tpu.memory_space<vmem_shared>>
      tpu.wait_dma2 semaphore(%run_scoped3A : memref<!tpu.dma_semaphore, #tpu.memory_space<semaphore_mem>>) src(%arg5 : memref<64x128xf32, #tpu.memory_space<hbm>>) dst(%dma_wait3A_52 : memref<64x128xf32, #tpu.memory_space<vmem_shared>>)
      tpu.yield
    }) : () -> ()
    %barrier3A = arith.constant 0 : index
    tpu.barrier barrier_id(%barrier3A)
    %mul3A_3 = arith.constant 13 : i32
    %mul3A_4 = arith.muli %add3A, %mul3A_3 : i32
    %min3A = arith.constant 0 : i32
    %min3A_5 = arith.minsi %add3A, %min3A : i32
    %add3A_6 = arith.addi %mul3A_4, %min3A_5 : i32
    %lt3A = arith.constant 0 : i32
    %lt3A_7 = arith.cmpi slt, %add3A, %lt3A : i32
    %convert_element_type3A = arith.extui %lt3A_7 : i1 to i32
    %add3A_8 = arith.constant 13 : i32
    %add3A_9 = arith.addi %add3A_8, %convert_element_type3A : i32
    %mul3A_10 = arith.constant 256 : i32
    %mul3A_11 = arith.muli %add3A_6, %mul3A_10 : i32
    %dma_start3A = arith.constant 0 : i32
    %dma_start3A_12 = tpu.memref_slice %arg2[%mul3A_11, %dma_start3A] : memref<106496x128xf32, #tpu.memory_space<hbm>> -> memref<256x128xf32, #tpu.memory_space<hbm>>
    %dma_start3A_13 = arith.constant 0 : i32
    %dma_start3A_14 = tpu.memref_slice %arg2[%mul3A_11, %dma_start3A_13] : memref<106496x128xf32, #tpu.memory_space<hbm>> -> memref<256x128xf32, #tpu.memory_space<hbm>>
    tpu.enqueue_dma source(%dma_start3A_14 : memref<256x128xf32, #tpu.memory_space<hbm>>) target(%arg8 : memref<256x128xf32, #tpu.memory_space<vmem>>) target_semaphore(%arg11 : memref<!tpu.dma_semaphore, #tpu.memory_space<semaphore_mem>>)
    %add3A_15 = arith.constant 1 : i32
    %add3A_16 = arith.addi %add3A_9, %add3A_15 : i32
    %jit3A = arith.constant 2 : i32
    %div3A = arith.divsi %add3A_16, %jit3A : i32
    %sign3A = arith.constant 0 : i32
    %sign3A_17 = arith.cmpi sgt, %add3A_16, %sign3A : i32
    %sign3A_18 = arith.extui %sign3A_17 : i1 to i32
    %sign3A_19 = arith.constant 0 : i32
    %sign3A_20 = arith.cmpi slt, %add3A_16, %sign3A_19 : i32
    %sign3A_21 = arith.extui %sign3A_20 : i1 to i32
    %sign3A_22 = arith.subi %sign3A_18, %sign3A_21 : i32
    %sign3A_23 = arith.constant 0 : i32
    %sign3A_24 = arith.cmpi sgt, %jit3A, %sign3A_23 : i32
    %sign3A_25 = arith.extui %sign3A_24 : i1 to i32
    %sign3A_26 = arith.constant 0 : i32
    %sign3A_27 = arith.cmpi slt, %jit3A, %sign3A_26 : i32
    %sign3A_28 = arith.extui %sign3A_27 : i1 to i32
    %sign3A_29 = arith.subi %sign3A_25, %sign3A_28 : i32
    %ne3A = arith.cmpi ne, %sign3A_22, %sign3A_29 : i32
    %rem3A = arith.remsi %add3A_16, %jit3A : i32
    %ne3A_30 = arith.constant 0 : i32
    %ne3A_31 = arith.cmpi ne, %rem3A, %ne3A_30 : i32
    %and3A = arith.andi %ne3A, %ne3A_31 : i1
    %sub3A = arith.constant 1 : i32
    %sub3A_32 = arith.subi %div3A, %sub3A : i32
    %select_n3A = arith.select %and3A, %sub3A_32, %div3A : i32
    %while3A = arith.constant 0 : i32
    %while3A_33 = arith.constant 0 : i32
    %while3A_34 = arith.subi %select_n3A, %while3A_33 : i32
    %while3A_35 = arith.addi %while3A_33, %while3A_34 : i32
    %while3A_36 = arith.constant 1 : i32
    %while3A_37 = arith.divsi %while3A_34, %while3A_36 : i32
    %while3A_38 = arith.muli %while3A_37, %while3A_36 : i32
    %while3A_39 = arith.addi %while3A_33, %while3A_38 : i32
    %while3A_40 = arith.constant 1 : i32
    scf.for %while3A_50 = %while3A_33 to %while3A_39 step %while3A_40  : i32 {
      %mul3A_51 = arith.constant 2 : i32
      %mul3A_52 = arith.muli %mul3A_51, %while3A_50 : i32
      %add3A_53 = arith.constant 0 : i32
      %add3A_54 = arith.addi %mul3A_52, %add3A_53 : i32
      %lt3A_55 = arith.cmpi slt, %add3A_54, %add3A_9 : i32
      %convert_element_type3A_56 = arith.extui %lt3A_55 : i1 to i32
      %cond3A_57 = arith.constant 0 : i32
      %cond3A_58 = arith.cmpi ne, %convert_element_type3A_56, %cond3A_57 : i32
      scf.if %cond3A_58 {
        %add3A_67 = arith.addi %add3A_6, %add3A_54 : i32
        %jit3A_68 = arith.constant 4 : i32
        %div3A_69 = arith.divsi %add3A_67, %jit3A_68 : i32
        %sign3A_70 = arith.constant 0 : i32
        %sign3A_71 = arith.cmpi sgt, %add3A_67, %sign3A_70 : i32
        %sign3A_72 = arith.extui %sign3A_71 : i1 to i32
        %sign3A_73 = arith.constant 0 : i32
        %sign3A_74 = arith.cmpi slt, %add3A_67, %sign3A_73 : i32
        %sign3A_75 = arith.extui %sign3A_74 : i1 to i32
        %sign3A_76 = arith.subi %sign3A_72, %sign3A_75 : i32
        %sign3A_77 = arith.constant 0 : i32
        %sign3A_78 = arith.cmpi sgt, %jit3A_68, %sign3A_77 : i32
        %sign3A_79 = arith.extui %sign3A_78 : i1 to i32
        %sign3A_80 = arith.constant 0 : i32
        %sign3A_81 = arith.cmpi slt, %jit3A_68, %sign3A_80 : i32
        %sign3A_82 = arith.extui %sign3A_81 : i1 to i32
        %sign3A_83 = arith.subi %sign3A_79, %sign3A_82 : i32
        %ne3A_84 = arith.cmpi ne, %sign3A_76, %sign3A_83 : i32
        %rem3A_85 = arith.remsi %add3A_67, %jit3A_68 : i32
        %ne3A_86 = arith.constant 0 : i32
        %ne3A_87 = arith.cmpi ne, %rem3A_85, %ne3A_86 : i32
        %and3A_88 = arith.andi %ne3A_84, %ne3A_87 : i1
        %sub3A_89 = arith.constant 1 : i32
        %sub3A_90 = arith.subi %div3A_69, %sub3A_89 : i32
        %select_n3A_91 = arith.select %and3A_88, %sub3A_90, %div3A_69 : i32
        %jit3A_92 = arith.constant 4 : i32
        %eq3A_93 = arith.constant 0 : i32
        %eq3A_94 = arith.cmpi eq, %jit3A_92, %eq3A_93 : i32
        %jit3A_95 = arith.constant 1 : i32
        %select_n3A_96 = arith.select %eq3A_94, %jit3A_95, %jit3A_92 : i32
        %rem3A_97 = arith.remsi %add3A_67, %select_n3A_96 : i32
        %ne3A_98 = arith.constant 0 : i32
        %ne3A_99 = arith.cmpi ne, %rem3A_97, %ne3A_98 : i32
        %lt3A_100 = arith.constant 0 : i32
        %lt3A_101 = arith.cmpi slt, %rem3A_97, %lt3A_100 : i32
        %lt3A_102 = arith.constant 0 : i32
        %lt3A_103 = arith.cmpi slt, %select_n3A_96, %lt3A_102 : i32
        %ne3A_104 = arith.xori %lt3A_101, %lt3A_103 : i1
        %and3A_105 = arith.andi %ne3A_104, %ne3A_99 : i1
        %add3A_106 = arith.addi %rem3A_97, %select_n3A_96 : i32
        %select_n3A_107 = arith.select %and3A_105, %add3A_106, %rem3A_97 : i32
        %eq3A_108 = arith.constant 0 : i32
        %eq3A_109 = arith.cmpi eq, %select_n3A_107, %eq3A_108 : i32
        %eq3A_110 = arith.constant 0 : i32
        %eq3A_111 = arith.cmpi eq, %add3A_54, %eq3A_110 : i32
        %or3A = arith.ori %eq3A_109, %eq3A_111 : i1
        %convert_element_type3A_112 = arith.extui %or3A : i1 to i32
        %cond3A_113 = arith.constant 0 : i32
        %cond3A_114 = arith.cmpi ne, %convert_element_type3A_112, %cond3A_113 : i32
        scf.if %cond3A_114 {
          %add3A_170 = arith.constant 208 : i32
          %add3A_171 = arith.addi %add3A_170, %select_n3A_91 : i32
          %mul3A_172 = arith.constant 8 : i32
          %mul3A_173 = arith.muli %add3A_171, %mul3A_172 : i32
          "tpu.region"() ({
            %run_scoped3A = tpu.sem_alloc : memref<!tpu.dma_semaphore, #tpu.memory_space<semaphore_mem>>
            %dma_start3A_174 = arith.constant 0 : i32
            %dma_start3A_175 = tpu.memref_slice %arg4[%mul3A_173, %dma_start3A_174] : memref<2504x128xi32, #tpu.memory_space<hbm>> -> memref<8x128xi32, #tpu.memory_space<hbm>>
            %dma_start3A_176 = arith.constant 0 : i32
            %dma_start3A_177 = tpu.memref_slice %arg4[%mul3A_173, %dma_start3A_176] : memref<2504x128xi32, #tpu.memory_space<hbm>> -> memref<8x128xi32, #tpu.memory_space<hbm>>
            tpu.enqueue_dma source(%dma_start3A_177 : memref<8x128xi32, #tpu.memory_space<hbm>>) target(%arg7 : memref<8x128xi32, #tpu.memory_space<vmem>>) target_semaphore(%run_scoped3A : memref<!tpu.dma_semaphore, #tpu.memory_space<semaphore_mem>>)
            %dma_wait3A_178 = arith.constant 0 : i32
            %dma_wait3A_179 = tpu.memref_slice %arg4[%mul3A_173, %dma_wait3A_178] : memref<2504x128xi32, #tpu.memory_space<hbm>> -> memref<8x128xi32, #tpu.memory_space<hbm>>
            %dma_wait3A_180 = arith.constant 0 : i32
            %dma_wait3A_181 = tpu.memref_slice %arg4[%mul3A_173, %dma_wait3A_180] : memref<2504x128xi32, #tpu.memory_space<hbm>> -> memref<8x128xi32, #tpu.memory_space<hbm>>
            tpu.wait_dma2 semaphore(%run_scoped3A : memref<!tpu.dma_semaphore, #tpu.memory_space<semaphore_mem>>) src(%dma_wait3A_181 : memref<8x128xi32, #tpu.memory_space<hbm>>) dst(%arg7 : memref<8x128xi32, #tpu.memory_space<vmem>>)
            tpu.yield
          }) : () -> ()
        } else {
        }
        %dma_wait3A = arith.constant 0 : i32
        %dma_wait3A_115 = arith.constant 0 : i32
        %dma_wait3A_116 = tpu.memref_slice %arg2[%dma_wait3A, %dma_wait3A_115] : memref<106496x128xf32, #tpu.memory_space<hbm>> -> memref<256x128xf32, #tpu.memory_space<hbm>>
        %dma_wait3A_117 = arith.constant 0 : i32
        %dma_wait3A_118 = arith.constant 0 : i32
        %dma_wait3A_119 = tpu.memref_slice %arg2[%dma_wait3A_117, %dma_wait3A_118] : memref<106496x128xf32, #tpu.memory_space<hbm>> -> memref<256x128xf32, #tpu.memory_space<hbm>>
        tpu.wait_dma2 semaphore(%arg11 : memref<!tpu.dma_semaphore, #tpu.memory_space<semaphore_mem>>) src(%dma_wait3A_119 : memref<256x128xf32, #tpu.memory_space<hbm>>) dst(%arg8 : memref<256x128xf32, #tpu.memory_space<vmem>>)
        %add3A_120 = arith.constant 1 : i32
        %add3A_121 = arith.addi %add3A_54, %add3A_120 : i32
        %lt3A_122 = arith.cmpi slt, %add3A_121, %add3A_9 : i32
        %convert_element_type3A_123 = arith.extui %lt3A_122 : i1 to i32
        %cond3A_124 = arith.constant 0 : i32
        %cond3A_125 = arith.cmpi ne, %convert_element_type3A_123, %cond3A_124 : i32
        scf.if %cond3A_125 {
          %add3A_170 = arith.addi %add3A_6, %add3A_54 : i32
          %add3A_171 = arith.constant 1 : i32
          %add3A_172 = arith.addi %add3A_170, %add3A_171 : i32
          %mul3A_173 = arith.constant 256 : i32
          %mul3A_174 = arith.muli %add3A_172, %mul3A_173 : i32
          %dma_start3A_175 = arith.constant 0 : i32
          %dma_start3A_176 = tpu.memref_slice %arg2[%mul3A_174, %dma_start3A_175] : memref<106496x128xf32, #tpu.memory_space<hbm>> -> memref<256x128xf32, #tpu.memory_space<hbm>>
          %dma_start3A_177 = arith.constant 0 : i32
          %dma_start3A_178 = tpu.memref_slice %arg2[%mul3A_174, %dma_start3A_177] : memref<106496x128xf32, #tpu.memory_space<hbm>> -> memref<256x128xf32, #tpu.memory_space<hbm>>
          tpu.enqueue_dma source(%dma_start3A_178 : memref<256x128xf32, #tpu.memory_space<hbm>>) target(%arg9 : memref<256x128xf32, #tpu.memory_space<vmem>>) target_semaphore(%arg12 : memref<!tpu.dma_semaphore, #tpu.memory_space<semaphore_mem>>)
        } else {
        }
        %mul3A_126 = arith.constant 2 : i32
        %mul3A_127 = arith.muli %mul3A_126, %select_n3A_107 : i32
        %add3A_128 = arith.constant 0 : i32
        %add3A_129 = arith.addi %mul3A_127, %add3A_128 : i32
        %mul3A_130 = arith.constant 2 : i32
        %mul3A_131 = arith.muli %mul3A_130, %select_n3A_107 : i32
        %add3A_132 = arith.constant 1 : i32
        %add3A_133 = arith.addi %mul3A_131, %add3A_132 : i32
        %dma_start3A_134 = arith.constant 0 : i32
        %dma_start3A_135 = arith.constant 0 : i32
        %dma_start3A_136 = tpu.memref_slice %arg8[%dma_start3A_134, %dma_start3A_135] : memref<256x128xf32, #tpu.memory_space<vmem>> -> memref<128x128xf32, #tpu.memory_space<vmem>>
        %dma_start3A_137 = arith.constant 0 : i32
        %dma_start3A_138 = tpu.memref_slice %arg7[%add3A_129, %dma_start3A_137] : memref<8x128xi32, #tpu.memory_space<vmem>> -> memref<1x128xi32, #tpu.memory_space<vmem>>
        %dma_start3A_139 = tpu.memref_squeeze %dma_start3A_138 : memref<1x128xi32, #tpu.memory_space<vmem>> -> memref<128xi32, #tpu.memory_space<vmem>>
        %dma_start3A_140 = arith.constant 0 : i32
        %dma_start3A_141 = arith.constant 0 : i32
        %dma_start3A_142 = tpu.memref_slice %arg10[%dma_start3A_140, %dma_start3A_141] : memref<1024x128xf32, #tpu.memory_space<vmem_shared>> -> memref<1024x128xf32, #tpu.memory_space<vmem_shared>>
        tpu.enqueue_indirect_dma source(%dma_start3A_136 : memref<128x128xf32, #tpu.memory_space<vmem>>) target(%dma_start3A_142 : memref<1024x128xf32, #tpu.memory_space<vmem_shared>>) offsets(%dma_start3A_139 : memref<128xi32, #tpu.memory_space<vmem>>) semaphore(%arg11 : memref<!tpu.dma_semaphore, #tpu.memory_space<semaphore_mem>>) {add = true}
        %dma_start3A_143 = arith.constant 128 : i32
        %dma_start3A_144 = arith.constant 0 : i32
        %dma_start3A_145 = tpu.memref_slice %arg8[%dma_start3A_143, %dma_start3A_144] : memref<256x128xf32, #tpu.memory_space<vmem>> -> memref<128x128xf32, #tpu.memory_space<vmem>>
        %dma_start3A_146 = arith.constant 0 : i32
        %dma_start3A_147 = tpu.memref_slice %arg7[%add3A_133, %dma_start3A_146] : memref<8x128xi32, #tpu.memory_space<vmem>> -> memref<1x128xi32, #tpu.memory_space<vmem>>
        %dma_start3A_148 = tpu.memref_squeeze %dma_start3A_147 : memref<1x128xi32, #tpu.memory_space<vmem>> -> memref<128xi32, #tpu.memory_space<vmem>>
        %dma_start3A_149 = arith.constant 0 : i32
        %dma_start3A_150 = arith.constant 0 : i32
        %dma_start3A_151 = tpu.memref_slice %arg10[%dma_start3A_149, %dma_start3A_150] : memref<1024x128xf32, #tpu.memory_space<vmem_shared>> -> memref<1024x128xf32, #tpu.memory_space<vmem_shared>>
        tpu.enqueue_indirect_dma source(%dma_start3A_145 : memref<128x128xf32, #tpu.memory_space<vmem>>) target(%dma_start3A_151 : memref<1024x128xf32, #tpu.memory_space<vmem_shared>>) offsets(%dma_start3A_148 : memref<128xi32, #tpu.memory_space<vmem>>) semaphore(%arg11 : memref<!tpu.dma_semaphore, #tpu.memory_space<semaphore_mem>>) {add = true}
        %dma_wait3A_152 = arith.constant 0 : i32
        %dma_wait3A_153 = arith.constant 0 : i32
        %dma_wait3A_154 = tpu.memref_slice %arg8[%dma_wait3A_152, %dma_wait3A_153] : memref<256x128xf32, #tpu.memory_space<vmem>> -> memref<128x128xf32, #tpu.memory_space<vmem>>
        %dma_wait3A_155 = arith.constant 0 : i32
        %dma_wait3A_156 = tpu.memref_slice %arg7[%add3A_129, %dma_wait3A_155] : memref<8x128xi32, #tpu.memory_space<vmem>> -> memref<1x128xi32, #tpu.memory_space<vmem>>
        %dma_wait3A_157 = tpu.memref_squeeze %dma_wait3A_156 : memref<1x128xi32, #tpu.memory_space<vmem>> -> memref<128xi32, #tpu.memory_space<vmem>>
        %dma_wait3A_158 = arith.constant 0 : i32
        %dma_wait3A_159 = arith.constant 0 : i32
        %dma_wait3A_160 = tpu.memref_slice %arg10[%dma_wait3A_158, %dma_wait3A_159] : memref<1024x128xf32, #tpu.memory_space<vmem_shared>> -> memref<1024x128xf32, #tpu.memory_space<vmem_shared>>
        tpu.wait_indirect_dma semaphore(%arg11 : memref<!tpu.dma_semaphore, #tpu.memory_space<semaphore_mem>>) src(%dma_wait3A_154 : memref<128x128xf32, #tpu.memory_space<vmem>>) dst(%dma_wait3A_160 : memref<1024x128xf32, #tpu.memory_space<vmem_shared>>)
        %dma_wait3A_161 = arith.constant 128 : i32
        %dma_wait3A_162 = arith.constant 0 : i32
        %dma_wait3A_163 = tpu.memref_slice %arg8[%dma_wait3A_161, %dma_wait3A_162] : memref<256x128xf32, #tpu.memory_space<vmem>> -> memref<128x128xf32, #tpu.memory_space<vmem>>
        %dma_wait3A_164 = arith.constant 0 : i32
        %dma_wait3A_165 = tpu.memref_slice %arg7[%add3A_133, %dma_wait3A_164] : memref<8x128xi32, #tpu.memory_space<vmem>> -> memref<1x128xi32, #tpu.memory_space<vmem>>
        %dma_wait3A_166 = tpu.memref_squeeze %dma_wait3A_165 : memref<1x128xi32, #tpu.memory_space<vmem>> -> memref<128xi32, #tpu.memory_space<vmem>>
        %dma_wait3A_167 = arith.constant 0 : i32
        %dma_wait3A_168 = arith.constant 0 : i32
        %dma_wait3A_169 = tpu.memref_slice %arg10[%dma_wait3A_167, %dma_wait3A_168] : memref<1024x128xf32, #tpu.memory_space<vmem_shared>> -> memref<1024x128xf32, #tpu.memory_space<vmem_shared>>
        tpu.wait_indirect_dma semaphore(%arg11 : memref<!tpu.dma_semaphore, #tpu.memory_space<semaphore_mem>>) src(%dma_wait3A_163 : memref<128x128xf32, #tpu.memory_space<vmem>>) dst(%dma_wait3A_169 : memref<1024x128xf32, #tpu.memory_space<vmem_shared>>)
      } else {
      }
      %mul3A_59 = arith.constant 2 : i32
      %mul3A_60 = arith.muli %mul3A_59, %while3A_50 : i32
      %add3A_61 = arith.constant 1 : i32
      %add3A_62 = arith.addi %mul3A_60, %add3A_61 : i32
      %lt3A_63 = arith.cmpi slt, %add3A_62, %add3A_9 : i32
      %convert_element_type3A_64 = arith.extui %lt3A_63 : i1 to i32
      %cond3A_65 = arith.constant 0 : i32
      %cond3A_66 = arith.cmpi ne, %convert_element_type3A_64, %cond3A_65 : i32
      scf.if %cond3A_66 {
        %add3A_67 = arith.addi %add3A_6, %add3A_62 : i32
        %jit3A_68 = arith.constant 4 : i32
        %div3A_69 = arith.divsi %add3A_67, %jit3A_68 : i32
        %sign3A_70 = arith.constant 0 : i32
        %sign3A_71 = arith.cmpi sgt, %add3A_67, %sign3A_70 : i32
        %sign3A_72 = arith.extui %sign3A_71 : i1 to i32
        %sign3A_73 = arith.constant 0 : i32
        %sign3A_74 = arith.cmpi slt, %add3A_67, %sign3A_73 : i32
        %sign3A_75 = arith.extui %sign3A_74 : i1 to i32
        %sign3A_76 = arith.subi %sign3A_72, %sign3A_75 : i32
        %sign3A_77 = arith.constant 0 : i32
        %sign3A_78 = arith.cmpi sgt, %jit3A_68, %sign3A_77 : i32
        %sign3A_79 = arith.extui %sign3A_78 : i1 to i32
        %sign3A_80 = arith.constant 0 : i32
        %sign3A_81 = arith.cmpi slt, %jit3A_68, %sign3A_80 : i32
        %sign3A_82 = arith.extui %sign3A_81 : i1 to i32
        %sign3A_83 = arith.subi %sign3A_79, %sign3A_82 : i32
        %ne3A_84 = arith.cmpi ne, %sign3A_76, %sign3A_83 : i32
        %rem3A_85 = arith.remsi %add3A_67, %jit3A_68 : i32
        %ne3A_86 = arith.constant 0 : i32
        %ne3A_87 = arith.cmpi ne, %rem3A_85, %ne3A_86 : i32
        %and3A_88 = arith.andi %ne3A_84, %ne3A_87 : i1
        %sub3A_89 = arith.constant 1 : i32
        %sub3A_90 = arith.subi %div3A_69, %sub3A_89 : i32
        %select_n3A_91 = arith.select %and3A_88, %sub3A_90, %div3A_69 : i32
        %jit3A_92 = arith.constant 4 : i32
        %eq3A_93 = arith.constant 0 : i32
        %eq3A_94 = arith.cmpi eq, %jit3A_92, %eq3A_93 : i32
        %jit3A_95 = arith.constant 1 : i32
        %select_n3A_96 = arith.select %eq3A_94, %jit3A_95, %jit3A_92 : i32
        %rem3A_97 = arith.remsi %add3A_67, %select_n3A_96 : i32
        %ne3A_98 = arith.constant 0 : i32
        %ne3A_99 = arith.cmpi ne, %rem3A_97, %ne3A_98 : i32
        %lt3A_100 = arith.constant 0 : i32
        %lt3A_101 = arith.cmpi slt, %rem3A_97, %lt3A_100 : i32
        %lt3A_102 = arith.constant 0 : i32
        %lt3A_103 = arith.cmpi slt, %select_n3A_96, %lt3A_102 : i32
        %ne3A_104 = arith.xori %lt3A_101, %lt3A_103 : i1
        %and3A_105 = arith.andi %ne3A_104, %ne3A_99 : i1
        %add3A_106 = arith.addi %rem3A_97, %select_n3A_96 : i32
        %select_n3A_107 = arith.select %and3A_105, %add3A_106, %rem3A_97 : i32
        %eq3A_108 = arith.constant 0 : i32
        %eq3A_109 = arith.cmpi eq, %select_n3A_107, %eq3A_108 : i32
        %eq3A_110 = arith.constant 0 : i32
        %eq3A_111 = arith.cmpi eq, %add3A_62, %eq3A_110 : i32
        %or3A = arith.ori %eq3A_109, %eq3A_111 : i1
        %convert_element_type3A_112 = arith.extui %or3A : i1 to i32
        %cond3A_113 = arith.constant 0 : i32
        %cond3A_114 = arith.cmpi ne, %convert_element_type3A_112, %cond3A_113 : i32
        scf.if %cond3A_114 {
          %add3A_170 = arith.constant 208 : i32
          %add3A_171 = arith.addi %add3A_170, %select_n3A_91 : i32
          %mul3A_172 = arith.constant 8 : i32
          %mul3A_173 = arith.muli %add3A_171, %mul3A_172 : i32
          "tpu.region"() ({
            %run_scoped3A = tpu.sem_alloc : memref<!tpu.dma_semaphore, #tpu.memory_space<semaphore_mem>>
            %dma_start3A_174 = arith.constant 0 : i32
            %dma_start3A_175 = tpu.memref_slice %arg4[%mul3A_173, %dma_start3A_174] : memref<2504x128xi32, #tpu.memory_space<hbm>> -> memref<8x128xi32, #tpu.memory_space<hbm>>
            %dma_start3A_176 = arith.constant 0 : i32
            %dma_start3A_177 = tpu.memref_slice %arg4[%mul3A_173, %dma_start3A_176] : memref<2504x128xi32, #tpu.memory_space<hbm>> -> memref<8x128xi32, #tpu.memory_space<hbm>>
            tpu.enqueue_dma source(%dma_start3A_177 : memref<8x128xi32, #tpu.memory_space<hbm>>) target(%arg7 : memref<8x128xi32, #tpu.memory_space<vmem>>) target_semaphore(%run_scoped3A : memref<!tpu.dma_semaphore, #tpu.memory_space<semaphore_mem>>)
            %dma_wait3A_178 = arith.constant 0 : i32
            %dma_wait3A_179 = tpu.memref_slice %arg4[%mul3A_173, %dma_wait3A_178] : memref<2504x128xi32, #tpu.memory_space<hbm>> -> memref<8x128xi32, #tpu.memory_space<hbm>>
            %dma_wait3A_180 = arith.constant 0 : i32
            %dma_wait3A_181 = tpu.memref_slice %arg4[%mul3A_173, %dma_wait3A_180] : memref<2504x128xi32, #tpu.memory_space<hbm>> -> memref<8x128xi32, #tpu.memory_space<hbm>>
            tpu.wait_dma2 semaphore(%run_scoped3A : memref<!tpu.dma_semaphore, #tpu.memory_space<semaphore_mem>>) src(%dma_wait3A_181 : memref<8x128xi32, #tpu.memory_space<hbm>>) dst(%arg7 : memref<8x128xi32, #tpu.memory_space<vmem>>)
            tpu.yield
          }) : () -> ()
        } else {
        }
        %dma_wait3A = arith.constant 0 : i32
        %dma_wait3A_115 = arith.constant 0 : i32
        %dma_wait3A_116 = tpu.memref_slice %arg2[%dma_wait3A, %dma_wait3A_115] : memref<106496x128xf32, #tpu.memory_space<hbm>> -> memref<256x128xf32, #tpu.memory_space<hbm>>
        %dma_wait3A_117 = arith.constant 0 : i32
        %dma_wait3A_118 = arith.constant 0 : i32
        %dma_wait3A_119 = tpu.memref_slice %arg2[%dma_wait3A_117, %dma_wait3A_118] : memref<106496x128xf32, #tpu.memory_space<hbm>> -> memref<256x128xf32, #tpu.memory_space<hbm>>
        tpu.wait_dma2 semaphore(%arg12 : memref<!tpu.dma_semaphore, #tpu.memory_space<semaphore_mem>>) src(%dma_wait3A_119 : memref<256x128xf32, #tpu.memory_space<hbm>>) dst(%arg9 : memref<256x128xf32, #tpu.memory_space<vmem>>)
        %add3A_120 = arith.constant 1 : i32
        %add3A_121 = arith.addi %add3A_62, %add3A_120 : i32
        %lt3A_122 = arith.cmpi slt, %add3A_121, %add3A_9 : i32
        %convert_element_type3A_123 = arith.extui %lt3A_122 : i1 to i32
        %cond3A_124 = arith.constant 0 : i32
        %cond3A_125 = arith.cmpi ne, %convert_element_type3A_123, %cond3A_124 : i32
        scf.if %cond3A_125 {
          %add3A_170 = arith.addi %add3A_6, %add3A_62 : i32
          %add3A_171 = arith.constant 1 : i32
          %add3A_172 = arith.addi %add3A_170, %add3A_171 : i32
          %mul3A_173 = arith.constant 256 : i32
          %mul3A_174 = arith.muli %add3A_172, %mul3A_173 : i32
          %dma_start3A_175 = arith.constant 0 : i32
          %dma_start3A_176 = tpu.memref_slice %arg2[%mul3A_174, %dma_start3A_175] : memref<106496x128xf32, #tpu.memory_space<hbm>> -> memref<256x128xf32, #tpu.memory_space<hbm>>
          %dma_start3A_177 = arith.constant 0 : i32
          %dma_start3A_178 = tpu.memref_slice %arg2[%mul3A_174, %dma_start3A_177] : memref<106496x128xf32, #tpu.memory_space<hbm>> -> memref<256x128xf32, #tpu.memory_space<hbm>>
          tpu.enqueue_dma source(%dma_start3A_178 : memref<256x128xf32, #tpu.memory_space<hbm>>) target(%arg8 : memref<256x128xf32, #tpu.memory_space<vmem>>) target_semaphore(%arg11 : memref<!tpu.dma_semaphore, #tpu.memory_space<semaphore_mem>>)
        } else {
        }
        %mul3A_126 = arith.constant 2 : i32
        %mul3A_127 = arith.muli %mul3A_126, %select_n3A_107 : i32
        %add3A_128 = arith.constant 0 : i32
        %add3A_129 = arith.addi %mul3A_127, %add3A_128 : i32
        %mul3A_130 = arith.constant 2 : i32
        %mul3A_131 = arith.muli %mul3A_130, %select_n3A_107 : i32
        %add3A_132 = arith.constant 1 : i32
        %add3A_133 = arith.addi %mul3A_131, %add3A_132 : i32
        %dma_start3A_134 = arith.constant 0 : i32
        %dma_start3A_135 = arith.constant 0 : i32
        %dma_start3A_136 = tpu.memref_slice %arg9[%dma_start3A_134, %dma_start3A_135] : memref<256x128xf32, #tpu.memory_space<vmem>> -> memref<128x128xf32, #tpu.memory_space<vmem>>
        %dma_start3A_137 = arith.constant 0 : i32
        %dma_start3A_138 = tpu.memref_slice %arg7[%add3A_129, %dma_start3A_137] : memref<8x128xi32, #tpu.memory_space<vmem>> -> memref<1x128xi32, #tpu.memory_space<vmem>>
        %dma_start3A_139 = tpu.memref_squeeze %dma_start3A_138 : memref<1x128xi32, #tpu.memory_space<vmem>> -> memref<128xi32, #tpu.memory_space<vmem>>
        %dma_start3A_140 = arith.constant 0 : i32
        %dma_start3A_141 = arith.constant 0 : i32
        %dma_start3A_142 = tpu.memref_slice %arg10[%dma_start3A_140, %dma_start3A_141] : memref<1024x128xf32, #tpu.memory_space<vmem_shared>> -> memref<1024x128xf32, #tpu.memory_space<vmem_shared>>
        tpu.enqueue_indirect_dma source(%dma_start3A_136 : memref<128x128xf32, #tpu.memory_space<vmem>>) target(%dma_start3A_142 : memref<1024x128xf32, #tpu.memory_space<vmem_shared>>) offsets(%dma_start3A_139 : memref<128xi32, #tpu.memory_space<vmem>>) semaphore(%arg12 : memref<!tpu.dma_semaphore, #tpu.memory_space<semaphore_mem>>) {add = true}
        %dma_start3A_143 = arith.constant 128 : i32
        %dma_start3A_144 = arith.constant 0 : i32
        %dma_start3A_145 = tpu.memref_slice %arg9[%dma_start3A_143, %dma_start3A_144] : memref<256x128xf32, #tpu.memory_space<vmem>> -> memref<128x128xf32, #tpu.memory_space<vmem>>
        %dma_start3A_146 = arith.constant 0 : i32
        %dma_start3A_147 = tpu.memref_slice %arg7[%add3A_133, %dma_start3A_146] : memref<8x128xi32, #tpu.memory_space<vmem>> -> memref<1x128xi32, #tpu.memory_space<vmem>>
        %dma_start3A_148 = tpu.memref_squeeze %dma_start3A_147 : memref<1x128xi32, #tpu.memory_space<vmem>> -> memref<128xi32, #tpu.memory_space<vmem>>
        %dma_start3A_149 = arith.constant 0 : i32
        %dma_start3A_150 = arith.constant 0 : i32
        %dma_start3A_151 = tpu.memref_slice %arg10[%dma_start3A_149, %dma_start3A_150] : memref<1024x128xf32, #tpu.memory_space<vmem_shared>> -> memref<1024x128xf32, #tpu.memory_space<vmem_shared>>
        tpu.enqueue_indirect_dma source(%dma_start3A_145 : memref<128x128xf32, #tpu.memory_space<vmem>>) target(%dma_start3A_151 : memref<1024x128xf32, #tpu.memory_space<vmem_shared>>) offsets(%dma_start3A_148 : memref<128xi32, #tpu.memory_space<vmem>>) semaphore(%arg12 : memref<!tpu.dma_semaphore, #tpu.memory_space<semaphore_mem>>) {add = true}
        %dma_wait3A_152 = arith.constant 0 : i32
        %dma_wait3A_153 = arith.constant 0 : i32
        %dma_wait3A_154 = tpu.memref_slice %arg9[%dma_wait3A_152, %dma_wait3A_153] : memref<256x128xf32, #tpu.memory_space<vmem>> -> memref<128x128xf32, #tpu.memory_space<vmem>>
        %dma_wait3A_155 = arith.constant 0 : i32
        %dma_wait3A_156 = tpu.memref_slice %arg7[%add3A_129, %dma_wait3A_155] : memref<8x128xi32, #tpu.memory_space<vmem>> -> memref<1x128xi32, #tpu.memory_space<vmem>>
        %dma_wait3A_157 = tpu.memref_squeeze %dma_wait3A_156 : memref<1x128xi32, #tpu.memory_space<vmem>> -> memref<128xi32, #tpu.memory_space<vmem>>
        %dma_wait3A_158 = arith.constant 0 : i32
        %dma_wait3A_159 = arith.constant 0 : i32
        %dma_wait3A_160 = tpu.memref_slice %arg10[%dma_wait3A_158, %dma_wait3A_159] : memref<1024x128xf32, #tpu.memory_space<vmem_shared>> -> memref<1024x128xf32, #tpu.memory_space<vmem_shared>>
        tpu.wait_indirect_dma semaphore(%arg12 : memref<!tpu.dma_semaphore, #tpu.memory_space<semaphore_mem>>) src(%dma_wait3A_154 : memref<128x128xf32, #tpu.memory_space<vmem>>) dst(%dma_wait3A_160 : memref<1024x128xf32, #tpu.memory_space<vmem_shared>>)
        %dma_wait3A_161 = arith.constant 128 : i32
        %dma_wait3A_162 = arith.constant 0 : i32
        %dma_wait3A_163 = tpu.memref_slice %arg9[%dma_wait3A_161, %dma_wait3A_162] : memref<256x128xf32, #tpu.memory_space<vmem>> -> memref<128x128xf32, #tpu.memory_space<vmem>>
        %dma_wait3A_164 = arith.constant 0 : i32
        %dma_wait3A_165 = tpu.memref_slice %arg7[%add3A_133, %dma_wait3A_164] : memref<8x128xi32, #tpu.memory_space<vmem>> -> memref<1x128xi32, #tpu.memory_space<vmem>>
        %dma_wait3A_166 = tpu.memref_squeeze %dma_wait3A_165 : memref<1x128xi32, #tpu.memory_space<vmem>> -> memref<128xi32, #tpu.memory_space<vmem>>
        %dma_wait3A_167 = arith.constant 0 : i32
        %dma_wait3A_168 = arith.constant 0 : i32
        %dma_wait3A_169 = tpu.memref_slice %arg10[%dma_wait3A_167, %dma_wait3A_168] : memref<1024x128xf32, #tpu.memory_space<vmem_shared>> -> memref<1024x128xf32, #tpu.memory_space<vmem_shared>>
        tpu.wait_indirect_dma semaphore(%arg12 : memref<!tpu.dma_semaphore, #tpu.memory_space<semaphore_mem>>) src(%dma_wait3A_163 : memref<128x128xf32, #tpu.memory_space<vmem>>) dst(%dma_wait3A_169 : memref<1024x128xf32, #tpu.memory_space<vmem_shared>>)
      } else {
      }
    }
    %while3A_41 = arith.constant 1 : i32
    scf.for %while3A_50 = %while3A_39 to %while3A_35 step %while3A_41  : i32 {
      %mul3A_51 = arith.constant 2 : i32
      %mul3A_52 = arith.muli %mul3A_51, %while3A_50 : i32
      %add3A_53 = arith.constant 0 : i32
      %add3A_54 = arith.addi %mul3A_52, %add3A_53 : i32
      %lt3A_55 = arith.cmpi slt, %add3A_54, %add3A_9 : i32
      %convert_element_type3A_56 = arith.extui %lt3A_55 : i1 to i32
      %cond3A_57 = arith.constant 0 : i32
      %cond3A_58 = arith.cmpi ne, %convert_element_type3A_56, %cond3A_57 : i32
      scf.if %cond3A_58 {
        %add3A_67 = arith.addi %add3A_6, %add3A_54 : i32
        %jit3A_68 = arith.constant 4 : i32
        %div3A_69 = arith.divsi %add3A_67, %jit3A_68 : i32
        %sign3A_70 = arith.constant 0 : i32
        %sign3A_71 = arith.cmpi sgt, %add3A_67, %sign3A_70 : i32
        %sign3A_72 = arith.extui %sign3A_71 : i1 to i32
        %sign3A_73 = arith.constant 0 : i32
        %sign3A_74 = arith.cmpi slt, %add3A_67, %sign3A_73 : i32
        %sign3A_75 = arith.extui %sign3A_74 : i1 to i32
        %sign3A_76 = arith.subi %sign3A_72, %sign3A_75 : i32
        %sign3A_77 = arith.constant 0 : i32
        %sign3A_78 = arith.cmpi sgt, %jit3A_68, %sign3A_77 : i32
        %sign3A_79 = arith.extui %sign3A_78 : i1 to i32
        %sign3A_80 = arith.constant 0 : i32
        %sign3A_81 = arith.cmpi slt, %jit3A_68, %sign3A_80 : i32
        %sign3A_82 = arith.extui %sign3A_81 : i1 to i32
        %sign3A_83 = arith.subi %sign3A_79, %sign3A_82 : i32
        %ne3A_84 = arith.cmpi ne, %sign3A_76, %sign3A_83 : i32
        %rem3A_85 = arith.remsi %add3A_67, %jit3A_68 : i32
        %ne3A_86 = arith.constant 0 : i32
        %ne3A_87 = arith.cmpi ne, %rem3A_85, %ne3A_86 : i32
        %and3A_88 = arith.andi %ne3A_84, %ne3A_87 : i1
        %sub3A_89 = arith.constant 1 : i32
        %sub3A_90 = arith.subi %div3A_69, %sub3A_89 : i32
        %select_n3A_91 = arith.select %and3A_88, %sub3A_90, %div3A_69 : i32
        %jit3A_92 = arith.constant 4 : i32
        %eq3A_93 = arith.constant 0 : i32
        %eq3A_94 = arith.cmpi eq, %jit3A_92, %eq3A_93 : i32
        %jit3A_95 = arith.constant 1 : i32
        %select_n3A_96 = arith.select %eq3A_94, %jit3A_95, %jit3A_92 : i32
        %rem3A_97 = arith.remsi %add3A_67, %select_n3A_96 : i32
        %ne3A_98 = arith.constant 0 : i32
        %ne3A_99 = arith.cmpi ne, %rem3A_97, %ne3A_98 : i32
        %lt3A_100 = arith.constant 0 : i32
        %lt3A_101 = arith.cmpi slt, %rem3A_97, %lt3A_100 : i32
        %lt3A_102 = arith.constant 0 : i32
        %lt3A_103 = arith.cmpi slt, %select_n3A_96, %lt3A_102 : i32
        %ne3A_104 = arith.xori %lt3A_101, %lt3A_103 : i1
        %and3A_105 = arith.andi %ne3A_104, %ne3A_99 : i1
        %add3A_106 = arith.addi %rem3A_97, %select_n3A_96 : i32
        %select_n3A_107 = arith.select %and3A_105, %add3A_106, %rem3A_97 : i32
        %eq3A_108 = arith.constant 0 : i32
        %eq3A_109 = arith.cmpi eq, %select_n3A_107, %eq3A_108 : i32
        %eq3A_110 = arith.constant 0 : i32
        %eq3A_111 = arith.cmpi eq, %add3A_54, %eq3A_110 : i32
        %or3A = arith.ori %eq3A_109, %eq3A_111 : i1
        %convert_element_type3A_112 = arith.extui %or3A : i1 to i32
        %cond3A_113 = arith.constant 0 : i32
        %cond3A_114 = arith.cmpi ne, %convert_element_type3A_112, %cond3A_113 : i32
        scf.if %cond3A_114 {
          %add3A_170 = arith.constant 208 : i32
          %add3A_171 = arith.addi %add3A_170, %select_n3A_91 : i32
          %mul3A_172 = arith.constant 8 : i32
          %mul3A_173 = arith.muli %add3A_171, %mul3A_172 : i32
          "tpu.region"() ({
            %run_scoped3A = tpu.sem_alloc : memref<!tpu.dma_semaphore, #tpu.memory_space<semaphore_mem>>
            %dma_start3A_174 = arith.constant 0 : i32
            %dma_start3A_175 = tpu.memref_slice %arg4[%mul3A_173, %dma_start3A_174] : memref<2504x128xi32, #tpu.memory_space<hbm>> -> memref<8x128xi32, #tpu.memory_space<hbm>>
            %dma_start3A_176 = arith.constant 0 : i32
            %dma_start3A_177 = tpu.memref_slice %arg4[%mul3A_173, %dma_start3A_176] : memref<2504x128xi32, #tpu.memory_space<hbm>> -> memref<8x128xi32, #tpu.memory_space<hbm>>
            tpu.enqueue_dma source(%dma_start3A_177 : memref<8x128xi32, #tpu.memory_space<hbm>>) target(%arg7 : memref<8x128xi32, #tpu.memory_space<vmem>>) target_semaphore(%run_scoped3A : memref<!tpu.dma_semaphore, #tpu.memory_space<semaphore_mem>>)
            %dma_wait3A_178 = arith.constant 0 : i32
            %dma_wait3A_179 = tpu.memref_slice %arg4[%mul3A_173, %dma_wait3A_178] : memref<2504x128xi32, #tpu.memory_space<hbm>> -> memref<8x128xi32, #tpu.memory_space<hbm>>
            %dma_wait3A_180 = arith.constant 0 : i32
            %dma_wait3A_181 = tpu.memref_slice %arg4[%mul3A_173, %dma_wait3A_180] : memref<2504x128xi32, #tpu.memory_space<hbm>> -> memref<8x128xi32, #tpu.memory_space<hbm>>
            tpu.wait_dma2 semaphore(%run_scoped3A : memref<!tpu.dma_semaphore, #tpu.memory_space<semaphore_mem>>) src(%dma_wait3A_181 : memref<8x128xi32, #tpu.memory_space<hbm>>) dst(%arg7 : memref<8x128xi32, #tpu.memory_space<vmem>>)
            tpu.yield
          }) : () -> ()
        } else {
        }
        %dma_wait3A = arith.constant 0 : i32
        %dma_wait3A_115 = arith.constant 0 : i32
        %dma_wait3A_116 = tpu.memref_slice %arg2[%dma_wait3A, %dma_wait3A_115] : memref<106496x128xf32, #tpu.memory_space<hbm>> -> memref<256x128xf32, #tpu.memory_space<hbm>>
        %dma_wait3A_117 = arith.constant 0 : i32
        %dma_wait3A_118 = arith.constant 0 : i32
        %dma_wait3A_119 = tpu.memref_slice %arg2[%dma_wait3A_117, %dma_wait3A_118] : memref<106496x128xf32, #tpu.memory_space<hbm>> -> memref<256x128xf32, #tpu.memory_space<hbm>>
        tpu.wait_dma2 semaphore(%arg11 : memref<!tpu.dma_semaphore, #tpu.memory_space<semaphore_mem>>) src(%dma_wait3A_119 : memref<256x128xf32, #tpu.memory_space<hbm>>) dst(%arg8 : memref<256x128xf32, #tpu.memory_space<vmem>>)
        %add3A_120 = arith.constant 1 : i32
        %add3A_121 = arith.addi %add3A_54, %add3A_120 : i32
        %lt3A_122 = arith.cmpi slt, %add3A_121, %add3A_9 : i32
        %convert_element_type3A_123 = arith.extui %lt3A_122 : i1 to i32
        %cond3A_124 = arith.constant 0 : i32
        %cond3A_125 = arith.cmpi ne, %convert_element_type3A_123, %cond3A_124 : i32
        scf.if %cond3A_125 {
          %add3A_170 = arith.addi %add3A_6, %add3A_54 : i32
          %add3A_171 = arith.constant 1 : i32
          %add3A_172 = arith.addi %add3A_170, %add3A_171 : i32
          %mul3A_173 = arith.constant 256 : i32
          %mul3A_174 = arith.muli %add3A_172, %mul3A_173 : i32
          %dma_start3A_175 = arith.constant 0 : i32
          %dma_start3A_176 = tpu.memref_slice %arg2[%mul3A_174, %dma_start3A_175] : memref<106496x128xf32, #tpu.memory_space<hbm>> -> memref<256x128xf32, #tpu.memory_space<hbm>>
          %dma_start3A_177 = arith.constant 0 : i32
          %dma_start3A_178 = tpu.memref_slice %arg2[%mul3A_174, %dma_start3A_177] : memref<106496x128xf32, #tpu.memory_space<hbm>> -> memref<256x128xf32, #tpu.memory_space<hbm>>
          tpu.enqueue_dma source(%dma_start3A_178 : memref<256x128xf32, #tpu.memory_space<hbm>>) target(%arg9 : memref<256x128xf32, #tpu.memory_space<vmem>>) target_semaphore(%arg12 : memref<!tpu.dma_semaphore, #tpu.memory_space<semaphore_mem>>)
        } else {
        }
        %mul3A_126 = arith.constant 2 : i32
        %mul3A_127 = arith.muli %mul3A_126, %select_n3A_107 : i32
        %add3A_128 = arith.constant 0 : i32
        %add3A_129 = arith.addi %mul3A_127, %add3A_128 : i32
        %mul3A_130 = arith.constant 2 : i32
        %mul3A_131 = arith.muli %mul3A_130, %select_n3A_107 : i32
        %add3A_132 = arith.constant 1 : i32
        %add3A_133 = arith.addi %mul3A_131, %add3A_132 : i32
        %dma_start3A_134 = arith.constant 0 : i32
        %dma_start3A_135 = arith.constant 0 : i32
        %dma_start3A_136 = tpu.memref_slice %arg8[%dma_start3A_134, %dma_start3A_135] : memref<256x128xf32, #tpu.memory_space<vmem>> -> memref<128x128xf32, #tpu.memory_space<vmem>>
        %dma_start3A_137 = arith.constant 0 : i32
        %dma_start3A_138 = tpu.memref_slice %arg7[%add3A_129, %dma_start3A_137] : memref<8x128xi32, #tpu.memory_space<vmem>> -> memref<1x128xi32, #tpu.memory_space<vmem>>
        %dma_start3A_139 = tpu.memref_squeeze %dma_start3A_138 : memref<1x128xi32, #tpu.memory_space<vmem>> -> memref<128xi32, #tpu.memory_space<vmem>>
        %dma_start3A_140 = arith.constant 0 : i32
        %dma_start3A_141 = arith.constant 0 : i32
        %dma_start3A_142 = tpu.memref_slice %arg10[%dma_start3A_140, %dma_start3A_141] : memref<1024x128xf32, #tpu.memory_space<vmem_shared>> -> memref<1024x128xf32, #tpu.memory_space<vmem_shared>>
        tpu.enqueue_indirect_dma source(%dma_start3A_136 : memref<128x128xf32, #tpu.memory_space<vmem>>) target(%dma_start3A_142 : memref<1024x128xf32, #tpu.memory_space<vmem_shared>>) offsets(%dma_start3A_139 : memref<128xi32, #tpu.memory_space<vmem>>) semaphore(%arg11 : memref<!tpu.dma_semaphore, #tpu.memory_space<semaphore_mem>>) {add = true}
        %dma_start3A_143 = arith.constant 128 : i32
        %dma_start3A_144 = arith.constant 0 : i32
        %dma_start3A_145 = tpu.memref_slice %arg8[%dma_start3A_143, %dma_start3A_144] : memref<256x128xf32, #tpu.memory_space<vmem>> -> memref<128x128xf32, #tpu.memory_space<vmem>>
        %dma_start3A_146 = arith.constant 0 : i32
        %dma_start3A_147 = tpu.memref_slice %arg7[%add3A_133, %dma_start3A_146] : memref<8x128xi32, #tpu.memory_space<vmem>> -> memref<1x128xi32, #tpu.memory_space<vmem>>
        %dma_start3A_148 = tpu.memref_squeeze %dma_start3A_147 : memref<1x128xi32, #tpu.memory_space<vmem>> -> memref<128xi32, #tpu.memory_space<vmem>>
        %dma_start3A_149 = arith.constant 0 : i32
        %dma_start3A_150 = arith.constant 0 : i32
        %dma_start3A_151 = tpu.memref_slice %arg10[%dma_start3A_149, %dma_start3A_150] : memref<1024x128xf32, #tpu.memory_space<vmem_shared>> -> memref<1024x128xf32, #tpu.memory_space<vmem_shared>>
        tpu.enqueue_indirect_dma source(%dma_start3A_145 : memref<128x128xf32, #tpu.memory_space<vmem>>) target(%dma_start3A_151 : memref<1024x128xf32, #tpu.memory_space<vmem_shared>>) offsets(%dma_start3A_148 : memref<128xi32, #tpu.memory_space<vmem>>) semaphore(%arg11 : memref<!tpu.dma_semaphore, #tpu.memory_space<semaphore_mem>>) {add = true}
        %dma_wait3A_152 = arith.constant 0 : i32
        %dma_wait3A_153 = arith.constant 0 : i32
        %dma_wait3A_154 = tpu.memref_slice %arg8[%dma_wait3A_152, %dma_wait3A_153] : memref<256x128xf32, #tpu.memory_space<vmem>> -> memref<128x128xf32, #tpu.memory_space<vmem>>
        %dma_wait3A_155 = arith.constant 0 : i32
        %dma_wait3A_156 = tpu.memref_slice %arg7[%add3A_129, %dma_wait3A_155] : memref<8x128xi32, #tpu.memory_space<vmem>> -> memref<1x128xi32, #tpu.memory_space<vmem>>
        %dma_wait3A_157 = tpu.memref_squeeze %dma_wait3A_156 : memref<1x128xi32, #tpu.memory_space<vmem>> -> memref<128xi32, #tpu.memory_space<vmem>>
        %dma_wait3A_158 = arith.constant 0 : i32
        %dma_wait3A_159 = arith.constant 0 : i32
        %dma_wait3A_160 = tpu.memref_slice %arg10[%dma_wait3A_158, %dma_wait3A_159] : memref<1024x128xf32, #tpu.memory_space<vmem_shared>> -> memref<1024x128xf32, #tpu.memory_space<vmem_shared>>
        tpu.wait_indirect_dma semaphore(%arg11 : memref<!tpu.dma_semaphore, #tpu.memory_space<semaphore_mem>>) src(%dma_wait3A_154 : memref<128x128xf32, #tpu.memory_space<vmem>>) dst(%dma_wait3A_160 : memref<1024x128xf32, #tpu.memory_space<vmem_shared>>)
        %dma_wait3A_161 = arith.constant 128 : i32
        %dma_wait3A_162 = arith.constant 0 : i32
        %dma_wait3A_163 = tpu.memref_slice %arg8[%dma_wait3A_161, %dma_wait3A_162] : memref<256x128xf32, #tpu.memory_space<vmem>> -> memref<128x128xf32, #tpu.memory_space<vmem>>
        %dma_wait3A_164 = arith.constant 0 : i32
        %dma_wait3A_165 = tpu.memref_slice %arg7[%add3A_133, %dma_wait3A_164] : memref<8x128xi32, #tpu.memory_space<vmem>> -> memref<1x128xi32, #tpu.memory_space<vmem>>
        %dma_wait3A_166 = tpu.memref_squeeze %dma_wait3A_165 : memref<1x128xi32, #tpu.memory_space<vmem>> -> memref<128xi32, #tpu.memory_space<vmem>>
        %dma_wait3A_167 = arith.constant 0 : i32
        %dma_wait3A_168 = arith.constant 0 : i32
        %dma_wait3A_169 = tpu.memref_slice %arg10[%dma_wait3A_167, %dma_wait3A_168] : memref<1024x128xf32, #tpu.memory_space<vmem_shared>> -> memref<1024x128xf32, #tpu.memory_space<vmem_shared>>
        tpu.wait_indirect_dma semaphore(%arg11 : memref<!tpu.dma_semaphore, #tpu.memory_space<semaphore_mem>>) src(%dma_wait3A_163 : memref<128x128xf32, #tpu.memory_space<vmem>>) dst(%dma_wait3A_169 : memref<1024x128xf32, #tpu.memory_space<vmem_shared>>)
      } else {
      }
      %mul3A_59 = arith.constant 2 : i32
      %mul3A_60 = arith.muli %mul3A_59, %while3A_50 : i32
      %add3A_61 = arith.constant 1 : i32
      %add3A_62 = arith.addi %mul3A_60, %add3A_61 : i32
      %lt3A_63 = arith.cmpi slt, %add3A_62, %add3A_9 : i32
      %convert_element_type3A_64 = arith.extui %lt3A_63 : i1 to i32
      %cond3A_65 = arith.constant 0 : i32
      %cond3A_66 = arith.cmpi ne, %convert_element_type3A_64, %cond3A_65 : i32
      scf.if %cond3A_66 {
        %add3A_67 = arith.addi %add3A_6, %add3A_62 : i32
        %jit3A_68 = arith.constant 4 : i32
        %div3A_69 = arith.divsi %add3A_67, %jit3A_68 : i32
        %sign3A_70 = arith.constant 0 : i32
        %sign3A_71 = arith.cmpi sgt, %add3A_67, %sign3A_70 : i32
        %sign3A_72 = arith.extui %sign3A_71 : i1 to i32
        %sign3A_73 = arith.constant 0 : i32
        %sign3A_74 = arith.cmpi slt, %add3A_67, %sign3A_73 : i32
        %sign3A_75 = arith.extui %sign3A_74 : i1 to i32
        %sign3A_76 = arith.subi %sign3A_72, %sign3A_75 : i32
        %sign3A_77 = arith.constant 0 : i32
        %sign3A_78 = arith.cmpi sgt, %jit3A_68, %sign3A_77 : i32
        %sign3A_79 = arith.extui %sign3A_78 : i1 to i32
        %sign3A_80 = arith.constant 0 : i32
        %sign3A_81 = arith.cmpi slt, %jit3A_68, %sign3A_80 : i32
        %sign3A_82 = arith.extui %sign3A_81 : i1 to i32
        %sign3A_83 = arith.subi %sign3A_79, %sign3A_82 : i32
        %ne3A_84 = arith.cmpi ne, %sign3A_76, %sign3A_83 : i32
        %rem3A_85 = arith.remsi %add3A_67, %jit3A_68 : i32
        %ne3A_86 = arith.constant 0 : i32
        %ne3A_87 = arith.cmpi ne, %rem3A_85, %ne3A_86 : i32
        %and3A_88 = arith.andi %ne3A_84, %ne3A_87 : i1
        %sub3A_89 = arith.constant 1 : i32
        %sub3A_90 = arith.subi %div3A_69, %sub3A_89 : i32
        %select_n3A_91 = arith.select %and3A_88, %sub3A_90, %div3A_69 : i32
        %jit3A_92 = arith.constant 4 : i32
        %eq3A_93 = arith.constant 0 : i32
        %eq3A_94 = arith.cmpi eq, %jit3A_92, %eq3A_93 : i32
        %jit3A_95 = arith.constant 1 : i32
        %select_n3A_96 = arith.select %eq3A_94, %jit3A_95, %jit3A_92 : i32
        %rem3A_97 = arith.remsi %add3A_67, %select_n3A_96 : i32
        %ne3A_98 = arith.constant 0 : i32
        %ne3A_99 = arith.cmpi ne, %rem3A_97, %ne3A_98 : i32
        %lt3A_100 = arith.constant 0 : i32
        %lt3A_101 = arith.cmpi slt, %rem3A_97, %lt3A_100 : i32
        %lt3A_102 = arith.constant 0 : i32
        %lt3A_103 = arith.cmpi slt, %select_n3A_96, %lt3A_102 : i32
        %ne3A_104 = arith.xori %lt3A_101, %lt3A_103 : i1
        %and3A_105 = arith.andi %ne3A_104, %ne3A_99 : i1
        %add3A_106 = arith.addi %rem3A_97, %select_n3A_96 : i32
        %select_n3A_107 = arith.select %and3A_105, %add3A_106, %rem3A_97 : i32
        %eq3A_108 = arith.constant 0 : i32
        %eq3A_109 = arith.cmpi eq, %select_n3A_107, %eq3A_108 : i32
        %eq3A_110 = arith.constant 0 : i32
        %eq3A_111 = arith.cmpi eq, %add3A_62, %eq3A_110 : i32
        %or3A = arith.ori %eq3A_109, %eq3A_111 : i1
        %convert_element_type3A_112 = arith.extui %or3A : i1 to i32
        %cond3A_113 = arith.constant 0 : i32
        %cond3A_114 = arith.cmpi ne, %convert_element_type3A_112, %cond3A_113 : i32
        scf.if %cond3A_114 {
          %add3A_170 = arith.constant 208 : i32
          %add3A_171 = arith.addi %add3A_170, %select_n3A_91 : i32
          %mul3A_172 = arith.constant 8 : i32
          %mul3A_173 = arith.muli %add3A_171, %mul3A_172 : i32
          "tpu.region"() ({
            %run_scoped3A = tpu.sem_alloc : memref<!tpu.dma_semaphore, #tpu.memory_space<semaphore_mem>>
            %dma_start3A_174 = arith.constant 0 : i32
            %dma_start3A_175 = tpu.memref_slice %arg4[%mul3A_173, %dma_start3A_174] : memref<2504x128xi32, #tpu.memory_space<hbm>> -> memref<8x128xi32, #tpu.memory_space<hbm>>
            %dma_start3A_176 = arith.constant 0 : i32
            %dma_start3A_177 = tpu.memref_slice %arg4[%mul3A_173, %dma_start3A_176] : memref<2504x128xi32, #tpu.memory_space<hbm>> -> memref<8x128xi32, #tpu.memory_space<hbm>>
            tpu.enqueue_dma source(%dma_start3A_177 : memref<8x128xi32, #tpu.memory_space<hbm>>) target(%arg7 : memref<8x128xi32, #tpu.memory_space<vmem>>) target_semaphore(%run_scoped3A : memref<!tpu.dma_semaphore, #tpu.memory_space<semaphore_mem>>)
            %dma_wait3A_178 = arith.constant 0 : i32
            %dma_wait3A_179 = tpu.memref_slice %arg4[%mul3A_173, %dma_wait3A_178] : memref<2504x128xi32, #tpu.memory_space<hbm>> -> memref<8x128xi32, #tpu.memory_space<hbm>>
            %dma_wait3A_180 = arith.constant 0 : i32
            %dma_wait3A_181 = tpu.memref_slice %arg4[%mul3A_173, %dma_wait3A_180] : memref<2504x128xi32, #tpu.memory_space<hbm>> -> memref<8x128xi32, #tpu.memory_space<hbm>>
            tpu.wait_dma2 semaphore(%run_scoped3A : memref<!tpu.dma_semaphore, #tpu.memory_space<semaphore_mem>>) src(%dma_wait3A_181 : memref<8x128xi32, #tpu.memory_space<hbm>>) dst(%arg7 : memref<8x128xi32, #tpu.memory_space<vmem>>)
            tpu.yield
          }) : () -> ()
        } else {
        }
        %dma_wait3A = arith.constant 0 : i32
        %dma_wait3A_115 = arith.constant 0 : i32
        %dma_wait3A_116 = tpu.memref_slice %arg2[%dma_wait3A, %dma_wait3A_115] : memref<106496x128xf32, #tpu.memory_space<hbm>> -> memref<256x128xf32, #tpu.memory_space<hbm>>
        %dma_wait3A_117 = arith.constant 0 : i32
        %dma_wait3A_118 = arith.constant 0 : i32
        %dma_wait3A_119 = tpu.memref_slice %arg2[%dma_wait3A_117, %dma_wait3A_118] : memref<106496x128xf32, #tpu.memory_space<hbm>> -> memref<256x128xf32, #tpu.memory_space<hbm>>
        tpu.wait_dma2 semaphore(%arg12 : memref<!tpu.dma_semaphore, #tpu.memory_space<semaphore_mem>>) src(%dma_wait3A_119 : memref<256x128xf32, #tpu.memory_space<hbm>>) dst(%arg9 : memref<256x128xf32, #tpu.memory_space<vmem>>)
        %add3A_120 = arith.constant 1 : i32
        %add3A_121 = arith.addi %add3A_62, %add3A_120 : i32
        %lt3A_122 = arith.cmpi slt, %add3A_121, %add3A_9 : i32
        %convert_element_type3A_123 = arith.extui %lt3A_122 : i1 to i32
        %cond3A_124 = arith.constant 0 : i32
        %cond3A_125 = arith.cmpi ne, %convert_element_type3A_123, %cond3A_124 : i32
        scf.if %cond3A_125 {
          %add3A_170 = arith.addi %add3A_6, %add3A_62 : i32
          %add3A_171 = arith.constant 1 : i32
          %add3A_172 = arith.addi %add3A_170, %add3A_171 : i32
          %mul3A_173 = arith.constant 256 : i32
          %mul3A_174 = arith.muli %add3A_172, %mul3A_173 : i32
          %dma_start3A_175 = arith.constant 0 : i32
          %dma_start3A_176 = tpu.memref_slice %arg2[%mul3A_174, %dma_start3A_175] : memref<106496x128xf32, #tpu.memory_space<hbm>> -> memref<256x128xf32, #tpu.memory_space<hbm>>
          %dma_start3A_177 = arith.constant 0 : i32
          %dma_start3A_178 = tpu.memref_slice %arg2[%mul3A_174, %dma_start3A_177] : memref<106496x128xf32, #tpu.memory_space<hbm>> -> memref<256x128xf32, #tpu.memory_space<hbm>>
          tpu.enqueue_dma source(%dma_start3A_178 : memref<256x128xf32, #tpu.memory_space<hbm>>) target(%arg8 : memref<256x128xf32, #tpu.memory_space<vmem>>) target_semaphore(%arg11 : memref<!tpu.dma_semaphore, #tpu.memory_space<semaphore_mem>>)
        } else {
        }
        %mul3A_126 = arith.constant 2 : i32
        %mul3A_127 = arith.muli %mul3A_126, %select_n3A_107 : i32
        %add3A_128 = arith.constant 0 : i32
        %add3A_129 = arith.addi %mul3A_127, %add3A_128 : i32
        %mul3A_130 = arith.constant 2 : i32
        %mul3A_131 = arith.muli %mul3A_130, %select_n3A_107 : i32
        %add3A_132 = arith.constant 1 : i32
        %add3A_133 = arith.addi %mul3A_131, %add3A_132 : i32
        %dma_start3A_134 = arith.constant 0 : i32
        %dma_start3A_135 = arith.constant 0 : i32
        %dma_start3A_136 = tpu.memref_slice %arg9[%dma_start3A_134, %dma_start3A_135] : memref<256x128xf32, #tpu.memory_space<vmem>> -> memref<128x128xf32, #tpu.memory_space<vmem>>
        %dma_start3A_137 = arith.constant 0 : i32
        %dma_start3A_138 = tpu.memref_slice %arg7[%add3A_129, %dma_start3A_137] : memref<8x128xi32, #tpu.memory_space<vmem>> -> memref<1x128xi32, #tpu.memory_space<vmem>>
        %dma_start3A_139 = tpu.memref_squeeze %dma_start3A_138 : memref<1x128xi32, #tpu.memory_space<vmem>> -> memref<128xi32, #tpu.memory_space<vmem>>
        %dma_start3A_140 = arith.constant 0 : i32
        %dma_start3A_141 = arith.constant 0 : i32
        %dma_start3A_142 = tpu.memref_slice %arg10[%dma_start3A_140, %dma_start3A_141] : memref<1024x128xf32, #tpu.memory_space<vmem_shared>> -> memref<1024x128xf32, #tpu.memory_space<vmem_shared>>
        tpu.enqueue_indirect_dma source(%dma_start3A_136 : memref<128x128xf32, #tpu.memory_space<vmem>>) target(%dma_start3A_142 : memref<1024x128xf32, #tpu.memory_space<vmem_shared>>) offsets(%dma_start3A_139 : memref<128xi32, #tpu.memory_space<vmem>>) semaphore(%arg12 : memref<!tpu.dma_semaphore, #tpu.memory_space<semaphore_mem>>) {add = true}
        %dma_start3A_143 = arith.constant 128 : i32
        %dma_start3A_144 = arith.constant 0 : i32
        %dma_start3A_145 = tpu.memref_slice %arg9[%dma_start3A_143, %dma_start3A_144] : memref<256x128xf32, #tpu.memory_space<vmem>> -> memref<128x128xf32, #tpu.memory_space<vmem>>
        %dma_start3A_146 = arith.constant 0 : i32
        %dma_start3A_147 = tpu.memref_slice %arg7[%add3A_133, %dma_start3A_146] : memref<8x128xi32, #tpu.memory_space<vmem>> -> memref<1x128xi32, #tpu.memory_space<vmem>>
        %dma_start3A_148 = tpu.memref_squeeze %dma_start3A_147 : memref<1x128xi32, #tpu.memory_space<vmem>> -> memref<128xi32, #tpu.memory_space<vmem>>
        %dma_start3A_149 = arith.constant 0 : i32
        %dma_start3A_150 = arith.constant 0 : i32
        %dma_start3A_151 = tpu.memref_slice %arg10[%dma_start3A_149, %dma_start3A_150] : memref<1024x128xf32, #tpu.memory_space<vmem_shared>> -> memref<1024x128xf32, #tpu.memory_space<vmem_shared>>
        tpu.enqueue_indirect_dma source(%dma_start3A_145 : memref<128x128xf32, #tpu.memory_space<vmem>>) target(%dma_start3A_151 : memref<1024x128xf32, #tpu.memory_space<vmem_shared>>) offsets(%dma_start3A_148 : memref<128xi32, #tpu.memory_space<vmem>>) semaphore(%arg12 : memref<!tpu.dma_semaphore, #tpu.memory_space<semaphore_mem>>) {add = true}
        %dma_wait3A_152 = arith.constant 0 : i32
        %dma_wait3A_153 = arith.constant 0 : i32
        %dma_wait3A_154 = tpu.memref_slice %arg9[%dma_wait3A_152, %dma_wait3A_153] : memref<256x128xf32, #tpu.memory_space<vmem>> -> memref<128x128xf32, #tpu.memory_space<vmem>>
        %dma_wait3A_155 = arith.constant 0 : i32
        %dma_wait3A_156 = tpu.memref_slice %arg7[%add3A_129, %dma_wait3A_155] : memref<8x128xi32, #tpu.memory_space<vmem>> -> memref<1x128xi32, #tpu.memory_space<vmem>>
        %dma_wait3A_157 = tpu.memref_squeeze %dma_wait3A_156 : memref<1x128xi32, #tpu.memory_space<vmem>> -> memref<128xi32, #tpu.memory_space<vmem>>
        %dma_wait3A_158 = arith.constant 0 : i32
        %dma_wait3A_159 = arith.constant 0 : i32
        %dma_wait3A_160 = tpu.memref_slice %arg10[%dma_wait3A_158, %dma_wait3A_159] : memref<1024x128xf32, #tpu.memory_space<vmem_shared>> -> memref<1024x128xf32, #tpu.memory_space<vmem_shared>>
        tpu.wait_indirect_dma semaphore(%arg12 : memref<!tpu.dma_semaphore, #tpu.memory_space<semaphore_mem>>) src(%dma_wait3A_154 : memref<128x128xf32, #tpu.memory_space<vmem>>) dst(%dma_wait3A_160 : memref<1024x128xf32, #tpu.memory_space<vmem_shared>>)
        %dma_wait3A_161 = arith.constant 128 : i32
        %dma_wait3A_162 = arith.constant 0 : i32
        %dma_wait3A_163 = tpu.memref_slice %arg9[%dma_wait3A_161, %dma_wait3A_162] : memref<256x128xf32, #tpu.memory_space<vmem>> -> memref<128x128xf32, #tpu.memory_space<vmem>>
        %dma_wait3A_164 = arith.constant 0 : i32
        %dma_wait3A_165 = tpu.memref_slice %arg7[%add3A_133, %dma_wait3A_164] : memref<8x128xi32, #tpu.memory_space<vmem>> -> memref<1x128xi32, #tpu.memory_space<vmem>>
        %dma_wait3A_166 = tpu.memref_squeeze %dma_wait3A_165 : memref<1x128xi32, #tpu.memory_space<vmem>> -> memref<128xi32, #tpu.memory_space<vmem>>
        %dma_wait3A_167 = arith.constant 0 : i32
        %dma_wait3A_168 = arith.constant 0 : i32
        %dma_wait3A_169 = tpu.memref_slice %arg10[%dma_wait3A_167, %dma_wait3A_168] : memref<1024x128xf32, #tpu.memory_space<vmem_shared>> -> memref<1024x128xf32, #tpu.memory_space<vmem_shared>>
        tpu.wait_indirect_dma semaphore(%arg12 : memref<!tpu.dma_semaphore, #tpu.memory_space<semaphore_mem>>) src(%dma_wait3A_163 : memref<128x128xf32, #tpu.memory_space<vmem>>) dst(%dma_wait3A_169 : memref<1024x128xf32, #tpu.memory_space<vmem_shared>>)
      } else {
      }
    }
    %eq3A = arith.constant 31 : i32
    %eq3A_42 = arith.cmpi eq, %add3A, %eq3A : i32
    %convert_element_type3A_43 = arith.extui %eq3A_42 : i1 to i32
    %cond3A = arith.constant 0 : i32
    %cond3A_44 = arith.cmpi ne, %convert_element_type3A_43, %cond3A : i32
    scf.if %cond3A_44 {
      "tpu.region"() ({
        %run_scoped3A_53 = tpu.sem_alloc : memref<!tpu.dma_semaphore, #tpu.memory_space<semaphore_mem>>
        %dma_start3A_54 = arith.constant 2496 : i32
        %dma_start3A_55 = arith.constant 0 : i32
        %dma_start3A_56 = tpu.memref_slice %arg4[%dma_start3A_54, %dma_start3A_55] : memref<2504x128xi32, #tpu.memory_space<hbm>> -> memref<8x128xi32, #tpu.memory_space<hbm>>
        %dma_start3A_57 = arith.constant 2496 : i32
        %dma_start3A_58 = arith.constant 0 : i32
        %dma_start3A_59 = tpu.memref_slice %arg4[%dma_start3A_57, %dma_start3A_58] : memref<2504x128xi32, #tpu.memory_space<hbm>> -> memref<8x128xi32, #tpu.memory_space<hbm>>
        tpu.enqueue_dma source(%dma_start3A_59 : memref<8x128xi32, #tpu.memory_space<hbm>>) target(%arg7 : memref<8x128xi32, #tpu.memory_space<vmem>>) target_semaphore(%run_scoped3A_53 : memref<!tpu.dma_semaphore, #tpu.memory_space<semaphore_mem>>)
        %dma_wait3A = arith.constant 2496 : i32
        %dma_wait3A_60 = arith.constant 0 : i32
        %dma_wait3A_61 = tpu.memref_slice %arg4[%dma_wait3A, %dma_wait3A_60] : memref<2504x128xi32, #tpu.memory_space<hbm>> -> memref<8x128xi32, #tpu.memory_space<hbm>>
        %dma_wait3A_62 = arith.constant 2496 : i32
        %dma_wait3A_63 = arith.constant 0 : i32
        %dma_wait3A_64 = tpu.memref_slice %arg4[%dma_wait3A_62, %dma_wait3A_63] : memref<2504x128xi32, #tpu.memory_space<hbm>> -> memref<8x128xi32, #tpu.memory_space<hbm>>
        tpu.wait_dma2 semaphore(%run_scoped3A_53 : memref<!tpu.dma_semaphore, #tpu.memory_space<semaphore_mem>>) src(%dma_wait3A_64 : memref<8x128xi32, #tpu.memory_space<hbm>>) dst(%arg7 : memref<8x128xi32, #tpu.memory_space<vmem>>)
        tpu.yield
      }) : () -> ()
      "tpu.region"() ({
        %run_scoped3A_53 = tpu.sem_alloc : memref<!tpu.dma_semaphore, #tpu.memory_space<semaphore_mem>>
        %dma_start3A_54 = arith.constant 0 : i32
        %dma_start3A_55 = arith.constant 0 : i32
        %dma_start3A_56 = tpu.memref_slice %arg3[%dma_start3A_54, %dma_start3A_55] : memref<512x128xf32, #tpu.memory_space<hbm>> -> memref<256x128xf32, #tpu.memory_space<hbm>>
        %dma_start3A_57 = arith.constant 0 : i32
        %dma_start3A_58 = arith.constant 0 : i32
        %dma_start3A_59 = tpu.memref_slice %arg3[%dma_start3A_57, %dma_start3A_58] : memref<512x128xf32, #tpu.memory_space<hbm>> -> memref<256x128xf32, #tpu.memory_space<hbm>>
        tpu.enqueue_dma source(%dma_start3A_59 : memref<256x128xf32, #tpu.memory_space<hbm>>) target(%arg8 : memref<256x128xf32, #tpu.memory_space<vmem>>) target_semaphore(%run_scoped3A_53 : memref<!tpu.dma_semaphore, #tpu.memory_space<semaphore_mem>>)
        %dma_wait3A = arith.constant 0 : i32
        %dma_wait3A_60 = arith.constant 0 : i32
        %dma_wait3A_61 = tpu.memref_slice %arg3[%dma_wait3A, %dma_wait3A_60] : memref<512x128xf32, #tpu.memory_space<hbm>> -> memref<256x128xf32, #tpu.memory_space<hbm>>
        %dma_wait3A_62 = arith.constant 0 : i32
        %dma_wait3A_63 = arith.constant 0 : i32
        %dma_wait3A_64 = tpu.memref_slice %arg3[%dma_wait3A_62, %dma_wait3A_63] : memref<512x128xf32, #tpu.memory_space<hbm>> -> memref<256x128xf32, #tpu.memory_space<hbm>>
        tpu.wait_dma2 semaphore(%run_scoped3A_53 : memref<!tpu.dma_semaphore, #tpu.memory_space<semaphore_mem>>) src(%dma_wait3A_64 : memref<256x128xf32, #tpu.memory_space<hbm>>) dst(%arg8 : memref<256x128xf32, #tpu.memory_space<vmem>>)
        tpu.yield
      }) : () -> ()
      %run_scoped3A = arith.constant 0 : i32
      "tpu.region"() ({
        %run_scoped3A_53 = tpu.sem_alloc : memref<!tpu.dma_semaphore, #tpu.memory_space<semaphore_mem>>
        %dma_start3A_54 = arith.constant 0 : i32
        %dma_start3A_55 = arith.constant 0 : i32
        %dma_start3A_56 = tpu.memref_slice %arg8[%dma_start3A_54, %dma_start3A_55] : memref<256x128xf32, #tpu.memory_space<vmem>> -> memref<128x128xf32, #tpu.memory_space<vmem>>
        %dma_start3A_57 = arith.constant 0 : i32
        %dma_start3A_58 = tpu.memref_slice %arg7[%run_scoped3A, %dma_start3A_57] : memref<8x128xi32, #tpu.memory_space<vmem>> -> memref<1x128xi32, #tpu.memory_space<vmem>>
        %dma_start3A_59 = tpu.memref_squeeze %dma_start3A_58 : memref<1x128xi32, #tpu.memory_space<vmem>> -> memref<128xi32, #tpu.memory_space<vmem>>
        %dma_start3A_60 = arith.constant 0 : i32
        %dma_start3A_61 = arith.constant 0 : i32
        %dma_start3A_62 = tpu.memref_slice %arg10[%dma_start3A_60, %dma_start3A_61] : memref<1024x128xf32, #tpu.memory_space<vmem_shared>> -> memref<1024x128xf32, #tpu.memory_space<vmem_shared>>
        tpu.enqueue_indirect_dma source(%dma_start3A_56 : memref<128x128xf32, #tpu.memory_space<vmem>>) target(%dma_start3A_62 : memref<1024x128xf32, #tpu.memory_space<vmem_shared>>) offsets(%dma_start3A_59 : memref<128xi32, #tpu.memory_space<vmem>>) semaphore(%run_scoped3A_53 : memref<!tpu.dma_semaphore, #tpu.memory_space<semaphore_mem>>) {add = true}
        %dma_wait3A = arith.constant 0 : i32
        %dma_wait3A_63 = arith.constant 0 : i32
        %dma_wait3A_64 = tpu.memref_slice %arg8[%dma_wait3A, %dma_wait3A_63] : memref<256x128xf32, #tpu.memory_space<vmem>> -> memref<128x128xf32, #tpu.memory_space<vmem>>
        %dma_wait3A_65 = arith.constant 0 : i32
        %dma_wait3A_66 = tpu.memref_slice %arg7[%run_scoped3A, %dma_wait3A_65] : memref<8x128xi32, #tpu.memory_space<vmem>> -> memref<1x128xi32, #tpu.memory_space<vmem>>
        %dma_wait3A_67 = tpu.memref_squeeze %dma_wait3A_66 : memref<1x128xi32, #tpu.memory_space<vmem>> -> memref<128xi32, #tpu.memory_space<vmem>>
        %dma_wait3A_68 = arith.constant 0 : i32
        %dma_wait3A_69 = arith.constant 0 : i32
        %dma_wait3A_70 = tpu.memref_slice %arg10[%dma_wait3A_68, %dma_wait3A_69] : memref<1024x128xf32, #tpu.memory_space<vmem_shared>> -> memref<1024x128xf32, #tpu.memory_space<vmem_shared>>
        tpu.wait_indirect_dma semaphore(%run_scoped3A_53 : memref<!tpu.dma_semaphore, #tpu.memory_space<semaphore_mem>>) src(%dma_wait3A_64 : memref<128x128xf32, #tpu.memory_space<vmem>>) dst(%dma_wait3A_70 : memref<1024x128xf32, #tpu.memory_space<vmem_shared>>)
        tpu.yield
      }) : () -> ()
      %run_scoped3A_50 = arith.constant 1 : i32
      "tpu.region"() ({
        %run_scoped3A_53 = tpu.sem_alloc : memref<!tpu.dma_semaphore, #tpu.memory_space<semaphore_mem>>
        %dma_start3A_54 = arith.constant 128 : i32
        %dma_start3A_55 = arith.constant 0 : i32
        %dma_start3A_56 = tpu.memref_slice %arg8[%dma_start3A_54, %dma_start3A_55] : memref<256x128xf32, #tpu.memory_space<vmem>> -> memref<128x128xf32, #tpu.memory_space<vmem>>
        %dma_start3A_57 = arith.constant 0 : i32
        %dma_start3A_58 = tpu.memref_slice %arg7[%run_scoped3A_50, %dma_start3A_57] : memref<8x128xi32, #tpu.memory_space<vmem>> -> memref<1x128xi32, #tpu.memory_space<vmem>>
        %dma_start3A_59 = tpu.memref_squeeze %dma_start3A_58 : memref<1x128xi32, #tpu.memory_space<vmem>> -> memref<128xi32, #tpu.memory_space<vmem>>
        %dma_start3A_60 = arith.constant 0 : i32
        %dma_start3A_61 = arith.constant 0 : i32
        %dma_start3A_62 = tpu.memref_slice %arg10[%dma_start3A_60, %dma_start3A_61] : memref<1024x128xf32, #tpu.memory_space<vmem_shared>> -> memref<1024x128xf32, #tpu.memory_space<vmem_shared>>
        tpu.enqueue_indirect_dma source(%dma_start3A_56 : memref<128x128xf32, #tpu.memory_space<vmem>>) target(%dma_start3A_62 : memref<1024x128xf32, #tpu.memory_space<vmem_shared>>) offsets(%dma_start3A_59 : memref<128xi32, #tpu.memory_space<vmem>>) semaphore(%run_scoped3A_53 : memref<!tpu.dma_semaphore, #tpu.memory_space<semaphore_mem>>) {add = true}
        %dma_wait3A = arith.constant 128 : i32
        %dma_wait3A_63 = arith.constant 0 : i32
        %dma_wait3A_64 = tpu.memref_slice %arg8[%dma_wait3A, %dma_wait3A_63] : memref<256x128xf32, #tpu.memory_space<vmem>> -> memref<128x128xf32, #tpu.memory_space<vmem>>
        %dma_wait3A_65 = arith.constant 0 : i32
        %dma_wait3A_66 = tpu.memref_slice %arg7[%run_scoped3A_50, %dma_wait3A_65] : memref<8x128xi32, #tpu.memory_space<vmem>> -> memref<1x128xi32, #tpu.memory_space<vmem>>
        %dma_wait3A_67 = tpu.memref_squeeze %dma_wait3A_66 : memref<1x128xi32, #tpu.memory_space<vmem>> -> memref<128xi32, #tpu.memory_space<vmem>>
        %dma_wait3A_68 = arith.constant 0 : i32
        %dma_wait3A_69 = arith.constant 0 : i32
        %dma_wait3A_70 = tpu.memref_slice %arg10[%dma_wait3A_68, %dma_wait3A_69] : memref<1024x128xf32, #tpu.memory_space<vmem_shared>> -> memref<1024x128xf32, #tpu.memory_space<vmem_shared>>
        tpu.wait_indirect_dma semaphore(%run_scoped3A_53 : memref<!tpu.dma_semaphore, #tpu.memory_space<semaphore_mem>>) src(%dma_wait3A_64 : memref<128x128xf32, #tpu.memory_space<vmem>>) dst(%dma_wait3A_70 : memref<1024x128xf32, #tpu.memory_space<vmem_shared>>)
        tpu.yield
      }) : () -> ()
      "tpu.region"() ({
        %run_scoped3A_53 = tpu.sem_alloc : memref<!tpu.dma_semaphore, #tpu.memory_space<semaphore_mem>>
        %dma_start3A_54 = arith.constant 256 : i32
        %dma_start3A_55 = arith.constant 0 : i32
        %dma_start3A_56 = tpu.memref_slice %arg3[%dma_start3A_54, %dma_start3A_55] : memref<512x128xf32, #tpu.memory_space<hbm>> -> memref<256x128xf32, #tpu.memory_space<hbm>>
        %dma_start3A_57 = arith.constant 256 : i32
        %dma_start3A_58 = arith.constant 0 : i32
        %dma_start3A_59 = tpu.memref_slice %arg3[%dma_start3A_57, %dma_start3A_58] : memref<512x128xf32, #tpu.memory_space<hbm>> -> memref<256x128xf32, #tpu.memory_space<hbm>>
        tpu.enqueue_dma source(%dma_start3A_59 : memref<256x128xf32, #tpu.memory_space<hbm>>) target(%arg8 : memref<256x128xf32, #tpu.memory_space<vmem>>) target_semaphore(%run_scoped3A_53 : memref<!tpu.dma_semaphore, #tpu.memory_space<semaphore_mem>>)
        %dma_wait3A = arith.constant 256 : i32
        %dma_wait3A_60 = arith.constant 0 : i32
        %dma_wait3A_61 = tpu.memref_slice %arg3[%dma_wait3A, %dma_wait3A_60] : memref<512x128xf32, #tpu.memory_space<hbm>> -> memref<256x128xf32, #tpu.memory_space<hbm>>
        %dma_wait3A_62 = arith.constant 256 : i32
        %dma_wait3A_63 = arith.constant 0 : i32
        %dma_wait3A_64 = tpu.memref_slice %arg3[%dma_wait3A_62, %dma_wait3A_63] : memref<512x128xf32, #tpu.memory_space<hbm>> -> memref<256x128xf32, #tpu.memory_space<hbm>>
        tpu.wait_dma2 semaphore(%run_scoped3A_53 : memref<!tpu.dma_semaphore, #tpu.memory_space<semaphore_mem>>) src(%dma_wait3A_64 : memref<256x128xf32, #tpu.memory_space<hbm>>) dst(%arg8 : memref<256x128xf32, #tpu.memory_space<vmem>>)
        tpu.yield
      }) : () -> ()
      %run_scoped3A_51 = arith.constant 2 : i32
      "tpu.region"() ({
        %run_scoped3A_53 = tpu.sem_alloc : memref<!tpu.dma_semaphore, #tpu.memory_space<semaphore_mem>>
        %dma_start3A_54 = arith.constant 0 : i32
        %dma_start3A_55 = arith.constant 0 : i32
        %dma_start3A_56 = tpu.memref_slice %arg8[%dma_start3A_54, %dma_start3A_55] : memref<256x128xf32, #tpu.memory_space<vmem>> -> memref<128x128xf32, #tpu.memory_space<vmem>>
        %dma_start3A_57 = arith.constant 0 : i32
        %dma_start3A_58 = tpu.memref_slice %arg7[%run_scoped3A_51, %dma_start3A_57] : memref<8x128xi32, #tpu.memory_space<vmem>> -> memref<1x128xi32, #tpu.memory_space<vmem>>
        %dma_start3A_59 = tpu.memref_squeeze %dma_start3A_58 : memref<1x128xi32, #tpu.memory_space<vmem>> -> memref<128xi32, #tpu.memory_space<vmem>>
        %dma_start3A_60 = arith.constant 0 : i32
        %dma_start3A_61 = arith.constant 0 : i32
        %dma_start3A_62 = tpu.memref_slice %arg10[%dma_start3A_60, %dma_start3A_61] : memref<1024x128xf32, #tpu.memory_space<vmem_shared>> -> memref<1024x128xf32, #tpu.memory_space<vmem_shared>>
        tpu.enqueue_indirect_dma source(%dma_start3A_56 : memref<128x128xf32, #tpu.memory_space<vmem>>) target(%dma_start3A_62 : memref<1024x128xf32, #tpu.memory_space<vmem_shared>>) offsets(%dma_start3A_59 : memref<128xi32, #tpu.memory_space<vmem>>) semaphore(%run_scoped3A_53 : memref<!tpu.dma_semaphore, #tpu.memory_space<semaphore_mem>>) {add = true}
        %dma_wait3A = arith.constant 0 : i32
        %dma_wait3A_63 = arith.constant 0 : i32
        %dma_wait3A_64 = tpu.memref_slice %arg8[%dma_wait3A, %dma_wait3A_63] : memref<256x128xf32, #tpu.memory_space<vmem>> -> memref<128x128xf32, #tpu.memory_space<vmem>>
        %dma_wait3A_65 = arith.constant 0 : i32
        %dma_wait3A_66 = tpu.memref_slice %arg7[%run_scoped3A_51, %dma_wait3A_65] : memref<8x128xi32, #tpu.memory_space<vmem>> -> memref<1x128xi32, #tpu.memory_space<vmem>>
        %dma_wait3A_67 = tpu.memref_squeeze %dma_wait3A_66 : memref<1x128xi32, #tpu.memory_space<vmem>> -> memref<128xi32, #tpu.memory_space<vmem>>
        %dma_wait3A_68 = arith.constant 0 : i32
        %dma_wait3A_69 = arith.constant 0 : i32
        %dma_wait3A_70 = tpu.memref_slice %arg10[%dma_wait3A_68, %dma_wait3A_69] : memref<1024x128xf32, #tpu.memory_space<vmem_shared>> -> memref<1024x128xf32, #tpu.memory_space<vmem_shared>>
        tpu.wait_indirect_dma semaphore(%run_scoped3A_53 : memref<!tpu.dma_semaphore, #tpu.memory_space<semaphore_mem>>) src(%dma_wait3A_64 : memref<128x128xf32, #tpu.memory_space<vmem>>) dst(%dma_wait3A_70 : memref<1024x128xf32, #tpu.memory_space<vmem_shared>>)
        tpu.yield
      }) : () -> ()
      %run_scoped3A_52 = arith.constant 3 : i32
      "tpu.region"() ({
        %run_scoped3A_53 = tpu.sem_alloc : memref<!tpu.dma_semaphore, #tpu.memory_space<semaphore_mem>>
        %dma_start3A_54 = arith.constant 128 : i32
        %dma_start3A_55 = arith.constant 0 : i32
        %dma_start3A_56 = tpu.memref_slice %arg8[%dma_start3A_54, %dma_start3A_55] : memref<256x128xf32, #tpu.memory_space<vmem>> -> memref<128x128xf32, #tpu.memory_space<vmem>>
        %dma_start3A_57 = arith.constant 0 : i32
        %dma_start3A_58 = tpu.memref_slice %arg7[%run_scoped3A_52, %dma_start3A_57] : memref<8x128xi32, #tpu.memory_space<vmem>> -> memref<1x128xi32, #tpu.memory_space<vmem>>
        %dma_start3A_59 = tpu.memref_squeeze %dma_start3A_58 : memref<1x128xi32, #tpu.memory_space<vmem>> -> memref<128xi32, #tpu.memory_space<vmem>>
        %dma_start3A_60 = arith.constant 0 : i32
        %dma_start3A_61 = arith.constant 0 : i32
        %dma_start3A_62 = tpu.memref_slice %arg10[%dma_start3A_60, %dma_start3A_61] : memref<1024x128xf32, #tpu.memory_space<vmem_shared>> -> memref<1024x128xf32, #tpu.memory_space<vmem_shared>>
        tpu.enqueue_indirect_dma source(%dma_start3A_56 : memref<128x128xf32, #tpu.memory_space<vmem>>) target(%dma_start3A_62 : memref<1024x128xf32, #tpu.memory_space<vmem_shared>>) offsets(%dma_start3A_59 : memref<128xi32, #tpu.memory_space<vmem>>) semaphore(%run_scoped3A_53 : memref<!tpu.dma_semaphore, #tpu.memory_space<semaphore_mem>>) {add = true}
        %dma_wait3A = arith.constant 128 : i32
        %dma_wait3A_63 = arith.constant 0 : i32
        %dma_wait3A_64 = tpu.memref_slice %arg8[%dma_wait3A, %dma_wait3A_63] : memref<256x128xf32, #tpu.memory_space<vmem>> -> memref<128x128xf32, #tpu.memory_space<vmem>>
        %dma_wait3A_65 = arith.constant 0 : i32
        %dma_wait3A_66 = tpu.memref_slice %arg7[%run_scoped3A_52, %dma_wait3A_65] : memref<8x128xi32, #tpu.memory_space<vmem>> -> memref<1x128xi32, #tpu.memory_space<vmem>>
        %dma_wait3A_67 = tpu.memref_squeeze %dma_wait3A_66 : memref<1x128xi32, #tpu.memory_space<vmem>> -> memref<128xi32, #tpu.memory_space<vmem>>
        %dma_wait3A_68 = arith.constant 0 : i32
        %dma_wait3A_69 = arith.constant 0 : i32
        %dma_wait3A_70 = tpu.memref_slice %arg10[%dma_wait3A_68, %dma_wait3A_69] : memref<1024x128xf32, #tpu.memory_space<vmem_shared>> -> memref<1024x128xf32, #tpu.memory_space<vmem_shared>>
        tpu.wait_indirect_dma semaphore(%run_scoped3A_53 : memref<!tpu.dma_semaphore, #tpu.memory_space<semaphore_mem>>) src(%dma_wait3A_64 : memref<128x128xf32, #tpu.memory_space<vmem>>) dst(%dma_wait3A_70 : memref<1024x128xf32, #tpu.memory_space<vmem_shared>>)
        tpu.yield
      }) : () -> ()
    } else {
    }
    %barrier3A_45 = arith.constant 0 : index
    tpu.barrier barrier_id(%barrier3A_45)
    %mul3A_46 = arith.constant 64 : i32
    %mul3A_47 = arith.muli %arg1, %mul3A_46 : i32
    %mul3A_48 = arith.constant 64 : i32
    %mul3A_49 = arith.muli %arg1, %mul3A_48 : i32
    "tpu.region"() ({
      %run_scoped3A = tpu.sem_alloc : memref<!tpu.dma_semaphore, #tpu.memory_space<semaphore_mem>>
      %dma_start3A_50 = arith.constant 0 : i32
      %dma_start3A_51 = arith.constant 0 : i32
      %dma_start3A_52 = tpu.memref_slice %arg6[%arg0, %dma_start3A_50, %dma_start3A_51] : memref<2x1024x128xf32, #tpu.memory_space<hbm>> -> memref<1x1024x128xf32, #tpu.memory_space<hbm>>
      %dma_start3A_53 = tpu.memref_squeeze %dma_start3A_52 : memref<1x1024x128xf32, #tpu.memory_space<hbm>> -> memref<1024x128xf32, #tpu.memory_space<hbm>>
      %dma_start3A_54 = arith.constant 0 : i32
      %dma_start3A_55 = tpu.memref_slice %dma_start3A_53[%mul3A_49, %dma_start3A_54] : memref<1024x128xf32, #tpu.memory_space<hbm>> -> memref<64x128xf32, #tpu.memory_space<hbm>>
      %dma_start3A_56 = arith.constant 0 : i32
      %dma_start3A_57 = tpu.memref_slice %arg10[%mul3A_47, %dma_start3A_56] : memref<1024x128xf32, #tpu.memory_space<vmem_shared>> -> memref<64x128xf32, #tpu.memory_space<vmem_shared>>
      tpu.enqueue_dma source(%dma_start3A_57 : memref<64x128xf32, #tpu.memory_space<vmem_shared>>) target(%dma_start3A_55 : memref<64x128xf32, #tpu.memory_space<hbm>>) target_semaphore(%run_scoped3A : memref<!tpu.dma_semaphore, #tpu.memory_space<semaphore_mem>>)
      %dma_wait3A = arith.constant 0 : i32
      %dma_wait3A_58 = arith.constant 0 : i32
      %dma_wait3A_59 = tpu.memref_slice %arg6[%arg0, %dma_wait3A, %dma_wait3A_58] : memref<2x1024x128xf32, #tpu.memory_space<hbm>> -> memref<1x1024x128xf32, #tpu.memory_space<hbm>>
      %dma_wait3A_60 = tpu.memref_squeeze %dma_wait3A_59 : memref<1x1024x128xf32, #tpu.memory_space<hbm>> -> memref<1024x128xf32, #tpu.memory_space<hbm>>
      %dma_wait3A_61 = arith.constant 0 : i32
      %dma_wait3A_62 = tpu.memref_slice %dma_wait3A_60[%mul3A_49, %dma_wait3A_61] : memref<1024x128xf32, #tpu.memory_space<hbm>> -> memref<64x128xf32, #tpu.memory_space<hbm>>
      %dma_wait3A_63 = arith.constant 0 : i32
      %dma_wait3A_64 = tpu.memref_slice %arg10[%mul3A_47, %dma_wait3A_63] : memref<1024x128xf32, #tpu.memory_space<vmem_shared>> -> memref<64x128xf32, #tpu.memory_space<vmem_shared>>
      tpu.wait_dma2 semaphore(%run_scoped3A : memref<!tpu.dma_semaphore, #tpu.memory_space<semaphore_mem>>) src(%dma_wait3A_64 : memref<64x128xf32, #tpu.memory_space<vmem_shared>>) dst(%dma_wait3A_62 : memref<64x128xf32, #tpu.memory_space<hbm>>)
      tpu.yield
    }) : () -> ()
    return
  }
}

#map = affine_map<(d0, d1) -> (0, 0)>
#map1 = affine_map<(d0, d1) -> (0, 0, 0)>
module attributes {stable_mosaic.version = 14 : i64} {
  func.func @body(%arg0: i32, %arg1: i32, %arg2: memref<106496x128xf32, #tpu.memory_space<hbm>>, %arg3: memref<2504x128xi32, #tpu.memory_space<hbm>>, %arg4: memref<64x128xf32, #tpu.memory_space<hbm>>, %arg5: memref<2x1024x128xf32, #tpu.memory_space<hbm>>, %arg6: memref<8x128xi32, #tpu.memory_space<vmem>>, %arg7: memref<256x128xf32, #tpu.memory_space<vmem>>, %arg8: memref<256x128xf32, #tpu.memory_space<vmem>>, %arg9: memref<1024x128xf32, #tpu.memory_space<vmem_shared>>, %arg10: memref<!tpu.dma_semaphore, #tpu.memory_space<semaphore_mem>>, %arg11: memref<!tpu.dma_semaphore, #tpu.memory_space<semaphore_mem>>) attributes {dimension_semantics = [#tpu.dimension_semantics<core_parallel>, #tpu.dimension_semantics<subcore_parallel>], iteration_bounds = array<i64: 2, 16>, scalar_prefetch = 0 : i64, scratch_operands = 6 : i64, tpu.core_type = #tpu.core_type<sc_vector_subcore>, window_params = [{transform_indices = #map}, {transform_indices = #map}, {transform_indices = #map}, {transform_indices = #map1}]} {
    %mul3A = arith.constant 2 : i32
    %mul3A_0 = arith.muli %arg1, %mul3A : i32
    %add3A = arith.addi %mul3A_0, %arg0 : i32
    %mul3A_1 = arith.constant 64 : i32
    %mul3A_2 = arith.muli %arg1, %mul3A_1 : i32
    "tpu.region"() ({
      %run_scoped3A = tpu.sem_alloc : memref<!tpu.dma_semaphore, #tpu.memory_space<semaphore_mem>>
      %dma_start3A_47 = arith.constant 0 : i32
      %dma_start3A_48 = tpu.memref_slice %arg9[%mul3A_2, %dma_start3A_47] : memref<1024x128xf32, #tpu.memory_space<vmem_shared>> -> memref<64x128xf32, #tpu.memory_space<vmem_shared>>
      tpu.enqueue_dma source(%arg4 : memref<64x128xf32, #tpu.memory_space<hbm>>) target(%dma_start3A_48 : memref<64x128xf32, #tpu.memory_space<vmem_shared>>) target_semaphore(%run_scoped3A : memref<!tpu.dma_semaphore, #tpu.memory_space<semaphore_mem>>)
      %dma_wait3A = arith.constant 0 : i32
      %dma_wait3A_49 = tpu.memref_slice %arg9[%mul3A_2, %dma_wait3A] : memref<1024x128xf32, #tpu.memory_space<vmem_shared>> -> memref<64x128xf32, #tpu.memory_space<vmem_shared>>
      tpu.wait_dma2 semaphore(%run_scoped3A : memref<!tpu.dma_semaphore, #tpu.memory_space<semaphore_mem>>) src(%arg4 : memref<64x128xf32, #tpu.memory_space<hbm>>) dst(%dma_wait3A_49 : memref<64x128xf32, #tpu.memory_space<vmem_shared>>)
      tpu.yield
    }) : () -> ()
    %barrier3A = arith.constant 0 : index
    tpu.barrier barrier_id(%barrier3A)
    %mul3A_3 = arith.constant 13 : i32
    %mul3A_4 = arith.muli %add3A, %mul3A_3 : i32
    %min3A = arith.constant 0 : i32
    %min3A_5 = arith.minsi %add3A, %min3A : i32
    %add3A_6 = arith.addi %mul3A_4, %min3A_5 : i32
    %lt3A = arith.constant 0 : i32
    %lt3A_7 = arith.cmpi slt, %add3A, %lt3A : i32
    %convert_element_type3A = arith.extui %lt3A_7 : i1 to i32
    %add3A_8 = arith.constant 13 : i32
    %add3A_9 = arith.addi %add3A_8, %convert_element_type3A : i32
    %mul3A_10 = arith.constant 256 : i32
    %mul3A_11 = arith.muli %add3A_6, %mul3A_10 : i32
    %dma_start3A = arith.constant 0 : i32
    %dma_start3A_12 = tpu.memref_slice %arg2[%mul3A_11, %dma_start3A] : memref<106496x128xf32, #tpu.memory_space<hbm>> -> memref<256x128xf32, #tpu.memory_space<hbm>>
    %dma_start3A_13 = arith.constant 0 : i32
    %dma_start3A_14 = tpu.memref_slice %arg2[%mul3A_11, %dma_start3A_13] : memref<106496x128xf32, #tpu.memory_space<hbm>> -> memref<256x128xf32, #tpu.memory_space<hbm>>
    tpu.enqueue_dma source(%dma_start3A_14 : memref<256x128xf32, #tpu.memory_space<hbm>>) target(%arg7 : memref<256x128xf32, #tpu.memory_space<vmem>>) target_semaphore(%arg10 : memref<!tpu.dma_semaphore, #tpu.memory_space<semaphore_mem>>)
    %add3A_15 = arith.constant 1 : i32
    %add3A_16 = arith.addi %add3A_9, %add3A_15 : i32
    %jit3A = arith.constant 2 : i32
    %div3A = arith.divsi %add3A_16, %jit3A : i32
    %sign3A = arith.constant 0 : i32
    %sign3A_17 = arith.cmpi sgt, %add3A_16, %sign3A : i32
    %sign3A_18 = arith.extui %sign3A_17 : i1 to i32
    %sign3A_19 = arith.constant 0 : i32
    %sign3A_20 = arith.cmpi slt, %add3A_16, %sign3A_19 : i32
    %sign3A_21 = arith.extui %sign3A_20 : i1 to i32
    %sign3A_22 = arith.subi %sign3A_18, %sign3A_21 : i32
    %sign3A_23 = arith.constant 0 : i32
    %sign3A_24 = arith.cmpi sgt, %jit3A, %sign3A_23 : i32
    %sign3A_25 = arith.extui %sign3A_24 : i1 to i32
    %sign3A_26 = arith.constant 0 : i32
    %sign3A_27 = arith.cmpi slt, %jit3A, %sign3A_26 : i32
    %sign3A_28 = arith.extui %sign3A_27 : i1 to i32
    %sign3A_29 = arith.subi %sign3A_25, %sign3A_28 : i32
    %ne3A = arith.cmpi ne, %sign3A_22, %sign3A_29 : i32
    %rem3A = arith.remsi %add3A_16, %jit3A : i32
    %ne3A_30 = arith.constant 0 : i32
    %ne3A_31 = arith.cmpi ne, %rem3A, %ne3A_30 : i32
    %and3A = arith.andi %ne3A, %ne3A_31 : i1
    %sub3A = arith.constant 1 : i32
    %sub3A_32 = arith.subi %div3A, %sub3A : i32
    %select_n3A = arith.select %and3A, %sub3A_32, %div3A : i32
    %while3A = arith.constant 0 : i32
    %while3A_33 = arith.constant 0 : i32
    %while3A_34 = arith.subi %select_n3A, %while3A_33 : i32
    %while3A_35 = arith.addi %while3A_33, %while3A_34 : i32
    %while3A_36 = arith.constant 1 : i32
    %while3A_37 = arith.divsi %while3A_34, %while3A_36 : i32
    %while3A_38 = arith.muli %while3A_37, %while3A_36 : i32
    %while3A_39 = arith.addi %while3A_33, %while3A_38 : i32
    %while3A_40 = arith.constant 1 : i32
    scf.for %while3A_47 = %while3A_33 to %while3A_39 step %while3A_40  : i32 {
      %mul3A_48 = arith.constant 2 : i32
      %mul3A_49 = arith.muli %mul3A_48, %while3A_47 : i32
      %add3A_50 = arith.constant 0 : i32
      %add3A_51 = arith.addi %mul3A_49, %add3A_50 : i32
      %lt3A_52 = arith.cmpi slt, %add3A_51, %add3A_9 : i32
      %convert_element_type3A_53 = arith.extui %lt3A_52 : i1 to i32
      %cond3A = arith.constant 0 : i32
      %cond3A_54 = arith.cmpi ne, %convert_element_type3A_53, %cond3A : i32
      scf.if %cond3A_54 {
        %add3A_63 = arith.addi %add3A_6, %add3A_51 : i32
        %jit3A_64 = arith.constant 4 : i32
        %div3A_65 = arith.divsi %add3A_63, %jit3A_64 : i32
        %sign3A_66 = arith.constant 0 : i32
        %sign3A_67 = arith.cmpi sgt, %add3A_63, %sign3A_66 : i32
        %sign3A_68 = arith.extui %sign3A_67 : i1 to i32
        %sign3A_69 = arith.constant 0 : i32
        %sign3A_70 = arith.cmpi slt, %add3A_63, %sign3A_69 : i32
        %sign3A_71 = arith.extui %sign3A_70 : i1 to i32
        %sign3A_72 = arith.subi %sign3A_68, %sign3A_71 : i32
        %sign3A_73 = arith.constant 0 : i32
        %sign3A_74 = arith.cmpi sgt, %jit3A_64, %sign3A_73 : i32
        %sign3A_75 = arith.extui %sign3A_74 : i1 to i32
        %sign3A_76 = arith.constant 0 : i32
        %sign3A_77 = arith.cmpi slt, %jit3A_64, %sign3A_76 : i32
        %sign3A_78 = arith.extui %sign3A_77 : i1 to i32
        %sign3A_79 = arith.subi %sign3A_75, %sign3A_78 : i32
        %ne3A_80 = arith.cmpi ne, %sign3A_72, %sign3A_79 : i32
        %rem3A_81 = arith.remsi %add3A_63, %jit3A_64 : i32
        %ne3A_82 = arith.constant 0 : i32
        %ne3A_83 = arith.cmpi ne, %rem3A_81, %ne3A_82 : i32
        %and3A_84 = arith.andi %ne3A_80, %ne3A_83 : i1
        %sub3A_85 = arith.constant 1 : i32
        %sub3A_86 = arith.subi %div3A_65, %sub3A_85 : i32
        %select_n3A_87 = arith.select %and3A_84, %sub3A_86, %div3A_65 : i32
        %jit3A_88 = arith.constant 4 : i32
        %eq3A = arith.constant 0 : i32
        %eq3A_89 = arith.cmpi eq, %jit3A_88, %eq3A : i32
        %jit3A_90 = arith.constant 1 : i32
        %select_n3A_91 = arith.select %eq3A_89, %jit3A_90, %jit3A_88 : i32
        %rem3A_92 = arith.remsi %add3A_63, %select_n3A_91 : i32
        %ne3A_93 = arith.constant 0 : i32
        %ne3A_94 = arith.cmpi ne, %rem3A_92, %ne3A_93 : i32
        %lt3A_95 = arith.constant 0 : i32
        %lt3A_96 = arith.cmpi slt, %rem3A_92, %lt3A_95 : i32
        %lt3A_97 = arith.constant 0 : i32
        %lt3A_98 = arith.cmpi slt, %select_n3A_91, %lt3A_97 : i32
        %ne3A_99 = arith.xori %lt3A_96, %lt3A_98 : i1
        %and3A_100 = arith.andi %ne3A_99, %ne3A_94 : i1
        %add3A_101 = arith.addi %rem3A_92, %select_n3A_91 : i32
        %select_n3A_102 = arith.select %and3A_100, %add3A_101, %rem3A_92 : i32
        %eq3A_103 = arith.constant 0 : i32
        %eq3A_104 = arith.cmpi eq, %select_n3A_102, %eq3A_103 : i32
        %eq3A_105 = arith.constant 0 : i32
        %eq3A_106 = arith.cmpi eq, %add3A_51, %eq3A_105 : i32
        %or3A = arith.ori %eq3A_104, %eq3A_106 : i1
        %convert_element_type3A_107 = arith.extui %or3A : i1 to i32
        %cond3A_108 = arith.constant 0 : i32
        %cond3A_109 = arith.cmpi ne, %convert_element_type3A_107, %cond3A_108 : i32
        scf.if %cond3A_109 {
          %add3A_165 = arith.constant 0 : i32
          %add3A_166 = arith.addi %add3A_165, %select_n3A_87 : i32
          %mul3A_167 = arith.constant 8 : i32
          %mul3A_168 = arith.muli %add3A_166, %mul3A_167 : i32
          "tpu.region"() ({
            %run_scoped3A = tpu.sem_alloc : memref<!tpu.dma_semaphore, #tpu.memory_space<semaphore_mem>>
            %dma_start3A_169 = arith.constant 0 : i32
            %dma_start3A_170 = tpu.memref_slice %arg3[%mul3A_168, %dma_start3A_169] : memref<2504x128xi32, #tpu.memory_space<hbm>> -> memref<8x128xi32, #tpu.memory_space<hbm>>
            %dma_start3A_171 = arith.constant 0 : i32
            %dma_start3A_172 = tpu.memref_slice %arg3[%mul3A_168, %dma_start3A_171] : memref<2504x128xi32, #tpu.memory_space<hbm>> -> memref<8x128xi32, #tpu.memory_space<hbm>>
            tpu.enqueue_dma source(%dma_start3A_172 : memref<8x128xi32, #tpu.memory_space<hbm>>) target(%arg6 : memref<8x128xi32, #tpu.memory_space<vmem>>) target_semaphore(%run_scoped3A : memref<!tpu.dma_semaphore, #tpu.memory_space<semaphore_mem>>)
            %dma_wait3A_173 = arith.constant 0 : i32
            %dma_wait3A_174 = tpu.memref_slice %arg3[%mul3A_168, %dma_wait3A_173] : memref<2504x128xi32, #tpu.memory_space<hbm>> -> memref<8x128xi32, #tpu.memory_space<hbm>>
            %dma_wait3A_175 = arith.constant 0 : i32
            %dma_wait3A_176 = tpu.memref_slice %arg3[%mul3A_168, %dma_wait3A_175] : memref<2504x128xi32, #tpu.memory_space<hbm>> -> memref<8x128xi32, #tpu.memory_space<hbm>>
            tpu.wait_dma2 semaphore(%run_scoped3A : memref<!tpu.dma_semaphore, #tpu.memory_space<semaphore_mem>>) src(%dma_wait3A_176 : memref<8x128xi32, #tpu.memory_space<hbm>>) dst(%arg6 : memref<8x128xi32, #tpu.memory_space<vmem>>)
            tpu.yield
          }) : () -> ()
        } else {
        }
        %dma_wait3A = arith.constant 0 : i32
        %dma_wait3A_110 = arith.constant 0 : i32
        %dma_wait3A_111 = tpu.memref_slice %arg2[%dma_wait3A, %dma_wait3A_110] : memref<106496x128xf32, #tpu.memory_space<hbm>> -> memref<256x128xf32, #tpu.memory_space<hbm>>
        %dma_wait3A_112 = arith.constant 0 : i32
        %dma_wait3A_113 = arith.constant 0 : i32
        %dma_wait3A_114 = tpu.memref_slice %arg2[%dma_wait3A_112, %dma_wait3A_113] : memref<106496x128xf32, #tpu.memory_space<hbm>> -> memref<256x128xf32, #tpu.memory_space<hbm>>
        tpu.wait_dma2 semaphore(%arg10 : memref<!tpu.dma_semaphore, #tpu.memory_space<semaphore_mem>>) src(%dma_wait3A_114 : memref<256x128xf32, #tpu.memory_space<hbm>>) dst(%arg7 : memref<256x128xf32, #tpu.memory_space<vmem>>)
        %add3A_115 = arith.constant 1 : i32
        %add3A_116 = arith.addi %add3A_51, %add3A_115 : i32
        %lt3A_117 = arith.cmpi slt, %add3A_116, %add3A_9 : i32
        %convert_element_type3A_118 = arith.extui %lt3A_117 : i1 to i32
        %cond3A_119 = arith.constant 0 : i32
        %cond3A_120 = arith.cmpi ne, %convert_element_type3A_118, %cond3A_119 : i32
        scf.if %cond3A_120 {
          %add3A_165 = arith.addi %add3A_6, %add3A_51 : i32
          %add3A_166 = arith.constant 1 : i32
          %add3A_167 = arith.addi %add3A_165, %add3A_166 : i32
          %mul3A_168 = arith.constant 256 : i32
          %mul3A_169 = arith.muli %add3A_167, %mul3A_168 : i32
          %dma_start3A_170 = arith.constant 0 : i32
          %dma_start3A_171 = tpu.memref_slice %arg2[%mul3A_169, %dma_start3A_170] : memref<106496x128xf32, #tpu.memory_space<hbm>> -> memref<256x128xf32, #tpu.memory_space<hbm>>
          %dma_start3A_172 = arith.constant 0 : i32
          %dma_start3A_173 = tpu.memref_slice %arg2[%mul3A_169, %dma_start3A_172] : memref<106496x128xf32, #tpu.memory_space<hbm>> -> memref<256x128xf32, #tpu.memory_space<hbm>>
          tpu.enqueue_dma source(%dma_start3A_173 : memref<256x128xf32, #tpu.memory_space<hbm>>) target(%arg8 : memref<256x128xf32, #tpu.memory_space<vmem>>) target_semaphore(%arg11 : memref<!tpu.dma_semaphore, #tpu.memory_space<semaphore_mem>>)
        } else {
        }
        %mul3A_121 = arith.constant 2 : i32
        %mul3A_122 = arith.muli %mul3A_121, %select_n3A_102 : i32
        %add3A_123 = arith.constant 0 : i32
        %add3A_124 = arith.addi %mul3A_122, %add3A_123 : i32
        %mul3A_125 = arith.constant 2 : i32
        %mul3A_126 = arith.muli %mul3A_125, %select_n3A_102 : i32
        %add3A_127 = arith.constant 1 : i32
        %add3A_128 = arith.addi %mul3A_126, %add3A_127 : i32
        %dma_start3A_129 = arith.constant 0 : i32
        %dma_start3A_130 = arith.constant 0 : i32
        %dma_start3A_131 = tpu.memref_slice %arg7[%dma_start3A_129, %dma_start3A_130] : memref<256x128xf32, #tpu.memory_space<vmem>> -> memref<128x128xf32, #tpu.memory_space<vmem>>
        %dma_start3A_132 = arith.constant 0 : i32
        %dma_start3A_133 = tpu.memref_slice %arg6[%add3A_124, %dma_start3A_132] : memref<8x128xi32, #tpu.memory_space<vmem>> -> memref<1x128xi32, #tpu.memory_space<vmem>>
        %dma_start3A_134 = tpu.memref_squeeze %dma_start3A_133 : memref<1x128xi32, #tpu.memory_space<vmem>> -> memref<128xi32, #tpu.memory_space<vmem>>
        %dma_start3A_135 = arith.constant 0 : i32
        %dma_start3A_136 = arith.constant 0 : i32
        %dma_start3A_137 = tpu.memref_slice %arg9[%dma_start3A_135, %dma_start3A_136] : memref<1024x128xf32, #tpu.memory_space<vmem_shared>> -> memref<1024x128xf32, #tpu.memory_space<vmem_shared>>
        tpu.enqueue_indirect_dma source(%dma_start3A_131 : memref<128x128xf32, #tpu.memory_space<vmem>>) target(%dma_start3A_137 : memref<1024x128xf32, #tpu.memory_space<vmem_shared>>) offsets(%dma_start3A_134 : memref<128xi32, #tpu.memory_space<vmem>>) semaphore(%arg10 : memref<!tpu.dma_semaphore, #tpu.memory_space<semaphore_mem>>) {add = true}
        %dma_start3A_138 = arith.constant 128 : i32
        %dma_start3A_139 = arith.constant 0 : i32
        %dma_start3A_140 = tpu.memref_slice %arg7[%dma_start3A_138, %dma_start3A_139] : memref<256x128xf32, #tpu.memory_space<vmem>> -> memref<128x128xf32, #tpu.memory_space<vmem>>
        %dma_start3A_141 = arith.constant 0 : i32
        %dma_start3A_142 = tpu.memref_slice %arg6[%add3A_128, %dma_start3A_141] : memref<8x128xi32, #tpu.memory_space<vmem>> -> memref<1x128xi32, #tpu.memory_space<vmem>>
        %dma_start3A_143 = tpu.memref_squeeze %dma_start3A_142 : memref<1x128xi32, #tpu.memory_space<vmem>> -> memref<128xi32, #tpu.memory_space<vmem>>
        %dma_start3A_144 = arith.constant 0 : i32
        %dma_start3A_145 = arith.constant 0 : i32
        %dma_start3A_146 = tpu.memref_slice %arg9[%dma_start3A_144, %dma_start3A_145] : memref<1024x128xf32, #tpu.memory_space<vmem_shared>> -> memref<1024x128xf32, #tpu.memory_space<vmem_shared>>
        tpu.enqueue_indirect_dma source(%dma_start3A_140 : memref<128x128xf32, #tpu.memory_space<vmem>>) target(%dma_start3A_146 : memref<1024x128xf32, #tpu.memory_space<vmem_shared>>) offsets(%dma_start3A_143 : memref<128xi32, #tpu.memory_space<vmem>>) semaphore(%arg10 : memref<!tpu.dma_semaphore, #tpu.memory_space<semaphore_mem>>) {add = true}
        %dma_wait3A_147 = arith.constant 0 : i32
        %dma_wait3A_148 = arith.constant 0 : i32
        %dma_wait3A_149 = tpu.memref_slice %arg7[%dma_wait3A_147, %dma_wait3A_148] : memref<256x128xf32, #tpu.memory_space<vmem>> -> memref<128x128xf32, #tpu.memory_space<vmem>>
        %dma_wait3A_150 = arith.constant 0 : i32
        %dma_wait3A_151 = tpu.memref_slice %arg6[%add3A_124, %dma_wait3A_150] : memref<8x128xi32, #tpu.memory_space<vmem>> -> memref<1x128xi32, #tpu.memory_space<vmem>>
        %dma_wait3A_152 = tpu.memref_squeeze %dma_wait3A_151 : memref<1x128xi32, #tpu.memory_space<vmem>> -> memref<128xi32, #tpu.memory_space<vmem>>
        %dma_wait3A_153 = arith.constant 0 : i32
        %dma_wait3A_154 = arith.constant 0 : i32
        %dma_wait3A_155 = tpu.memref_slice %arg9[%dma_wait3A_153, %dma_wait3A_154] : memref<1024x128xf32, #tpu.memory_space<vmem_shared>> -> memref<1024x128xf32, #tpu.memory_space<vmem_shared>>
        tpu.wait_indirect_dma semaphore(%arg10 : memref<!tpu.dma_semaphore, #tpu.memory_space<semaphore_mem>>) src(%dma_wait3A_149 : memref<128x128xf32, #tpu.memory_space<vmem>>) dst(%dma_wait3A_155 : memref<1024x128xf32, #tpu.memory_space<vmem_shared>>)
        %dma_wait3A_156 = arith.constant 128 : i32
        %dma_wait3A_157 = arith.constant 0 : i32
        %dma_wait3A_158 = tpu.memref_slice %arg7[%dma_wait3A_156, %dma_wait3A_157] : memref<256x128xf32, #tpu.memory_space<vmem>> -> memref<128x128xf32, #tpu.memory_space<vmem>>
        %dma_wait3A_159 = arith.constant 0 : i32
        %dma_wait3A_160 = tpu.memref_slice %arg6[%add3A_128, %dma_wait3A_159] : memref<8x128xi32, #tpu.memory_space<vmem>> -> memref<1x128xi32, #tpu.memory_space<vmem>>
        %dma_wait3A_161 = tpu.memref_squeeze %dma_wait3A_160 : memref<1x128xi32, #tpu.memory_space<vmem>> -> memref<128xi32, #tpu.memory_space<vmem>>
        %dma_wait3A_162 = arith.constant 0 : i32
        %dma_wait3A_163 = arith.constant 0 : i32
        %dma_wait3A_164 = tpu.memref_slice %arg9[%dma_wait3A_162, %dma_wait3A_163] : memref<1024x128xf32, #tpu.memory_space<vmem_shared>> -> memref<1024x128xf32, #tpu.memory_space<vmem_shared>>
        tpu.wait_indirect_dma semaphore(%arg10 : memref<!tpu.dma_semaphore, #tpu.memory_space<semaphore_mem>>) src(%dma_wait3A_158 : memref<128x128xf32, #tpu.memory_space<vmem>>) dst(%dma_wait3A_164 : memref<1024x128xf32, #tpu.memory_space<vmem_shared>>)
      } else {
      }
      %mul3A_55 = arith.constant 2 : i32
      %mul3A_56 = arith.muli %mul3A_55, %while3A_47 : i32
      %add3A_57 = arith.constant 1 : i32
      %add3A_58 = arith.addi %mul3A_56, %add3A_57 : i32
      %lt3A_59 = arith.cmpi slt, %add3A_58, %add3A_9 : i32
      %convert_element_type3A_60 = arith.extui %lt3A_59 : i1 to i32
      %cond3A_61 = arith.constant 0 : i32
      %cond3A_62 = arith.cmpi ne, %convert_element_type3A_60, %cond3A_61 : i32
      scf.if %cond3A_62 {
        %add3A_63 = arith.addi %add3A_6, %add3A_58 : i32
        %jit3A_64 = arith.constant 4 : i32
        %div3A_65 = arith.divsi %add3A_63, %jit3A_64 : i32
        %sign3A_66 = arith.constant 0 : i32
        %sign3A_67 = arith.cmpi sgt, %add3A_63, %sign3A_66 : i32
        %sign3A_68 = arith.extui %sign3A_67 : i1 to i32
        %sign3A_69 = arith.constant 0 : i32
        %sign3A_70 = arith.cmpi slt, %add3A_63, %sign3A_69 : i32
        %sign3A_71 = arith.extui %sign3A_70 : i1 to i32
        %sign3A_72 = arith.subi %sign3A_68, %sign3A_71 : i32
        %sign3A_73 = arith.constant 0 : i32
        %sign3A_74 = arith.cmpi sgt, %jit3A_64, %sign3A_73 : i32
        %sign3A_75 = arith.extui %sign3A_74 : i1 to i32
        %sign3A_76 = arith.constant 0 : i32
        %sign3A_77 = arith.cmpi slt, %jit3A_64, %sign3A_76 : i32
        %sign3A_78 = arith.extui %sign3A_77 : i1 to i32
        %sign3A_79 = arith.subi %sign3A_75, %sign3A_78 : i32
        %ne3A_80 = arith.cmpi ne, %sign3A_72, %sign3A_79 : i32
        %rem3A_81 = arith.remsi %add3A_63, %jit3A_64 : i32
        %ne3A_82 = arith.constant 0 : i32
        %ne3A_83 = arith.cmpi ne, %rem3A_81, %ne3A_82 : i32
        %and3A_84 = arith.andi %ne3A_80, %ne3A_83 : i1
        %sub3A_85 = arith.constant 1 : i32
        %sub3A_86 = arith.subi %div3A_65, %sub3A_85 : i32
        %select_n3A_87 = arith.select %and3A_84, %sub3A_86, %div3A_65 : i32
        %jit3A_88 = arith.constant 4 : i32
        %eq3A = arith.constant 0 : i32
        %eq3A_89 = arith.cmpi eq, %jit3A_88, %eq3A : i32
        %jit3A_90 = arith.constant 1 : i32
        %select_n3A_91 = arith.select %eq3A_89, %jit3A_90, %jit3A_88 : i32
        %rem3A_92 = arith.remsi %add3A_63, %select_n3A_91 : i32
        %ne3A_93 = arith.constant 0 : i32
        %ne3A_94 = arith.cmpi ne, %rem3A_92, %ne3A_93 : i32
        %lt3A_95 = arith.constant 0 : i32
        %lt3A_96 = arith.cmpi slt, %rem3A_92, %lt3A_95 : i32
        %lt3A_97 = arith.constant 0 : i32
        %lt3A_98 = arith.cmpi slt, %select_n3A_91, %lt3A_97 : i32
        %ne3A_99 = arith.xori %lt3A_96, %lt3A_98 : i1
        %and3A_100 = arith.andi %ne3A_99, %ne3A_94 : i1
        %add3A_101 = arith.addi %rem3A_92, %select_n3A_91 : i32
        %select_n3A_102 = arith.select %and3A_100, %add3A_101, %rem3A_92 : i32
        %eq3A_103 = arith.constant 0 : i32
        %eq3A_104 = arith.cmpi eq, %select_n3A_102, %eq3A_103 : i32
        %eq3A_105 = arith.constant 0 : i32
        %eq3A_106 = arith.cmpi eq, %add3A_58, %eq3A_105 : i32
        %or3A = arith.ori %eq3A_104, %eq3A_106 : i1
        %convert_element_type3A_107 = arith.extui %or3A : i1 to i32
        %cond3A_108 = arith.constant 0 : i32
        %cond3A_109 = arith.cmpi ne, %convert_element_type3A_107, %cond3A_108 : i32
        scf.if %cond3A_109 {
          %add3A_165 = arith.constant 0 : i32
          %add3A_166 = arith.addi %add3A_165, %select_n3A_87 : i32
          %mul3A_167 = arith.constant 8 : i32
          %mul3A_168 = arith.muli %add3A_166, %mul3A_167 : i32
          "tpu.region"() ({
            %run_scoped3A = tpu.sem_alloc : memref<!tpu.dma_semaphore, #tpu.memory_space<semaphore_mem>>
            %dma_start3A_169 = arith.constant 0 : i32
            %dma_start3A_170 = tpu.memref_slice %arg3[%mul3A_168, %dma_start3A_169] : memref<2504x128xi32, #tpu.memory_space<hbm>> -> memref<8x128xi32, #tpu.memory_space<hbm>>
            %dma_start3A_171 = arith.constant 0 : i32
            %dma_start3A_172 = tpu.memref_slice %arg3[%mul3A_168, %dma_start3A_171] : memref<2504x128xi32, #tpu.memory_space<hbm>> -> memref<8x128xi32, #tpu.memory_space<hbm>>
            tpu.enqueue_dma source(%dma_start3A_172 : memref<8x128xi32, #tpu.memory_space<hbm>>) target(%arg6 : memref<8x128xi32, #tpu.memory_space<vmem>>) target_semaphore(%run_scoped3A : memref<!tpu.dma_semaphore, #tpu.memory_space<semaphore_mem>>)
            %dma_wait3A_173 = arith.constant 0 : i32
            %dma_wait3A_174 = tpu.memref_slice %arg3[%mul3A_168, %dma_wait3A_173] : memref<2504x128xi32, #tpu.memory_space<hbm>> -> memref<8x128xi32, #tpu.memory_space<hbm>>
            %dma_wait3A_175 = arith.constant 0 : i32
            %dma_wait3A_176 = tpu.memref_slice %arg3[%mul3A_168, %dma_wait3A_175] : memref<2504x128xi32, #tpu.memory_space<hbm>> -> memref<8x128xi32, #tpu.memory_space<hbm>>
            tpu.wait_dma2 semaphore(%run_scoped3A : memref<!tpu.dma_semaphore, #tpu.memory_space<semaphore_mem>>) src(%dma_wait3A_176 : memref<8x128xi32, #tpu.memory_space<hbm>>) dst(%arg6 : memref<8x128xi32, #tpu.memory_space<vmem>>)
            tpu.yield
          }) : () -> ()
        } else {
        }
        %dma_wait3A = arith.constant 0 : i32
        %dma_wait3A_110 = arith.constant 0 : i32
        %dma_wait3A_111 = tpu.memref_slice %arg2[%dma_wait3A, %dma_wait3A_110] : memref<106496x128xf32, #tpu.memory_space<hbm>> -> memref<256x128xf32, #tpu.memory_space<hbm>>
        %dma_wait3A_112 = arith.constant 0 : i32
        %dma_wait3A_113 = arith.constant 0 : i32
        %dma_wait3A_114 = tpu.memref_slice %arg2[%dma_wait3A_112, %dma_wait3A_113] : memref<106496x128xf32, #tpu.memory_space<hbm>> -> memref<256x128xf32, #tpu.memory_space<hbm>>
        tpu.wait_dma2 semaphore(%arg11 : memref<!tpu.dma_semaphore, #tpu.memory_space<semaphore_mem>>) src(%dma_wait3A_114 : memref<256x128xf32, #tpu.memory_space<hbm>>) dst(%arg8 : memref<256x128xf32, #tpu.memory_space<vmem>>)
        %add3A_115 = arith.constant 1 : i32
        %add3A_116 = arith.addi %add3A_58, %add3A_115 : i32
        %lt3A_117 = arith.cmpi slt, %add3A_116, %add3A_9 : i32
        %convert_element_type3A_118 = arith.extui %lt3A_117 : i1 to i32
        %cond3A_119 = arith.constant 0 : i32
        %cond3A_120 = arith.cmpi ne, %convert_element_type3A_118, %cond3A_119 : i32
        scf.if %cond3A_120 {
          %add3A_165 = arith.addi %add3A_6, %add3A_58 : i32
          %add3A_166 = arith.constant 1 : i32
          %add3A_167 = arith.addi %add3A_165, %add3A_166 : i32
          %mul3A_168 = arith.constant 256 : i32
          %mul3A_169 = arith.muli %add3A_167, %mul3A_168 : i32
          %dma_start3A_170 = arith.constant 0 : i32
          %dma_start3A_171 = tpu.memref_slice %arg2[%mul3A_169, %dma_start3A_170] : memref<106496x128xf32, #tpu.memory_space<hbm>> -> memref<256x128xf32, #tpu.memory_space<hbm>>
          %dma_start3A_172 = arith.constant 0 : i32
          %dma_start3A_173 = tpu.memref_slice %arg2[%mul3A_169, %dma_start3A_172] : memref<106496x128xf32, #tpu.memory_space<hbm>> -> memref<256x128xf32, #tpu.memory_space<hbm>>
          tpu.enqueue_dma source(%dma_start3A_173 : memref<256x128xf32, #tpu.memory_space<hbm>>) target(%arg7 : memref<256x128xf32, #tpu.memory_space<vmem>>) target_semaphore(%arg10 : memref<!tpu.dma_semaphore, #tpu.memory_space<semaphore_mem>>)
        } else {
        }
        %mul3A_121 = arith.constant 2 : i32
        %mul3A_122 = arith.muli %mul3A_121, %select_n3A_102 : i32
        %add3A_123 = arith.constant 0 : i32
        %add3A_124 = arith.addi %mul3A_122, %add3A_123 : i32
        %mul3A_125 = arith.constant 2 : i32
        %mul3A_126 = arith.muli %mul3A_125, %select_n3A_102 : i32
        %add3A_127 = arith.constant 1 : i32
        %add3A_128 = arith.addi %mul3A_126, %add3A_127 : i32
        %dma_start3A_129 = arith.constant 0 : i32
        %dma_start3A_130 = arith.constant 0 : i32
        %dma_start3A_131 = tpu.memref_slice %arg8[%dma_start3A_129, %dma_start3A_130] : memref<256x128xf32, #tpu.memory_space<vmem>> -> memref<128x128xf32, #tpu.memory_space<vmem>>
        %dma_start3A_132 = arith.constant 0 : i32
        %dma_start3A_133 = tpu.memref_slice %arg6[%add3A_124, %dma_start3A_132] : memref<8x128xi32, #tpu.memory_space<vmem>> -> memref<1x128xi32, #tpu.memory_space<vmem>>
        %dma_start3A_134 = tpu.memref_squeeze %dma_start3A_133 : memref<1x128xi32, #tpu.memory_space<vmem>> -> memref<128xi32, #tpu.memory_space<vmem>>
        %dma_start3A_135 = arith.constant 0 : i32
        %dma_start3A_136 = arith.constant 0 : i32
        %dma_start3A_137 = tpu.memref_slice %arg9[%dma_start3A_135, %dma_start3A_136] : memref<1024x128xf32, #tpu.memory_space<vmem_shared>> -> memref<1024x128xf32, #tpu.memory_space<vmem_shared>>
        tpu.enqueue_indirect_dma source(%dma_start3A_131 : memref<128x128xf32, #tpu.memory_space<vmem>>) target(%dma_start3A_137 : memref<1024x128xf32, #tpu.memory_space<vmem_shared>>) offsets(%dma_start3A_134 : memref<128xi32, #tpu.memory_space<vmem>>) semaphore(%arg11 : memref<!tpu.dma_semaphore, #tpu.memory_space<semaphore_mem>>) {add = true}
        %dma_start3A_138 = arith.constant 128 : i32
        %dma_start3A_139 = arith.constant 0 : i32
        %dma_start3A_140 = tpu.memref_slice %arg8[%dma_start3A_138, %dma_start3A_139] : memref<256x128xf32, #tpu.memory_space<vmem>> -> memref<128x128xf32, #tpu.memory_space<vmem>>
        %dma_start3A_141 = arith.constant 0 : i32
        %dma_start3A_142 = tpu.memref_slice %arg6[%add3A_128, %dma_start3A_141] : memref<8x128xi32, #tpu.memory_space<vmem>> -> memref<1x128xi32, #tpu.memory_space<vmem>>
        %dma_start3A_143 = tpu.memref_squeeze %dma_start3A_142 : memref<1x128xi32, #tpu.memory_space<vmem>> -> memref<128xi32, #tpu.memory_space<vmem>>
        %dma_start3A_144 = arith.constant 0 : i32
        %dma_start3A_145 = arith.constant 0 : i32
        %dma_start3A_146 = tpu.memref_slice %arg9[%dma_start3A_144, %dma_start3A_145] : memref<1024x128xf32, #tpu.memory_space<vmem_shared>> -> memref<1024x128xf32, #tpu.memory_space<vmem_shared>>
        tpu.enqueue_indirect_dma source(%dma_start3A_140 : memref<128x128xf32, #tpu.memory_space<vmem>>) target(%dma_start3A_146 : memref<1024x128xf32, #tpu.memory_space<vmem_shared>>) offsets(%dma_start3A_143 : memref<128xi32, #tpu.memory_space<vmem>>) semaphore(%arg11 : memref<!tpu.dma_semaphore, #tpu.memory_space<semaphore_mem>>) {add = true}
        %dma_wait3A_147 = arith.constant 0 : i32
        %dma_wait3A_148 = arith.constant 0 : i32
        %dma_wait3A_149 = tpu.memref_slice %arg8[%dma_wait3A_147, %dma_wait3A_148] : memref<256x128xf32, #tpu.memory_space<vmem>> -> memref<128x128xf32, #tpu.memory_space<vmem>>
        %dma_wait3A_150 = arith.constant 0 : i32
        %dma_wait3A_151 = tpu.memref_slice %arg6[%add3A_124, %dma_wait3A_150] : memref<8x128xi32, #tpu.memory_space<vmem>> -> memref<1x128xi32, #tpu.memory_space<vmem>>
        %dma_wait3A_152 = tpu.memref_squeeze %dma_wait3A_151 : memref<1x128xi32, #tpu.memory_space<vmem>> -> memref<128xi32, #tpu.memory_space<vmem>>
        %dma_wait3A_153 = arith.constant 0 : i32
        %dma_wait3A_154 = arith.constant 0 : i32
        %dma_wait3A_155 = tpu.memref_slice %arg9[%dma_wait3A_153, %dma_wait3A_154] : memref<1024x128xf32, #tpu.memory_space<vmem_shared>> -> memref<1024x128xf32, #tpu.memory_space<vmem_shared>>
        tpu.wait_indirect_dma semaphore(%arg11 : memref<!tpu.dma_semaphore, #tpu.memory_space<semaphore_mem>>) src(%dma_wait3A_149 : memref<128x128xf32, #tpu.memory_space<vmem>>) dst(%dma_wait3A_155 : memref<1024x128xf32, #tpu.memory_space<vmem_shared>>)
        %dma_wait3A_156 = arith.constant 128 : i32
        %dma_wait3A_157 = arith.constant 0 : i32
        %dma_wait3A_158 = tpu.memref_slice %arg8[%dma_wait3A_156, %dma_wait3A_157] : memref<256x128xf32, #tpu.memory_space<vmem>> -> memref<128x128xf32, #tpu.memory_space<vmem>>
        %dma_wait3A_159 = arith.constant 0 : i32
        %dma_wait3A_160 = tpu.memref_slice %arg6[%add3A_128, %dma_wait3A_159] : memref<8x128xi32, #tpu.memory_space<vmem>> -> memref<1x128xi32, #tpu.memory_space<vmem>>
        %dma_wait3A_161 = tpu.memref_squeeze %dma_wait3A_160 : memref<1x128xi32, #tpu.memory_space<vmem>> -> memref<128xi32, #tpu.memory_space<vmem>>
        %dma_wait3A_162 = arith.constant 0 : i32
        %dma_wait3A_163 = arith.constant 0 : i32
        %dma_wait3A_164 = tpu.memref_slice %arg9[%dma_wait3A_162, %dma_wait3A_163] : memref<1024x128xf32, #tpu.memory_space<vmem_shared>> -> memref<1024x128xf32, #tpu.memory_space<vmem_shared>>
        tpu.wait_indirect_dma semaphore(%arg11 : memref<!tpu.dma_semaphore, #tpu.memory_space<semaphore_mem>>) src(%dma_wait3A_158 : memref<128x128xf32, #tpu.memory_space<vmem>>) dst(%dma_wait3A_164 : memref<1024x128xf32, #tpu.memory_space<vmem_shared>>)
      } else {
      }
    }
    %while3A_41 = arith.constant 1 : i32
    scf.for %while3A_47 = %while3A_39 to %while3A_35 step %while3A_41  : i32 {
      %mul3A_48 = arith.constant 2 : i32
      %mul3A_49 = arith.muli %mul3A_48, %while3A_47 : i32
      %add3A_50 = arith.constant 0 : i32
      %add3A_51 = arith.addi %mul3A_49, %add3A_50 : i32
      %lt3A_52 = arith.cmpi slt, %add3A_51, %add3A_9 : i32
      %convert_element_type3A_53 = arith.extui %lt3A_52 : i1 to i32
      %cond3A = arith.constant 0 : i32
      %cond3A_54 = arith.cmpi ne, %convert_element_type3A_53, %cond3A : i32
      scf.if %cond3A_54 {
        %add3A_63 = arith.addi %add3A_6, %add3A_51 : i32
        %jit3A_64 = arith.constant 4 : i32
        %div3A_65 = arith.divsi %add3A_63, %jit3A_64 : i32
        %sign3A_66 = arith.constant 0 : i32
        %sign3A_67 = arith.cmpi sgt, %add3A_63, %sign3A_66 : i32
        %sign3A_68 = arith.extui %sign3A_67 : i1 to i32
        %sign3A_69 = arith.constant 0 : i32
        %sign3A_70 = arith.cmpi slt, %add3A_63, %sign3A_69 : i32
        %sign3A_71 = arith.extui %sign3A_70 : i1 to i32
        %sign3A_72 = arith.subi %sign3A_68, %sign3A_71 : i32
        %sign3A_73 = arith.constant 0 : i32
        %sign3A_74 = arith.cmpi sgt, %jit3A_64, %sign3A_73 : i32
        %sign3A_75 = arith.extui %sign3A_74 : i1 to i32
        %sign3A_76 = arith.constant 0 : i32
        %sign3A_77 = arith.cmpi slt, %jit3A_64, %sign3A_76 : i32
        %sign3A_78 = arith.extui %sign3A_77 : i1 to i32
        %sign3A_79 = arith.subi %sign3A_75, %sign3A_78 : i32
        %ne3A_80 = arith.cmpi ne, %sign3A_72, %sign3A_79 : i32
        %rem3A_81 = arith.remsi %add3A_63, %jit3A_64 : i32
        %ne3A_82 = arith.constant 0 : i32
        %ne3A_83 = arith.cmpi ne, %rem3A_81, %ne3A_82 : i32
        %and3A_84 = arith.andi %ne3A_80, %ne3A_83 : i1
        %sub3A_85 = arith.constant 1 : i32
        %sub3A_86 = arith.subi %div3A_65, %sub3A_85 : i32
        %select_n3A_87 = arith.select %and3A_84, %sub3A_86, %div3A_65 : i32
        %jit3A_88 = arith.constant 4 : i32
        %eq3A = arith.constant 0 : i32
        %eq3A_89 = arith.cmpi eq, %jit3A_88, %eq3A : i32
        %jit3A_90 = arith.constant 1 : i32
        %select_n3A_91 = arith.select %eq3A_89, %jit3A_90, %jit3A_88 : i32
        %rem3A_92 = arith.remsi %add3A_63, %select_n3A_91 : i32
        %ne3A_93 = arith.constant 0 : i32
        %ne3A_94 = arith.cmpi ne, %rem3A_92, %ne3A_93 : i32
        %lt3A_95 = arith.constant 0 : i32
        %lt3A_96 = arith.cmpi slt, %rem3A_92, %lt3A_95 : i32
        %lt3A_97 = arith.constant 0 : i32
        %lt3A_98 = arith.cmpi slt, %select_n3A_91, %lt3A_97 : i32
        %ne3A_99 = arith.xori %lt3A_96, %lt3A_98 : i1
        %and3A_100 = arith.andi %ne3A_99, %ne3A_94 : i1
        %add3A_101 = arith.addi %rem3A_92, %select_n3A_91 : i32
        %select_n3A_102 = arith.select %and3A_100, %add3A_101, %rem3A_92 : i32
        %eq3A_103 = arith.constant 0 : i32
        %eq3A_104 = arith.cmpi eq, %select_n3A_102, %eq3A_103 : i32
        %eq3A_105 = arith.constant 0 : i32
        %eq3A_106 = arith.cmpi eq, %add3A_51, %eq3A_105 : i32
        %or3A = arith.ori %eq3A_104, %eq3A_106 : i1
        %convert_element_type3A_107 = arith.extui %or3A : i1 to i32
        %cond3A_108 = arith.constant 0 : i32
        %cond3A_109 = arith.cmpi ne, %convert_element_type3A_107, %cond3A_108 : i32
        scf.if %cond3A_109 {
          %add3A_165 = arith.constant 0 : i32
          %add3A_166 = arith.addi %add3A_165, %select_n3A_87 : i32
          %mul3A_167 = arith.constant 8 : i32
          %mul3A_168 = arith.muli %add3A_166, %mul3A_167 : i32
          "tpu.region"() ({
            %run_scoped3A = tpu.sem_alloc : memref<!tpu.dma_semaphore, #tpu.memory_space<semaphore_mem>>
            %dma_start3A_169 = arith.constant 0 : i32
            %dma_start3A_170 = tpu.memref_slice %arg3[%mul3A_168, %dma_start3A_169] : memref<2504x128xi32, #tpu.memory_space<hbm>> -> memref<8x128xi32, #tpu.memory_space<hbm>>
            %dma_start3A_171 = arith.constant 0 : i32
            %dma_start3A_172 = tpu.memref_slice %arg3[%mul3A_168, %dma_start3A_171] : memref<2504x128xi32, #tpu.memory_space<hbm>> -> memref<8x128xi32, #tpu.memory_space<hbm>>
            tpu.enqueue_dma source(%dma_start3A_172 : memref<8x128xi32, #tpu.memory_space<hbm>>) target(%arg6 : memref<8x128xi32, #tpu.memory_space<vmem>>) target_semaphore(%run_scoped3A : memref<!tpu.dma_semaphore, #tpu.memory_space<semaphore_mem>>)
            %dma_wait3A_173 = arith.constant 0 : i32
            %dma_wait3A_174 = tpu.memref_slice %arg3[%mul3A_168, %dma_wait3A_173] : memref<2504x128xi32, #tpu.memory_space<hbm>> -> memref<8x128xi32, #tpu.memory_space<hbm>>
            %dma_wait3A_175 = arith.constant 0 : i32
            %dma_wait3A_176 = tpu.memref_slice %arg3[%mul3A_168, %dma_wait3A_175] : memref<2504x128xi32, #tpu.memory_space<hbm>> -> memref<8x128xi32, #tpu.memory_space<hbm>>
            tpu.wait_dma2 semaphore(%run_scoped3A : memref<!tpu.dma_semaphore, #tpu.memory_space<semaphore_mem>>) src(%dma_wait3A_176 : memref<8x128xi32, #tpu.memory_space<hbm>>) dst(%arg6 : memref<8x128xi32, #tpu.memory_space<vmem>>)
            tpu.yield
          }) : () -> ()
        } else {
        }
        %dma_wait3A = arith.constant 0 : i32
        %dma_wait3A_110 = arith.constant 0 : i32
        %dma_wait3A_111 = tpu.memref_slice %arg2[%dma_wait3A, %dma_wait3A_110] : memref<106496x128xf32, #tpu.memory_space<hbm>> -> memref<256x128xf32, #tpu.memory_space<hbm>>
        %dma_wait3A_112 = arith.constant 0 : i32
        %dma_wait3A_113 = arith.constant 0 : i32
        %dma_wait3A_114 = tpu.memref_slice %arg2[%dma_wait3A_112, %dma_wait3A_113] : memref<106496x128xf32, #tpu.memory_space<hbm>> -> memref<256x128xf32, #tpu.memory_space<hbm>>
        tpu.wait_dma2 semaphore(%arg10 : memref<!tpu.dma_semaphore, #tpu.memory_space<semaphore_mem>>) src(%dma_wait3A_114 : memref<256x128xf32, #tpu.memory_space<hbm>>) dst(%arg7 : memref<256x128xf32, #tpu.memory_space<vmem>>)
        %add3A_115 = arith.constant 1 : i32
        %add3A_116 = arith.addi %add3A_51, %add3A_115 : i32
        %lt3A_117 = arith.cmpi slt, %add3A_116, %add3A_9 : i32
        %convert_element_type3A_118 = arith.extui %lt3A_117 : i1 to i32
        %cond3A_119 = arith.constant 0 : i32
        %cond3A_120 = arith.cmpi ne, %convert_element_type3A_118, %cond3A_119 : i32
        scf.if %cond3A_120 {
          %add3A_165 = arith.addi %add3A_6, %add3A_51 : i32
          %add3A_166 = arith.constant 1 : i32
          %add3A_167 = arith.addi %add3A_165, %add3A_166 : i32
          %mul3A_168 = arith.constant 256 : i32
          %mul3A_169 = arith.muli %add3A_167, %mul3A_168 : i32
          %dma_start3A_170 = arith.constant 0 : i32
          %dma_start3A_171 = tpu.memref_slice %arg2[%mul3A_169, %dma_start3A_170] : memref<106496x128xf32, #tpu.memory_space<hbm>> -> memref<256x128xf32, #tpu.memory_space<hbm>>
          %dma_start3A_172 = arith.constant 0 : i32
          %dma_start3A_173 = tpu.memref_slice %arg2[%mul3A_169, %dma_start3A_172] : memref<106496x128xf32, #tpu.memory_space<hbm>> -> memref<256x128xf32, #tpu.memory_space<hbm>>
          tpu.enqueue_dma source(%dma_start3A_173 : memref<256x128xf32, #tpu.memory_space<hbm>>) target(%arg8 : memref<256x128xf32, #tpu.memory_space<vmem>>) target_semaphore(%arg11 : memref<!tpu.dma_semaphore, #tpu.memory_space<semaphore_mem>>)
        } else {
        }
        %mul3A_121 = arith.constant 2 : i32
        %mul3A_122 = arith.muli %mul3A_121, %select_n3A_102 : i32
        %add3A_123 = arith.constant 0 : i32
        %add3A_124 = arith.addi %mul3A_122, %add3A_123 : i32
        %mul3A_125 = arith.constant 2 : i32
        %mul3A_126 = arith.muli %mul3A_125, %select_n3A_102 : i32
        %add3A_127 = arith.constant 1 : i32
        %add3A_128 = arith.addi %mul3A_126, %add3A_127 : i32
        %dma_start3A_129 = arith.constant 0 : i32
        %dma_start3A_130 = arith.constant 0 : i32
        %dma_start3A_131 = tpu.memref_slice %arg7[%dma_start3A_129, %dma_start3A_130] : memref<256x128xf32, #tpu.memory_space<vmem>> -> memref<128x128xf32, #tpu.memory_space<vmem>>
        %dma_start3A_132 = arith.constant 0 : i32
        %dma_start3A_133 = tpu.memref_slice %arg6[%add3A_124, %dma_start3A_132] : memref<8x128xi32, #tpu.memory_space<vmem>> -> memref<1x128xi32, #tpu.memory_space<vmem>>
        %dma_start3A_134 = tpu.memref_squeeze %dma_start3A_133 : memref<1x128xi32, #tpu.memory_space<vmem>> -> memref<128xi32, #tpu.memory_space<vmem>>
        %dma_start3A_135 = arith.constant 0 : i32
        %dma_start3A_136 = arith.constant 0 : i32
        %dma_start3A_137 = tpu.memref_slice %arg9[%dma_start3A_135, %dma_start3A_136] : memref<1024x128xf32, #tpu.memory_space<vmem_shared>> -> memref<1024x128xf32, #tpu.memory_space<vmem_shared>>
        tpu.enqueue_indirect_dma source(%dma_start3A_131 : memref<128x128xf32, #tpu.memory_space<vmem>>) target(%dma_start3A_137 : memref<1024x128xf32, #tpu.memory_space<vmem_shared>>) offsets(%dma_start3A_134 : memref<128xi32, #tpu.memory_space<vmem>>) semaphore(%arg10 : memref<!tpu.dma_semaphore, #tpu.memory_space<semaphore_mem>>) {add = true}
        %dma_start3A_138 = arith.constant 128 : i32
        %dma_start3A_139 = arith.constant 0 : i32
        %dma_start3A_140 = tpu.memref_slice %arg7[%dma_start3A_138, %dma_start3A_139] : memref<256x128xf32, #tpu.memory_space<vmem>> -> memref<128x128xf32, #tpu.memory_space<vmem>>
        %dma_start3A_141 = arith.constant 0 : i32
        %dma_start3A_142 = tpu.memref_slice %arg6[%add3A_128, %dma_start3A_141] : memref<8x128xi32, #tpu.memory_space<vmem>> -> memref<1x128xi32, #tpu.memory_space<vmem>>
        %dma_start3A_143 = tpu.memref_squeeze %dma_start3A_142 : memref<1x128xi32, #tpu.memory_space<vmem>> -> memref<128xi32, #tpu.memory_space<vmem>>
        %dma_start3A_144 = arith.constant 0 : i32
        %dma_start3A_145 = arith.constant 0 : i32
        %dma_start3A_146 = tpu.memref_slice %arg9[%dma_start3A_144, %dma_start3A_145] : memref<1024x128xf32, #tpu.memory_space<vmem_shared>> -> memref<1024x128xf32, #tpu.memory_space<vmem_shared>>
        tpu.enqueue_indirect_dma source(%dma_start3A_140 : memref<128x128xf32, #tpu.memory_space<vmem>>) target(%dma_start3A_146 : memref<1024x128xf32, #tpu.memory_space<vmem_shared>>) offsets(%dma_start3A_143 : memref<128xi32, #tpu.memory_space<vmem>>) semaphore(%arg10 : memref<!tpu.dma_semaphore, #tpu.memory_space<semaphore_mem>>) {add = true}
        %dma_wait3A_147 = arith.constant 0 : i32
        %dma_wait3A_148 = arith.constant 0 : i32
        %dma_wait3A_149 = tpu.memref_slice %arg7[%dma_wait3A_147, %dma_wait3A_148] : memref<256x128xf32, #tpu.memory_space<vmem>> -> memref<128x128xf32, #tpu.memory_space<vmem>>
        %dma_wait3A_150 = arith.constant 0 : i32
        %dma_wait3A_151 = tpu.memref_slice %arg6[%add3A_124, %dma_wait3A_150] : memref<8x128xi32, #tpu.memory_space<vmem>> -> memref<1x128xi32, #tpu.memory_space<vmem>>
        %dma_wait3A_152 = tpu.memref_squeeze %dma_wait3A_151 : memref<1x128xi32, #tpu.memory_space<vmem>> -> memref<128xi32, #tpu.memory_space<vmem>>
        %dma_wait3A_153 = arith.constant 0 : i32
        %dma_wait3A_154 = arith.constant 0 : i32
        %dma_wait3A_155 = tpu.memref_slice %arg9[%dma_wait3A_153, %dma_wait3A_154] : memref<1024x128xf32, #tpu.memory_space<vmem_shared>> -> memref<1024x128xf32, #tpu.memory_space<vmem_shared>>
        tpu.wait_indirect_dma semaphore(%arg10 : memref<!tpu.dma_semaphore, #tpu.memory_space<semaphore_mem>>) src(%dma_wait3A_149 : memref<128x128xf32, #tpu.memory_space<vmem>>) dst(%dma_wait3A_155 : memref<1024x128xf32, #tpu.memory_space<vmem_shared>>)
        %dma_wait3A_156 = arith.constant 128 : i32
        %dma_wait3A_157 = arith.constant 0 : i32
        %dma_wait3A_158 = tpu.memref_slice %arg7[%dma_wait3A_156, %dma_wait3A_157] : memref<256x128xf32, #tpu.memory_space<vmem>> -> memref<128x128xf32, #tpu.memory_space<vmem>>
        %dma_wait3A_159 = arith.constant 0 : i32
        %dma_wait3A_160 = tpu.memref_slice %arg6[%add3A_128, %dma_wait3A_159] : memref<8x128xi32, #tpu.memory_space<vmem>> -> memref<1x128xi32, #tpu.memory_space<vmem>>
        %dma_wait3A_161 = tpu.memref_squeeze %dma_wait3A_160 : memref<1x128xi32, #tpu.memory_space<vmem>> -> memref<128xi32, #tpu.memory_space<vmem>>
        %dma_wait3A_162 = arith.constant 0 : i32
        %dma_wait3A_163 = arith.constant 0 : i32
        %dma_wait3A_164 = tpu.memref_slice %arg9[%dma_wait3A_162, %dma_wait3A_163] : memref<1024x128xf32, #tpu.memory_space<vmem_shared>> -> memref<1024x128xf32, #tpu.memory_space<vmem_shared>>
        tpu.wait_indirect_dma semaphore(%arg10 : memref<!tpu.dma_semaphore, #tpu.memory_space<semaphore_mem>>) src(%dma_wait3A_158 : memref<128x128xf32, #tpu.memory_space<vmem>>) dst(%dma_wait3A_164 : memref<1024x128xf32, #tpu.memory_space<vmem_shared>>)
      } else {
      }
      %mul3A_55 = arith.constant 2 : i32
      %mul3A_56 = arith.muli %mul3A_55, %while3A_47 : i32
      %add3A_57 = arith.constant 1 : i32
      %add3A_58 = arith.addi %mul3A_56, %add3A_57 : i32
      %lt3A_59 = arith.cmpi slt, %add3A_58, %add3A_9 : i32
      %convert_element_type3A_60 = arith.extui %lt3A_59 : i1 to i32
      %cond3A_61 = arith.constant 0 : i32
      %cond3A_62 = arith.cmpi ne, %convert_element_type3A_60, %cond3A_61 : i32
      scf.if %cond3A_62 {
        %add3A_63 = arith.addi %add3A_6, %add3A_58 : i32
        %jit3A_64 = arith.constant 4 : i32
        %div3A_65 = arith.divsi %add3A_63, %jit3A_64 : i32
        %sign3A_66 = arith.constant 0 : i32
        %sign3A_67 = arith.cmpi sgt, %add3A_63, %sign3A_66 : i32
        %sign3A_68 = arith.extui %sign3A_67 : i1 to i32
        %sign3A_69 = arith.constant 0 : i32
        %sign3A_70 = arith.cmpi slt, %add3A_63, %sign3A_69 : i32
        %sign3A_71 = arith.extui %sign3A_70 : i1 to i32
        %sign3A_72 = arith.subi %sign3A_68, %sign3A_71 : i32
        %sign3A_73 = arith.constant 0 : i32
        %sign3A_74 = arith.cmpi sgt, %jit3A_64, %sign3A_73 : i32
        %sign3A_75 = arith.extui %sign3A_74 : i1 to i32
        %sign3A_76 = arith.constant 0 : i32
        %sign3A_77 = arith.cmpi slt, %jit3A_64, %sign3A_76 : i32
        %sign3A_78 = arith.extui %sign3A_77 : i1 to i32
        %sign3A_79 = arith.subi %sign3A_75, %sign3A_78 : i32
        %ne3A_80 = arith.cmpi ne, %sign3A_72, %sign3A_79 : i32
        %rem3A_81 = arith.remsi %add3A_63, %jit3A_64 : i32
        %ne3A_82 = arith.constant 0 : i32
        %ne3A_83 = arith.cmpi ne, %rem3A_81, %ne3A_82 : i32
        %and3A_84 = arith.andi %ne3A_80, %ne3A_83 : i1
        %sub3A_85 = arith.constant 1 : i32
        %sub3A_86 = arith.subi %div3A_65, %sub3A_85 : i32
        %select_n3A_87 = arith.select %and3A_84, %sub3A_86, %div3A_65 : i32
        %jit3A_88 = arith.constant 4 : i32
        %eq3A = arith.constant 0 : i32
        %eq3A_89 = arith.cmpi eq, %jit3A_88, %eq3A : i32
        %jit3A_90 = arith.constant 1 : i32
        %select_n3A_91 = arith.select %eq3A_89, %jit3A_90, %jit3A_88 : i32
        %rem3A_92 = arith.remsi %add3A_63, %select_n3A_91 : i32
        %ne3A_93 = arith.constant 0 : i32
        %ne3A_94 = arith.cmpi ne, %rem3A_92, %ne3A_93 : i32
        %lt3A_95 = arith.constant 0 : i32
        %lt3A_96 = arith.cmpi slt, %rem3A_92, %lt3A_95 : i32
        %lt3A_97 = arith.constant 0 : i32
        %lt3A_98 = arith.cmpi slt, %select_n3A_91, %lt3A_97 : i32
        %ne3A_99 = arith.xori %lt3A_96, %lt3A_98 : i1
        %and3A_100 = arith.andi %ne3A_99, %ne3A_94 : i1
        %add3A_101 = arith.addi %rem3A_92, %select_n3A_91 : i32
        %select_n3A_102 = arith.select %and3A_100, %add3A_101, %rem3A_92 : i32
        %eq3A_103 = arith.constant 0 : i32
        %eq3A_104 = arith.cmpi eq, %select_n3A_102, %eq3A_103 : i32
        %eq3A_105 = arith.constant 0 : i32
        %eq3A_106 = arith.cmpi eq, %add3A_58, %eq3A_105 : i32
        %or3A = arith.ori %eq3A_104, %eq3A_106 : i1
        %convert_element_type3A_107 = arith.extui %or3A : i1 to i32
        %cond3A_108 = arith.constant 0 : i32
        %cond3A_109 = arith.cmpi ne, %convert_element_type3A_107, %cond3A_108 : i32
        scf.if %cond3A_109 {
          %add3A_165 = arith.constant 0 : i32
          %add3A_166 = arith.addi %add3A_165, %select_n3A_87 : i32
          %mul3A_167 = arith.constant 8 : i32
          %mul3A_168 = arith.muli %add3A_166, %mul3A_167 : i32
          "tpu.region"() ({
            %run_scoped3A = tpu.sem_alloc : memref<!tpu.dma_semaphore, #tpu.memory_space<semaphore_mem>>
            %dma_start3A_169 = arith.constant 0 : i32
            %dma_start3A_170 = tpu.memref_slice %arg3[%mul3A_168, %dma_start3A_169] : memref<2504x128xi32, #tpu.memory_space<hbm>> -> memref<8x128xi32, #tpu.memory_space<hbm>>
            %dma_start3A_171 = arith.constant 0 : i32
            %dma_start3A_172 = tpu.memref_slice %arg3[%mul3A_168, %dma_start3A_171] : memref<2504x128xi32, #tpu.memory_space<hbm>> -> memref<8x128xi32, #tpu.memory_space<hbm>>
            tpu.enqueue_dma source(%dma_start3A_172 : memref<8x128xi32, #tpu.memory_space<hbm>>) target(%arg6 : memref<8x128xi32, #tpu.memory_space<vmem>>) target_semaphore(%run_scoped3A : memref<!tpu.dma_semaphore, #tpu.memory_space<semaphore_mem>>)
            %dma_wait3A_173 = arith.constant 0 : i32
            %dma_wait3A_174 = tpu.memref_slice %arg3[%mul3A_168, %dma_wait3A_173] : memref<2504x128xi32, #tpu.memory_space<hbm>> -> memref<8x128xi32, #tpu.memory_space<hbm>>
            %dma_wait3A_175 = arith.constant 0 : i32
            %dma_wait3A_176 = tpu.memref_slice %arg3[%mul3A_168, %dma_wait3A_175] : memref<2504x128xi32, #tpu.memory_space<hbm>> -> memref<8x128xi32, #tpu.memory_space<hbm>>
            tpu.wait_dma2 semaphore(%run_scoped3A : memref<!tpu.dma_semaphore, #tpu.memory_space<semaphore_mem>>) src(%dma_wait3A_176 : memref<8x128xi32, #tpu.memory_space<hbm>>) dst(%arg6 : memref<8x128xi32, #tpu.memory_space<vmem>>)
            tpu.yield
          }) : () -> ()
        } else {
        }
        %dma_wait3A = arith.constant 0 : i32
        %dma_wait3A_110 = arith.constant 0 : i32
        %dma_wait3A_111 = tpu.memref_slice %arg2[%dma_wait3A, %dma_wait3A_110] : memref<106496x128xf32, #tpu.memory_space<hbm>> -> memref<256x128xf32, #tpu.memory_space<hbm>>
        %dma_wait3A_112 = arith.constant 0 : i32
        %dma_wait3A_113 = arith.constant 0 : i32
        %dma_wait3A_114 = tpu.memref_slice %arg2[%dma_wait3A_112, %dma_wait3A_113] : memref<106496x128xf32, #tpu.memory_space<hbm>> -> memref<256x128xf32, #tpu.memory_space<hbm>>
        tpu.wait_dma2 semaphore(%arg11 : memref<!tpu.dma_semaphore, #tpu.memory_space<semaphore_mem>>) src(%dma_wait3A_114 : memref<256x128xf32, #tpu.memory_space<hbm>>) dst(%arg8 : memref<256x128xf32, #tpu.memory_space<vmem>>)
        %add3A_115 = arith.constant 1 : i32
        %add3A_116 = arith.addi %add3A_58, %add3A_115 : i32
        %lt3A_117 = arith.cmpi slt, %add3A_116, %add3A_9 : i32
        %convert_element_type3A_118 = arith.extui %lt3A_117 : i1 to i32
        %cond3A_119 = arith.constant 0 : i32
        %cond3A_120 = arith.cmpi ne, %convert_element_type3A_118, %cond3A_119 : i32
        scf.if %cond3A_120 {
          %add3A_165 = arith.addi %add3A_6, %add3A_58 : i32
          %add3A_166 = arith.constant 1 : i32
          %add3A_167 = arith.addi %add3A_165, %add3A_166 : i32
          %mul3A_168 = arith.constant 256 : i32
          %mul3A_169 = arith.muli %add3A_167, %mul3A_168 : i32
          %dma_start3A_170 = arith.constant 0 : i32
          %dma_start3A_171 = tpu.memref_slice %arg2[%mul3A_169, %dma_start3A_170] : memref<106496x128xf32, #tpu.memory_space<hbm>> -> memref<256x128xf32, #tpu.memory_space<hbm>>
          %dma_start3A_172 = arith.constant 0 : i32
          %dma_start3A_173 = tpu.memref_slice %arg2[%mul3A_169, %dma_start3A_172] : memref<106496x128xf32, #tpu.memory_space<hbm>> -> memref<256x128xf32, #tpu.memory_space<hbm>>
          tpu.enqueue_dma source(%dma_start3A_173 : memref<256x128xf32, #tpu.memory_space<hbm>>) target(%arg7 : memref<256x128xf32, #tpu.memory_space<vmem>>) target_semaphore(%arg10 : memref<!tpu.dma_semaphore, #tpu.memory_space<semaphore_mem>>)
        } else {
        }
        %mul3A_121 = arith.constant 2 : i32
        %mul3A_122 = arith.muli %mul3A_121, %select_n3A_102 : i32
        %add3A_123 = arith.constant 0 : i32
        %add3A_124 = arith.addi %mul3A_122, %add3A_123 : i32
        %mul3A_125 = arith.constant 2 : i32
        %mul3A_126 = arith.muli %mul3A_125, %select_n3A_102 : i32
        %add3A_127 = arith.constant 1 : i32
        %add3A_128 = arith.addi %mul3A_126, %add3A_127 : i32
        %dma_start3A_129 = arith.constant 0 : i32
        %dma_start3A_130 = arith.constant 0 : i32
        %dma_start3A_131 = tpu.memref_slice %arg8[%dma_start3A_129, %dma_start3A_130] : memref<256x128xf32, #tpu.memory_space<vmem>> -> memref<128x128xf32, #tpu.memory_space<vmem>>
        %dma_start3A_132 = arith.constant 0 : i32
        %dma_start3A_133 = tpu.memref_slice %arg6[%add3A_124, %dma_start3A_132] : memref<8x128xi32, #tpu.memory_space<vmem>> -> memref<1x128xi32, #tpu.memory_space<vmem>>
        %dma_start3A_134 = tpu.memref_squeeze %dma_start3A_133 : memref<1x128xi32, #tpu.memory_space<vmem>> -> memref<128xi32, #tpu.memory_space<vmem>>
        %dma_start3A_135 = arith.constant 0 : i32
        %dma_start3A_136 = arith.constant 0 : i32
        %dma_start3A_137 = tpu.memref_slice %arg9[%dma_start3A_135, %dma_start3A_136] : memref<1024x128xf32, #tpu.memory_space<vmem_shared>> -> memref<1024x128xf32, #tpu.memory_space<vmem_shared>>
        tpu.enqueue_indirect_dma source(%dma_start3A_131 : memref<128x128xf32, #tpu.memory_space<vmem>>) target(%dma_start3A_137 : memref<1024x128xf32, #tpu.memory_space<vmem_shared>>) offsets(%dma_start3A_134 : memref<128xi32, #tpu.memory_space<vmem>>) semaphore(%arg11 : memref<!tpu.dma_semaphore, #tpu.memory_space<semaphore_mem>>) {add = true}
        %dma_start3A_138 = arith.constant 128 : i32
        %dma_start3A_139 = arith.constant 0 : i32
        %dma_start3A_140 = tpu.memref_slice %arg8[%dma_start3A_138, %dma_start3A_139] : memref<256x128xf32, #tpu.memory_space<vmem>> -> memref<128x128xf32, #tpu.memory_space<vmem>>
        %dma_start3A_141 = arith.constant 0 : i32
        %dma_start3A_142 = tpu.memref_slice %arg6[%add3A_128, %dma_start3A_141] : memref<8x128xi32, #tpu.memory_space<vmem>> -> memref<1x128xi32, #tpu.memory_space<vmem>>
        %dma_start3A_143 = tpu.memref_squeeze %dma_start3A_142 : memref<1x128xi32, #tpu.memory_space<vmem>> -> memref<128xi32, #tpu.memory_space<vmem>>
        %dma_start3A_144 = arith.constant 0 : i32
        %dma_start3A_145 = arith.constant 0 : i32
        %dma_start3A_146 = tpu.memref_slice %arg9[%dma_start3A_144, %dma_start3A_145] : memref<1024x128xf32, #tpu.memory_space<vmem_shared>> -> memref<1024x128xf32, #tpu.memory_space<vmem_shared>>
        tpu.enqueue_indirect_dma source(%dma_start3A_140 : memref<128x128xf32, #tpu.memory_space<vmem>>) target(%dma_start3A_146 : memref<1024x128xf32, #tpu.memory_space<vmem_shared>>) offsets(%dma_start3A_143 : memref<128xi32, #tpu.memory_space<vmem>>) semaphore(%arg11 : memref<!tpu.dma_semaphore, #tpu.memory_space<semaphore_mem>>) {add = true}
        %dma_wait3A_147 = arith.constant 0 : i32
        %dma_wait3A_148 = arith.constant 0 : i32
        %dma_wait3A_149 = tpu.memref_slice %arg8[%dma_wait3A_147, %dma_wait3A_148] : memref<256x128xf32, #tpu.memory_space<vmem>> -> memref<128x128xf32, #tpu.memory_space<vmem>>
        %dma_wait3A_150 = arith.constant 0 : i32
        %dma_wait3A_151 = tpu.memref_slice %arg6[%add3A_124, %dma_wait3A_150] : memref<8x128xi32, #tpu.memory_space<vmem>> -> memref<1x128xi32, #tpu.memory_space<vmem>>
        %dma_wait3A_152 = tpu.memref_squeeze %dma_wait3A_151 : memref<1x128xi32, #tpu.memory_space<vmem>> -> memref<128xi32, #tpu.memory_space<vmem>>
        %dma_wait3A_153 = arith.constant 0 : i32
        %dma_wait3A_154 = arith.constant 0 : i32
        %dma_wait3A_155 = tpu.memref_slice %arg9[%dma_wait3A_153, %dma_wait3A_154] : memref<1024x128xf32, #tpu.memory_space<vmem_shared>> -> memref<1024x128xf32, #tpu.memory_space<vmem_shared>>
        tpu.wait_indirect_dma semaphore(%arg11 : memref<!tpu.dma_semaphore, #tpu.memory_space<semaphore_mem>>) src(%dma_wait3A_149 : memref<128x128xf32, #tpu.memory_space<vmem>>) dst(%dma_wait3A_155 : memref<1024x128xf32, #tpu.memory_space<vmem_shared>>)
        %dma_wait3A_156 = arith.constant 128 : i32
        %dma_wait3A_157 = arith.constant 0 : i32
        %dma_wait3A_158 = tpu.memref_slice %arg8[%dma_wait3A_156, %dma_wait3A_157] : memref<256x128xf32, #tpu.memory_space<vmem>> -> memref<128x128xf32, #tpu.memory_space<vmem>>
        %dma_wait3A_159 = arith.constant 0 : i32
        %dma_wait3A_160 = tpu.memref_slice %arg6[%add3A_128, %dma_wait3A_159] : memref<8x128xi32, #tpu.memory_space<vmem>> -> memref<1x128xi32, #tpu.memory_space<vmem>>
        %dma_wait3A_161 = tpu.memref_squeeze %dma_wait3A_160 : memref<1x128xi32, #tpu.memory_space<vmem>> -> memref<128xi32, #tpu.memory_space<vmem>>
        %dma_wait3A_162 = arith.constant 0 : i32
        %dma_wait3A_163 = arith.constant 0 : i32
        %dma_wait3A_164 = tpu.memref_slice %arg9[%dma_wait3A_162, %dma_wait3A_163] : memref<1024x128xf32, #tpu.memory_space<vmem_shared>> -> memref<1024x128xf32, #tpu.memory_space<vmem_shared>>
        tpu.wait_indirect_dma semaphore(%arg11 : memref<!tpu.dma_semaphore, #tpu.memory_space<semaphore_mem>>) src(%dma_wait3A_158 : memref<128x128xf32, #tpu.memory_space<vmem>>) dst(%dma_wait3A_164 : memref<1024x128xf32, #tpu.memory_space<vmem_shared>>)
      } else {
      }
    }
    %barrier3A_42 = arith.constant 0 : index
    tpu.barrier barrier_id(%barrier3A_42)
    %mul3A_43 = arith.constant 64 : i32
    %mul3A_44 = arith.muli %arg1, %mul3A_43 : i32
    %mul3A_45 = arith.constant 64 : i32
    %mul3A_46 = arith.muli %arg1, %mul3A_45 : i32
    "tpu.region"() ({
      %run_scoped3A = tpu.sem_alloc : memref<!tpu.dma_semaphore, #tpu.memory_space<semaphore_mem>>
      %dma_start3A_47 = arith.constant 0 : i32
      %dma_start3A_48 = arith.constant 0 : i32
      %dma_start3A_49 = tpu.memref_slice %arg5[%arg0, %dma_start3A_47, %dma_start3A_48] : memref<2x1024x128xf32, #tpu.memory_space<hbm>> -> memref<1x1024x128xf32, #tpu.memory_space<hbm>>
      %dma_start3A_50 = tpu.memref_squeeze %dma_start3A_49 : memref<1x1024x128xf32, #tpu.memory_space<hbm>> -> memref<1024x128xf32, #tpu.memory_space<hbm>>
      %dma_start3A_51 = arith.constant 0 : i32
      %dma_start3A_52 = tpu.memref_slice %dma_start3A_50[%mul3A_46, %dma_start3A_51] : memref<1024x128xf32, #tpu.memory_space<hbm>> -> memref<64x128xf32, #tpu.memory_space<hbm>>
      %dma_start3A_53 = arith.constant 0 : i32
      %dma_start3A_54 = tpu.memref_slice %arg9[%mul3A_44, %dma_start3A_53] : memref<1024x128xf32, #tpu.memory_space<vmem_shared>> -> memref<64x128xf32, #tpu.memory_space<vmem_shared>>
      tpu.enqueue_dma source(%dma_start3A_54 : memref<64x128xf32, #tpu.memory_space<vmem_shared>>) target(%dma_start3A_52 : memref<64x128xf32, #tpu.memory_space<hbm>>) target_semaphore(%run_scoped3A : memref<!tpu.dma_semaphore, #tpu.memory_space<semaphore_mem>>)
      %dma_wait3A = arith.constant 0 : i32
      %dma_wait3A_55 = arith.constant 0 : i32
      %dma_wait3A_56 = tpu.memref_slice %arg5[%arg0, %dma_wait3A, %dma_wait3A_55] : memref<2x1024x128xf32, #tpu.memory_space<hbm>> -> memref<1x1024x128xf32, #tpu.memory_space<hbm>>
      %dma_wait3A_57 = tpu.memref_squeeze %dma_wait3A_56 : memref<1x1024x128xf32, #tpu.memory_space<hbm>> -> memref<1024x128xf32, #tpu.memory_space<hbm>>
      %dma_wait3A_58 = arith.constant 0 : i32
      %dma_wait3A_59 = tpu.memref_slice %dma_wait3A_57[%mul3A_46, %dma_wait3A_58] : memref<1024x128xf32, #tpu.memory_space<hbm>> -> memref<64x128xf32, #tpu.memory_space<hbm>>
      %dma_wait3A_60 = arith.constant 0 : i32
      %dma_wait3A_61 = tpu.memref_slice %arg9[%mul3A_44, %dma_wait3A_60] : memref<1024x128xf32, #tpu.memory_space<vmem_shared>> -> memref<64x128xf32, #tpu.memory_space<vmem_shared>>
      tpu.wait_dma2 semaphore(%run_scoped3A : memref<!tpu.dma_semaphore, #tpu.memory_space<semaphore_mem>>) src(%dma_wait3A_61 : memref<64x128xf32, #tpu.memory_space<vmem_shared>>) dst(%dma_wait3A_59 : memref<64x128xf32, #tpu.memory_space<hbm>>)
      tpu.yield
    }) : () -> ()
    return
  }
}

module attributes {stable_mosaic.version = 14 : i64} {
  func.func @_gate_body(%arg0: i32, %arg1: memref<4096x128xf32, #tpu.memory_space<vmem>>, %arg2: memref<4096x128xf32, #tpu.memory_space<vmem>>, %arg3: memref<128x256xf32, #tpu.memory_space<vmem>>, %arg4: memref<1x128xf32, #tpu.memory_space<vmem>>, %arg5: memref<128x128xf32, #tpu.memory_space<vmem>>, %arg6: memref<1x128xf32, #tpu.memory_space<vmem>>, %arg7: memref<4096x128xf32, #tpu.memory_space<vmem>>) attributes {dimension_semantics = [#tpu.dimension_semantics<arbitrary>], iteration_bounds = array<i64: 26>, scalar_prefetch = 0 : i64, scratch_operands = 0 : i64, tpu.core_type = #tpu.core_type<tc>, window_params = [{transform_indices = @transform_0, window_bounds = array<i64: 4096, 128>}, {transform_indices = @transform_1, window_bounds = array<i64: 4096, 128>}, {pipeline_mode = #tpu.pipeline_mode<synchronous>, transform_indices = @transform_2, window_bounds = array<i64: 128, 256>}, {pipeline_mode = #tpu.pipeline_mode<synchronous>, transform_indices = @transform_3, window_bounds = array<i64: 1, 128>}, {pipeline_mode = #tpu.pipeline_mode<synchronous>, transform_indices = @transform_4, window_bounds = array<i64: 128, 128>}, {pipeline_mode = #tpu.pipeline_mode<synchronous>, transform_indices = @transform_5, window_bounds = array<i64: 1, 128>}, {transform_indices = @transform_6, window_bounds = array<i64: 4096, 128>}]} {
    %get3A = arith.constant 0 : index
    %get3A_0 = arith.constant 0 : index
    %get3A_1 = vector.load %arg1[%get3A, %get3A_0] : memref<4096x128xf32, #tpu.memory_space<vmem>>, vector<4096x128xf32>
    %get3A_2 = arith.constant 0 : index
    %get3A_3 = arith.constant 0 : index
    %get3A_4 = vector.load %arg2[%get3A_2, %get3A_3] : memref<4096x128xf32, #tpu.memory_space<vmem>>, vector<4096x128xf32>
    %get3A_5 = arith.constant 0 : index
    %get3A_6 = arith.constant 0 : index
    %get3A_7 = vector.load %arg3[%get3A_5, %get3A_6] : memref<128x256xf32, #tpu.memory_space<vmem>>, vector<128x256xf32>
    %slice3A = vector.extract_strided_slice %get3A_7 {offsets = [0, 0], sizes = [128, 128], strides = [1, 1]} : vector<128x256xf32> to vector<128x128xf32>
    %dot_general3A = arith.constant dense<0.000000e+00> : vector<4096x128xf32>
    %dot_general3A_8 = tpu.matmul %get3A_1, %slice3A, %dot_general3A {dimension_numbers = #tpu.dot_dimension_numbers<[1], [1], [0], [0], [0, 0, 1, 0], [], []>, transpose_lhs_hint = false} : vector<4096x128xf32>, vector<128x128xf32>, vector<4096x128xf32> -> vector<4096x128xf32>
    %slice3A_9 = vector.extract_strided_slice %get3A_7 {offsets = [0, 128], sizes = [128, 128], strides = [1, 1]} : vector<128x256xf32> to vector<128x128xf32>
    %dot_general3A_10 = arith.constant dense<0.000000e+00> : vector<4096x128xf32>
    %dot_general3A_11 = tpu.matmul %get3A_4, %slice3A_9, %dot_general3A_10 {dimension_numbers = #tpu.dot_dimension_numbers<[1], [1], [0], [0], [0, 0, 1, 0], [], []>, transpose_lhs_hint = false} : vector<4096x128xf32>, vector<128x128xf32>, vector<4096x128xf32> -> vector<4096x128xf32>
    %add3A = arith.addf %dot_general3A_8, %dot_general3A_11 : vector<4096x128xf32>
    %get3A_12 = arith.constant 0 : index
    %get3A_13 = arith.constant 0 : index
    %get3A_14 = vector.load %arg4[%get3A_12, %get3A_13] : memref<1x128xf32, #tpu.memory_space<vmem>>, vector<1x128xf32>
    %add3A_15 = vector.broadcast %get3A_14 : vector<1x128xf32> to vector<4096x128xf32>
    %add3A_16 = arith.addf %add3A, %add3A_15 : vector<4096x128xf32>
    %logistic3A = arith.negf %add3A_16 : vector<4096x128xf32>
    %logistic3A_17 = math.exp %logistic3A : vector<4096x128xf32>
    %logistic3A_18 = arith.constant 1.000000e+00 : f32
    %logistic3A_19 = vector.broadcast %logistic3A_18 : f32 to vector<4096x128xf32>
    %logistic3A_20 = arith.addf %logistic3A_19, %logistic3A_17 : vector<4096x128xf32>
    %logistic3A_21 = arith.divf %logistic3A_19, %logistic3A_20 : vector<4096x128xf32>
    %get3A_22 = arith.constant 0 : index
    %get3A_23 = arith.constant 0 : index
    %get3A_24 = vector.load %arg5[%get3A_22, %get3A_23] : memref<128x128xf32, #tpu.memory_space<vmem>>, vector<128x128xf32>
    %dot_general3A_25 = arith.constant dense<0.000000e+00> : vector<4096x128xf32>
    %dot_general3A_26 = tpu.matmul %get3A_1, %get3A_24, %dot_general3A_25 {dimension_numbers = #tpu.dot_dimension_numbers<[1], [1], [0], [0], [0, 0, 1, 0], [], []>, transpose_lhs_hint = false} : vector<4096x128xf32>, vector<128x128xf32>, vector<4096x128xf32> -> vector<4096x128xf32>
    %get3A_27 = arith.constant 0 : index
    %get3A_28 = arith.constant 0 : index
    %get3A_29 = vector.load %arg6[%get3A_27, %get3A_28] : memref<1x128xf32, #tpu.memory_space<vmem>>, vector<1x128xf32>
    %add3A_30 = vector.broadcast %get3A_29 : vector<1x128xf32> to vector<4096x128xf32>
    %add3A_31 = arith.addf %dot_general3A_26, %add3A_30 : vector<4096x128xf32>
    %tanh3A = math.tanh %add3A_31 : vector<4096x128xf32>
    %mul3A = arith.mulf %logistic3A_21, %tanh3A : vector<4096x128xf32>
    %swap3A = arith.constant 0 : index
    %swap3A_32 = arith.constant 0 : index
    %swap3A_33 = vector.load %arg7[%swap3A, %swap3A_32] : memref<4096x128xf32, #tpu.memory_space<vmem>>, vector<4096x128xf32>
    tpu.vector_store %arg7[%swap3A, %swap3A_32], %mul3A {strides = array<i32>} : memref<4096x128xf32, #tpu.memory_space<vmem>>, vector<4096x128xf32>,
    return
  }
  func.func @transform_0(%arg0: i32) -> (i32, i32) {
    %add3A = arith.constant 52 : i32
    %add3A_0 = arith.addi %arg0, %add3A : i32
    %c0_i32 = arith.constant 0 : i32
    %c0_i32_1 = arith.constant 0 : i32
    return %add3A_0, %c0_i32 : i32, i32
  }
  func.func @transform_1(%arg0: i32) -> (i32, i32) {
    %add3A = arith.constant 52 : i32
    %add3A_0 = arith.addi %arg0, %add3A : i32
    %c0_i32 = arith.constant 0 : i32
    %c0_i32_1 = arith.constant 0 : i32
    return %add3A_0, %c0_i32 : i32, i32
  }
  func.func @transform_2(%arg0: i32) -> (i32, i32) {
    %c0_i32 = arith.constant 0 : i32
    %c0_i32_0 = arith.constant 0 : i32
    %c0_i32_1 = arith.constant 0 : i32
    return %c0_i32, %c0_i32_0 : i32, i32
  }
  func.func @transform_3(%arg0: i32) -> (i32, i32) {
    %c0_i32 = arith.constant 0 : i32
    %c0_i32_0 = arith.constant 0 : i32
    %c0_i32_1 = arith.constant 0 : i32
    return %c0_i32, %c0_i32_0 : i32, i32
  }
  func.func @transform_4(%arg0: i32) -> (i32, i32) {
    %c0_i32 = arith.constant 0 : i32
    %c0_i32_0 = arith.constant 0 : i32
    %c0_i32_1 = arith.constant 0 : i32
    return %c0_i32, %c0_i32_0 : i32, i32
  }
  func.func @transform_5(%arg0: i32) -> (i32, i32) {
    %c0_i32 = arith.constant 0 : i32
    %c0_i32_0 = arith.constant 0 : i32
    %c0_i32_1 = arith.constant 0 : i32
    return %c0_i32, %c0_i32_0 : i32, i32
  }
  func.func @transform_6(%arg0: i32) -> (i32, i32) {
    %c0_i32 = arith.constant 0 : i32
    %c0_i32_0 = arith.constant 0 : i32
    return %arg0, %c0_i32 : i32, i32
  }
}

module attributes {stable_mosaic.version = 14 : i64} {
  func.func @_gate_body(%arg0: i32, %arg1: memref<4096x128xf32, #tpu.memory_space<vmem>>, %arg2: memref<4096x128xf32, #tpu.memory_space<vmem>>, %arg3: memref<128x256xf32, #tpu.memory_space<vmem>>, %arg4: memref<1x128xf32, #tpu.memory_space<vmem>>, %arg5: memref<128x128xf32, #tpu.memory_space<vmem>>, %arg6: memref<1x128xf32, #tpu.memory_space<vmem>>, %arg7: memref<4096x128xf32, #tpu.memory_space<vmem>>) attributes {dimension_semantics = [#tpu.dimension_semantics<arbitrary>], iteration_bounds = array<i64: 26>, scalar_prefetch = 0 : i64, scratch_operands = 0 : i64, tpu.core_type = #tpu.core_type<tc>, window_params = [{transform_indices = @transform_0, window_bounds = array<i64: 4096, 128>}, {transform_indices = @transform_1, window_bounds = array<i64: 4096, 128>}, {pipeline_mode = #tpu.pipeline_mode<synchronous>, transform_indices = @transform_2, window_bounds = array<i64: 128, 256>}, {pipeline_mode = #tpu.pipeline_mode<synchronous>, transform_indices = @transform_3, window_bounds = array<i64: 1, 128>}, {pipeline_mode = #tpu.pipeline_mode<synchronous>, transform_indices = @transform_4, window_bounds = array<i64: 128, 128>}, {pipeline_mode = #tpu.pipeline_mode<synchronous>, transform_indices = @transform_5, window_bounds = array<i64: 1, 128>}, {transform_indices = @transform_6, window_bounds = array<i64: 4096, 128>}]} {
    %get3A = arith.constant 0 : index
    %get3A_0 = arith.constant 0 : index
    %get3A_1 = vector.load %arg1[%get3A, %get3A_0] : memref<4096x128xf32, #tpu.memory_space<vmem>>, vector<4096x128xf32>
    %get3A_2 = arith.constant 0 : index
    %get3A_3 = arith.constant 0 : index
    %get3A_4 = vector.load %arg2[%get3A_2, %get3A_3] : memref<4096x128xf32, #tpu.memory_space<vmem>>, vector<4096x128xf32>
    %get3A_5 = arith.constant 0 : index
    %get3A_6 = arith.constant 0 : index
    %get3A_7 = vector.load %arg3[%get3A_5, %get3A_6] : memref<128x256xf32, #tpu.memory_space<vmem>>, vector<128x256xf32>
    %slice3A = vector.extract_strided_slice %get3A_7 {offsets = [0, 0], sizes = [128, 128], strides = [1, 1]} : vector<128x256xf32> to vector<128x128xf32>
    %dot_general3A = arith.constant dense<0.000000e+00> : vector<4096x128xf32>
    %dot_general3A_8 = tpu.matmul %get3A_1, %slice3A, %dot_general3A {dimension_numbers = #tpu.dot_dimension_numbers<[1], [1], [0], [0], [0, 0, 1, 0], [], []>, transpose_lhs_hint = false} : vector<4096x128xf32>, vector<128x128xf32>, vector<4096x128xf32> -> vector<4096x128xf32>
    %slice3A_9 = vector.extract_strided_slice %get3A_7 {offsets = [0, 128], sizes = [128, 128], strides = [1, 1]} : vector<128x256xf32> to vector<128x128xf32>
    %dot_general3A_10 = arith.constant dense<0.000000e+00> : vector<4096x128xf32>
    %dot_general3A_11 = tpu.matmul %get3A_4, %slice3A_9, %dot_general3A_10 {dimension_numbers = #tpu.dot_dimension_numbers<[1], [1], [0], [0], [0, 0, 1, 0], [], []>, transpose_lhs_hint = false} : vector<4096x128xf32>, vector<128x128xf32>, vector<4096x128xf32> -> vector<4096x128xf32>
    %add3A = arith.addf %dot_general3A_8, %dot_general3A_11 : vector<4096x128xf32>
    %get3A_12 = arith.constant 0 : index
    %get3A_13 = arith.constant 0 : index
    %get3A_14 = vector.load %arg4[%get3A_12, %get3A_13] : memref<1x128xf32, #tpu.memory_space<vmem>>, vector<1x128xf32>
    %add3A_15 = vector.broadcast %get3A_14 : vector<1x128xf32> to vector<4096x128xf32>
    %add3A_16 = arith.addf %add3A, %add3A_15 : vector<4096x128xf32>
    %logistic3A = arith.negf %add3A_16 : vector<4096x128xf32>
    %logistic3A_17 = math.exp %logistic3A : vector<4096x128xf32>
    %logistic3A_18 = arith.constant 1.000000e+00 : f32
    %logistic3A_19 = vector.broadcast %logistic3A_18 : f32 to vector<4096x128xf32>
    %logistic3A_20 = arith.addf %logistic3A_19, %logistic3A_17 : vector<4096x128xf32>
    %logistic3A_21 = arith.divf %logistic3A_19, %logistic3A_20 : vector<4096x128xf32>
    %get3A_22 = arith.constant 0 : index
    %get3A_23 = arith.constant 0 : index
    %get3A_24 = vector.load %arg5[%get3A_22, %get3A_23] : memref<128x128xf32, #tpu.memory_space<vmem>>, vector<128x128xf32>
    %dot_general3A_25 = arith.constant dense<0.000000e+00> : vector<4096x128xf32>
    %dot_general3A_26 = tpu.matmul %get3A_1, %get3A_24, %dot_general3A_25 {dimension_numbers = #tpu.dot_dimension_numbers<[1], [1], [0], [0], [0, 0, 1, 0], [], []>, transpose_lhs_hint = false} : vector<4096x128xf32>, vector<128x128xf32>, vector<4096x128xf32> -> vector<4096x128xf32>
    %get3A_27 = arith.constant 0 : index
    %get3A_28 = arith.constant 0 : index
    %get3A_29 = vector.load %arg6[%get3A_27, %get3A_28] : memref<1x128xf32, #tpu.memory_space<vmem>>, vector<1x128xf32>
    %add3A_30 = vector.broadcast %get3A_29 : vector<1x128xf32> to vector<4096x128xf32>
    %add3A_31 = arith.addf %dot_general3A_26, %add3A_30 : vector<4096x128xf32>
    %tanh3A = math.tanh %add3A_31 : vector<4096x128xf32>
    %mul3A = arith.mulf %logistic3A_21, %tanh3A : vector<4096x128xf32>
    %swap3A = arith.constant 0 : index
    %swap3A_32 = arith.constant 0 : index
    %swap3A_33 = vector.load %arg7[%swap3A, %swap3A_32] : memref<4096x128xf32, #tpu.memory_space<vmem>>, vector<4096x128xf32>
    tpu.vector_store %arg7[%swap3A, %swap3A_32], %mul3A {strides = array<i32>} : memref<4096x128xf32, #tpu.memory_space<vmem>>, vector<4096x128xf32>,
    return
  }
  func.func @transform_0(%arg0: i32) -> (i32, i32) {
    %add3A = arith.constant 0 : i32
    %add3A_0 = arith.addi %arg0, %add3A : i32
    %c0_i32 = arith.constant 0 : i32
    %c0_i32_1 = arith.constant 0 : i32
    return %add3A_0, %c0_i32 : i32, i32
  }
  func.func @transform_1(%arg0: i32) -> (i32, i32) {
    %add3A = arith.constant 0 : i32
    %add3A_0 = arith.addi %arg0, %add3A : i32
    %c0_i32 = arith.constant 0 : i32
    %c0_i32_1 = arith.constant 0 : i32
    return %add3A_0, %c0_i32 : i32, i32
  }
  func.func @transform_2(%arg0: i32) -> (i32, i32) {
    %c0_i32 = arith.constant 0 : i32
    %c0_i32_0 = arith.constant 0 : i32
    %c0_i32_1 = arith.constant 0 : i32
    return %c0_i32, %c0_i32_0 : i32, i32
  }
  func.func @transform_3(%arg0: i32) -> (i32, i32) {
    %c0_i32 = arith.constant 0 : i32
    %c0_i32_0 = arith.constant 0 : i32
    %c0_i32_1 = arith.constant 0 : i32
    return %c0_i32, %c0_i32_0 : i32, i32
  }
  func.func @transform_4(%arg0: i32) -> (i32, i32) {
    %c0_i32 = arith.constant 0 : i32
    %c0_i32_0 = arith.constant 0 : i32
    %c0_i32_1 = arith.constant 0 : i32
    return %c0_i32, %c0_i32_0 : i32, i32
  }
  func.func @transform_5(%arg0: i32) -> (i32, i32) {
    %c0_i32 = arith.constant 0 : i32
    %c0_i32_0 = arith.constant 0 : i32
    %c0_i32_1 = arith.constant 0 : i32
    return %c0_i32, %c0_i32_0 : i32, i32
  }
  func.func @transform_6(%arg0: i32) -> (i32, i32) {
    %c0_i32 = arith.constant 0 : i32
    %c0_i32_0 = arith.constant 0 : i32
    return %arg0, %c0_i32 : i32, i32
  }
}

module attributes {stable_mosaic.version = 14 : i64} {
  func.func @_gate_body(%arg0: i32, %arg1: memref<512x128xf32, #tpu.memory_space<vmem>>, %arg2: memref<512x128xf32, #tpu.memory_space<vmem>>, %arg3: memref<128x256xf32, #tpu.memory_space<vmem>>, %arg4: memref<1x128xf32, #tpu.memory_space<vmem>>, %arg5: memref<128x128xf32, #tpu.memory_space<vmem>>, %arg6: memref<1x128xf32, #tpu.memory_space<vmem>>, %arg7: memref<512x128xf32, #tpu.memory_space<vmem>>) attributes {dimension_semantics = [#tpu.dimension_semantics<arbitrary>], iteration_bounds = array<i64: 1>, scalar_prefetch = 0 : i64, scratch_operands = 0 : i64, tpu.core_type = #tpu.core_type<tc>, window_params = [{transform_indices = @transform_0, window_bounds = array<i64: 512, 128>}, {transform_indices = @transform_1, window_bounds = array<i64: 512, 128>}, {pipeline_mode = #tpu.pipeline_mode<synchronous>, transform_indices = @transform_2, window_bounds = array<i64: 128, 256>}, {pipeline_mode = #tpu.pipeline_mode<synchronous>, transform_indices = @transform_3, window_bounds = array<i64: 1, 128>}, {pipeline_mode = #tpu.pipeline_mode<synchronous>, transform_indices = @transform_4, window_bounds = array<i64: 128, 128>}, {pipeline_mode = #tpu.pipeline_mode<synchronous>, transform_indices = @transform_5, window_bounds = array<i64: 1, 128>}, {transform_indices = @transform_6, window_bounds = array<i64: 512, 128>}]} {
    %get3A = arith.constant 0 : index
    %get3A_0 = arith.constant 0 : index
    %get3A_1 = vector.load %arg1[%get3A, %get3A_0] : memref<512x128xf32, #tpu.memory_space<vmem>>, vector<512x128xf32>
    %get3A_2 = arith.constant 0 : index
    %get3A_3 = arith.constant 0 : index
    %get3A_4 = vector.load %arg2[%get3A_2, %get3A_3] : memref<512x128xf32, #tpu.memory_space<vmem>>, vector<512x128xf32>
    %get3A_5 = arith.constant 0 : index
    %get3A_6 = arith.constant 0 : index
    %get3A_7 = vector.load %arg3[%get3A_5, %get3A_6] : memref<128x256xf32, #tpu.memory_space<vmem>>, vector<128x256xf32>
    %slice3A = vector.extract_strided_slice %get3A_7 {offsets = [0, 0], sizes = [128, 128], strides = [1, 1]} : vector<128x256xf32> to vector<128x128xf32>
    %dot_general3A = arith.constant dense<0.000000e+00> : vector<512x128xf32>
    %dot_general3A_8 = tpu.matmul %get3A_1, %slice3A, %dot_general3A {dimension_numbers = #tpu.dot_dimension_numbers<[1], [1], [0], [0], [0, 0, 1, 0], [], []>, transpose_lhs_hint = false} : vector<512x128xf32>, vector<128x128xf32>, vector<512x128xf32> -> vector<512x128xf32>
    %slice3A_9 = vector.extract_strided_slice %get3A_7 {offsets = [0, 128], sizes = [128, 128], strides = [1, 1]} : vector<128x256xf32> to vector<128x128xf32>
    %dot_general3A_10 = arith.constant dense<0.000000e+00> : vector<512x128xf32>
    %dot_general3A_11 = tpu.matmul %get3A_4, %slice3A_9, %dot_general3A_10 {dimension_numbers = #tpu.dot_dimension_numbers<[1], [1], [0], [0], [0, 0, 1, 0], [], []>, transpose_lhs_hint = false} : vector<512x128xf32>, vector<128x128xf32>, vector<512x128xf32> -> vector<512x128xf32>
    %add3A = arith.addf %dot_general3A_8, %dot_general3A_11 : vector<512x128xf32>
    %get3A_12 = arith.constant 0 : index
    %get3A_13 = arith.constant 0 : index
    %get3A_14 = vector.load %arg4[%get3A_12, %get3A_13] : memref<1x128xf32, #tpu.memory_space<vmem>>, vector<1x128xf32>
    %add3A_15 = vector.broadcast %get3A_14 : vector<1x128xf32> to vector<512x128xf32>
    %add3A_16 = arith.addf %add3A, %add3A_15 : vector<512x128xf32>
    %logistic3A = arith.negf %add3A_16 : vector<512x128xf32>
    %logistic3A_17 = math.exp %logistic3A : vector<512x128xf32>
    %logistic3A_18 = arith.constant 1.000000e+00 : f32
    %logistic3A_19 = vector.broadcast %logistic3A_18 : f32 to vector<512x128xf32>
    %logistic3A_20 = arith.addf %logistic3A_19, %logistic3A_17 : vector<512x128xf32>
    %logistic3A_21 = arith.divf %logistic3A_19, %logistic3A_20 : vector<512x128xf32>
    %get3A_22 = arith.constant 0 : index
    %get3A_23 = arith.constant 0 : index
    %get3A_24 = vector.load %arg5[%get3A_22, %get3A_23] : memref<128x128xf32, #tpu.memory_space<vmem>>, vector<128x128xf32>
    %dot_general3A_25 = arith.constant dense<0.000000e+00> : vector<512x128xf32>
    %dot_general3A_26 = tpu.matmul %get3A_1, %get3A_24, %dot_general3A_25 {dimension_numbers = #tpu.dot_dimension_numbers<[1], [1], [0], [0], [0, 0, 1, 0], [], []>, transpose_lhs_hint = false} : vector<512x128xf32>, vector<128x128xf32>, vector<512x128xf32> -> vector<512x128xf32>
    %get3A_27 = arith.constant 0 : index
    %get3A_28 = arith.constant 0 : index
    %get3A_29 = vector.load %arg6[%get3A_27, %get3A_28] : memref<1x128xf32, #tpu.memory_space<vmem>>, vector<1x128xf32>
    %add3A_30 = vector.broadcast %get3A_29 : vector<1x128xf32> to vector<512x128xf32>
    %add3A_31 = arith.addf %dot_general3A_26, %add3A_30 : vector<512x128xf32>
    %tanh3A = math.tanh %add3A_31 : vector<512x128xf32>
    %mul3A = arith.mulf %logistic3A_21, %tanh3A : vector<512x128xf32>
    %swap3A = arith.constant 0 : index
    %swap3A_32 = arith.constant 0 : index
    %swap3A_33 = vector.load %arg7[%swap3A, %swap3A_32] : memref<512x128xf32, #tpu.memory_space<vmem>>, vector<512x128xf32>
    tpu.vector_store %arg7[%swap3A, %swap3A_32], %mul3A {strides = array<i32>} : memref<512x128xf32, #tpu.memory_space<vmem>>, vector<512x128xf32>,
    return
  }
  func.func @transform_0(%arg0: i32) -> (i32, i32) {
    %add3A = arith.constant 624 : i32
    %add3A_0 = arith.addi %arg0, %add3A : i32
    %c0_i32 = arith.constant 0 : i32
    %c0_i32_1 = arith.constant 0 : i32
    return %add3A_0, %c0_i32 : i32, i32
  }
  func.func @transform_1(%arg0: i32) -> (i32, i32) {
    %add3A = arith.constant 624 : i32
    %add3A_0 = arith.addi %arg0, %add3A : i32
    %c0_i32 = arith.constant 0 : i32
    %c0_i32_1 = arith.constant 0 : i32
    return %add3A_0, %c0_i32 : i32, i32
  }
  func.func @transform_2(%arg0: i32) -> (i32, i32) {
    %c0_i32 = arith.constant 0 : i32
    %c0_i32_0 = arith.constant 0 : i32
    %c0_i32_1 = arith.constant 0 : i32
    return %c0_i32, %c0_i32_0 : i32, i32
  }
  func.func @transform_3(%arg0: i32) -> (i32, i32) {
    %c0_i32 = arith.constant 0 : i32
    %c0_i32_0 = arith.constant 0 : i32
    %c0_i32_1 = arith.constant 0 : i32
    return %c0_i32, %c0_i32_0 : i32, i32
  }
  func.func @transform_4(%arg0: i32) -> (i32, i32) {
    %c0_i32 = arith.constant 0 : i32
    %c0_i32_0 = arith.constant 0 : i32
    %c0_i32_1 = arith.constant 0 : i32
    return %c0_i32, %c0_i32_0 : i32, i32
  }
  func.func @transform_5(%arg0: i32) -> (i32, i32) {
    %c0_i32 = arith.constant 0 : i32
    %c0_i32_0 = arith.constant 0 : i32
    %c0_i32_1 = arith.constant 0 : i32
    return %c0_i32, %c0_i32_0 : i32, i32
  }
  func.func @transform_6(%arg0: i32) -> (i32, i32) {
    %c0_i32 = arith.constant 0 : i32
    %c0_i32_0 = arith.constant 0 : i32
    return %arg0, %c0_i32 : i32, i32
  }
}

module attributes {stable_mosaic.version = 14 : i64} {
  func.func @_gate_body(%arg0: i32, %arg1: memref<4096x128xf32, #tpu.memory_space<vmem>>, %arg2: memref<4096x128xf32, #tpu.memory_space<vmem>>, %arg3: memref<128x256xf32, #tpu.memory_space<vmem>>, %arg4: memref<1x128xf32, #tpu.memory_space<vmem>>, %arg5: memref<128x128xf32, #tpu.memory_space<vmem>>, %arg6: memref<1x128xf32, #tpu.memory_space<vmem>>, %arg7: memref<4096x128xf32, #tpu.memory_space<vmem>>) attributes {dimension_semantics = [#tpu.dimension_semantics<arbitrary>], iteration_bounds = array<i64: 26>, scalar_prefetch = 0 : i64, scratch_operands = 0 : i64, tpu.core_type = #tpu.core_type<tc>, window_params = [{transform_indices = @transform_0, window_bounds = array<i64: 4096, 128>}, {transform_indices = @transform_1, window_bounds = array<i64: 4096, 128>}, {pipeline_mode = #tpu.pipeline_mode<synchronous>, transform_indices = @transform_2, window_bounds = array<i64: 128, 256>}, {pipeline_mode = #tpu.pipeline_mode<synchronous>, transform_indices = @transform_3, window_bounds = array<i64: 1, 128>}, {pipeline_mode = #tpu.pipeline_mode<synchronous>, transform_indices = @transform_4, window_bounds = array<i64: 128, 128>}, {pipeline_mode = #tpu.pipeline_mode<synchronous>, transform_indices = @transform_5, window_bounds = array<i64: 1, 128>}, {transform_indices = @transform_6, window_bounds = array<i64: 4096, 128>}]} {
    %get3A = arith.constant 0 : index
    %get3A_0 = arith.constant 0 : index
    %get3A_1 = vector.load %arg1[%get3A, %get3A_0] : memref<4096x128xf32, #tpu.memory_space<vmem>>, vector<4096x128xf32>
    %get3A_2 = arith.constant 0 : index
    %get3A_3 = arith.constant 0 : index
    %get3A_4 = vector.load %arg2[%get3A_2, %get3A_3] : memref<4096x128xf32, #tpu.memory_space<vmem>>, vector<4096x128xf32>
    %get3A_5 = arith.constant 0 : index
    %get3A_6 = arith.constant 0 : index
    %get3A_7 = vector.load %arg3[%get3A_5, %get3A_6] : memref<128x256xf32, #tpu.memory_space<vmem>>, vector<128x256xf32>
    %slice3A = vector.extract_strided_slice %get3A_7 {offsets = [0, 0], sizes = [128, 128], strides = [1, 1]} : vector<128x256xf32> to vector<128x128xf32>
    %dot_general3A = arith.constant dense<0.000000e+00> : vector<4096x128xf32>
    %dot_general3A_8 = tpu.matmul %get3A_1, %slice3A, %dot_general3A {dimension_numbers = #tpu.dot_dimension_numbers<[1], [1], [0], [0], [0, 0, 1, 0], [], []>, transpose_lhs_hint = false} : vector<4096x128xf32>, vector<128x128xf32>, vector<4096x128xf32> -> vector<4096x128xf32>
    %slice3A_9 = vector.extract_strided_slice %get3A_7 {offsets = [0, 128], sizes = [128, 128], strides = [1, 1]} : vector<128x256xf32> to vector<128x128xf32>
    %dot_general3A_10 = arith.constant dense<0.000000e+00> : vector<4096x128xf32>
    %dot_general3A_11 = tpu.matmul %get3A_4, %slice3A_9, %dot_general3A_10 {dimension_numbers = #tpu.dot_dimension_numbers<[1], [1], [0], [0], [0, 0, 1, 0], [], []>, transpose_lhs_hint = false} : vector<4096x128xf32>, vector<128x128xf32>, vector<4096x128xf32> -> vector<4096x128xf32>
    %add3A = arith.addf %dot_general3A_8, %dot_general3A_11 : vector<4096x128xf32>
    %get3A_12 = arith.constant 0 : index
    %get3A_13 = arith.constant 0 : index
    %get3A_14 = vector.load %arg4[%get3A_12, %get3A_13] : memref<1x128xf32, #tpu.memory_space<vmem>>, vector<1x128xf32>
    %add3A_15 = vector.broadcast %get3A_14 : vector<1x128xf32> to vector<4096x128xf32>
    %add3A_16 = arith.addf %add3A, %add3A_15 : vector<4096x128xf32>
    %logistic3A = arith.negf %add3A_16 : vector<4096x128xf32>
    %logistic3A_17 = math.exp %logistic3A : vector<4096x128xf32>
    %logistic3A_18 = arith.constant 1.000000e+00 : f32
    %logistic3A_19 = vector.broadcast %logistic3A_18 : f32 to vector<4096x128xf32>
    %logistic3A_20 = arith.addf %logistic3A_19, %logistic3A_17 : vector<4096x128xf32>
    %logistic3A_21 = arith.divf %logistic3A_19, %logistic3A_20 : vector<4096x128xf32>
    %get3A_22 = arith.constant 0 : index
    %get3A_23 = arith.constant 0 : index
    %get3A_24 = vector.load %arg5[%get3A_22, %get3A_23] : memref<128x128xf32, #tpu.memory_space<vmem>>, vector<128x128xf32>
    %dot_general3A_25 = arith.constant dense<0.000000e+00> : vector<4096x128xf32>
    %dot_general3A_26 = tpu.matmul %get3A_1, %get3A_24, %dot_general3A_25 {dimension_numbers = #tpu.dot_dimension_numbers<[1], [1], [0], [0], [0, 0, 1, 0], [], []>, transpose_lhs_hint = false} : vector<4096x128xf32>, vector<128x128xf32>, vector<4096x128xf32> -> vector<4096x128xf32>
    %get3A_27 = arith.constant 0 : index
    %get3A_28 = arith.constant 0 : index
    %get3A_29 = vector.load %arg6[%get3A_27, %get3A_28] : memref<1x128xf32, #tpu.memory_space<vmem>>, vector<1x128xf32>
    %add3A_30 = vector.broadcast %get3A_29 : vector<1x128xf32> to vector<4096x128xf32>
    %add3A_31 = arith.addf %dot_general3A_26, %add3A_30 : vector<4096x128xf32>
    %tanh3A = math.tanh %add3A_31 : vector<4096x128xf32>
    %mul3A = arith.mulf %logistic3A_21, %tanh3A : vector<4096x128xf32>
    %swap3A = arith.constant 0 : index
    %swap3A_32 = arith.constant 0 : index
    %swap3A_33 = vector.load %arg7[%swap3A, %swap3A_32] : memref<4096x128xf32, #tpu.memory_space<vmem>>, vector<4096x128xf32>
    tpu.vector_store %arg7[%swap3A, %swap3A_32], %mul3A {strides = array<i32>} : memref<4096x128xf32, #tpu.memory_space<vmem>>, vector<4096x128xf32>,
    return
  }
  func.func @transform_0(%arg0: i32) -> (i32, i32) {
    %add3A = arith.constant 26 : i32
    %add3A_0 = arith.addi %arg0, %add3A : i32
    %c0_i32 = arith.constant 0 : i32
    %c0_i32_1 = arith.constant 0 : i32
    return %add3A_0, %c0_i32 : i32, i32
  }
  func.func @transform_1(%arg0: i32) -> (i32, i32) {
    %add3A = arith.constant 26 : i32
    %add3A_0 = arith.addi %arg0, %add3A : i32
    %c0_i32 = arith.constant 0 : i32
    %c0_i32_1 = arith.constant 0 : i32
    return %add3A_0, %c0_i32 : i32, i32
  }
  func.func @transform_2(%arg0: i32) -> (i32, i32) {
    %c0_i32 = arith.constant 0 : i32
    %c0_i32_0 = arith.constant 0 : i32
    %c0_i32_1 = arith.constant 0 : i32
    return %c0_i32, %c0_i32_0 : i32, i32
  }
  func.func @transform_3(%arg0: i32) -> (i32, i32) {
    %c0_i32 = arith.constant 0 : i32
    %c0_i32_0 = arith.constant 0 : i32
    %c0_i32_1 = arith.constant 0 : i32
    return %c0_i32, %c0_i32_0 : i32, i32
  }
  func.func @transform_4(%arg0: i32) -> (i32, i32) {
    %c0_i32 = arith.constant 0 : i32
    %c0_i32_0 = arith.constant 0 : i32
    %c0_i32_1 = arith.constant 0 : i32
    return %c0_i32, %c0_i32_0 : i32, i32
  }
  func.func @transform_5(%arg0: i32) -> (i32, i32) {
    %c0_i32 = arith.constant 0 : i32
    %c0_i32_0 = arith.constant 0 : i32
    %c0_i32_1 = arith.constant 0 : i32
    return %c0_i32, %c0_i32_0 : i32, i32
  }
  func.func @transform_6(%arg0: i32) -> (i32, i32) {
    %c0_i32 = arith.constant 0 : i32
    %c0_i32_0 = arith.constant 0 : i32
    return %arg0, %c0_i32 : i32, i32
  }
}

module attributes {stable_mosaic.version = 14 : i64} {
  func.func @_combine_body(%arg0: memref<2x1024x128xf32, #tpu.memory_space<vmem>>, %arg1: memref<2x1024x128xf32, #tpu.memory_space<vmem>>, %arg2: memref<2x1024x128xf32, #tpu.memory_space<vmem>>, %arg3: memref<1x128xf32, #tpu.memory_space<vmem>>, %arg4: memref<1x1xf32, #tpu.memory_space<vmem>>, %arg5: memref<1024x1xf32, #tpu.memory_space<vmem>>, %arg6: memref<1024x128xf32, #tpu.memory_space<vmem>>) attributes {dimension_semantics = [], scalar_prefetch = 0 : i64, scratch_operands = 0 : i64, tpu.core_type = #tpu.core_type<tc>} {
    %get3A = arith.constant 0 : index
    %get3A_0 = arith.constant 0 : index
    %get3A_1 = arith.constant 0 : index
    %get3A_2 = vector.load %arg0[%get3A, %get3A_0, %get3A_1] : memref<2x1024x128xf32, #tpu.memory_space<vmem>>, vector<1x1024x128xf32>
    %get3A_3 = vector.shape_cast %get3A_2 : vector<1x1024x128xf32> to vector<1024x128xf32>
    %get3A_4 = arith.constant 1 : index
    %get3A_5 = arith.constant 0 : index
    %get3A_6 = arith.constant 0 : index
    %get3A_7 = vector.load %arg0[%get3A_4, %get3A_5, %get3A_6] : memref<2x1024x128xf32, #tpu.memory_space<vmem>>, vector<1x1024x128xf32>
    %get3A_8 = vector.shape_cast %get3A_7 : vector<1x1024x128xf32> to vector<1024x128xf32>
    %add3A = arith.addf %get3A_3, %get3A_8 : vector<1024x128xf32>
    %get3A_9 = arith.constant 0 : index
    %get3A_10 = arith.constant 0 : index
    %get3A_11 = arith.constant 0 : index
    %get3A_12 = vector.load %arg1[%get3A_9, %get3A_10, %get3A_11] : memref<2x1024x128xf32, #tpu.memory_space<vmem>>, vector<1x1024x128xf32>
    %get3A_13 = vector.shape_cast %get3A_12 : vector<1x1024x128xf32> to vector<1024x128xf32>
    %add3A_14 = arith.addf %add3A, %get3A_13 : vector<1024x128xf32>
    %get3A_15 = arith.constant 1 : index
    %get3A_16 = arith.constant 0 : index
    %get3A_17 = arith.constant 0 : index
    %get3A_18 = vector.load %arg1[%get3A_15, %get3A_16, %get3A_17] : memref<2x1024x128xf32, #tpu.memory_space<vmem>>, vector<1x1024x128xf32>
    %get3A_19 = vector.shape_cast %get3A_18 : vector<1x1024x128xf32> to vector<1024x128xf32>
    %add3A_20 = arith.addf %add3A_14, %get3A_19 : vector<1024x128xf32>
    %get3A_21 = arith.constant 0 : index
    %get3A_22 = arith.constant 0 : index
    %get3A_23 = arith.constant 0 : index
    %get3A_24 = vector.load %arg2[%get3A_21, %get3A_22, %get3A_23] : memref<2x1024x128xf32, #tpu.memory_space<vmem>>, vector<1x1024x128xf32>
    %get3A_25 = vector.shape_cast %get3A_24 : vector<1x1024x128xf32> to vector<1024x128xf32>
    %add3A_26 = arith.addf %add3A_20, %get3A_25 : vector<1024x128xf32>
    %get3A_27 = arith.constant 1 : index
    %get3A_28 = arith.constant 0 : index
    %get3A_29 = arith.constant 0 : index
    %get3A_30 = vector.load %arg2[%get3A_27, %get3A_28, %get3A_29] : memref<2x1024x128xf32, #tpu.memory_space<vmem>>, vector<1x1024x128xf32>
    %get3A_31 = vector.shape_cast %get3A_30 : vector<1x1024x128xf32> to vector<1024x128xf32>
    %add3A_32 = arith.addf %add3A_26, %get3A_31 : vector<1024x128xf32>
    %swap3A = arith.constant 0 : index
    %swap3A_33 = arith.constant 0 : index
    %swap3A_34 = vector.load %arg6[%swap3A, %swap3A_33] : memref<1024x128xf32, #tpu.memory_space<vmem>>, vector<1024x128xf32>
    tpu.vector_store %arg6[%swap3A, %swap3A_33], %add3A_32 {strides = array<i32>} : memref<1024x128xf32, #tpu.memory_space<vmem>>, vector<1024x128xf32>,
    %get3A_35 = arith.constant 0 : index
    %get3A_36 = arith.constant 0 : index
    %get3A_37 = vector.load %arg3[%get3A_35, %get3A_36] : memref<1x128xf32, #tpu.memory_space<vmem>>, vector<1x128xf32>
    %mul3A = vector.broadcast %get3A_37 : vector<1x128xf32> to vector<1024x128xf32>
    %mul3A_38 = arith.mulf %add3A_32, %mul3A : vector<1024x128xf32>
    %reduce_sum3A = arith.constant dense<0.000000e+00> : vector<1024xf32>
    %reduce_sum3A_39 = vector.multi_reduction <add>, %mul3A_38, %reduce_sum3A [1] : vector<1024x128xf32> to vector<1024xf32>
    %broadcast_in_dim3A = vector.shape_cast %reduce_sum3A_39 : vector<1024xf32> to vector<1024x1xf32>
    %get3A_40 = arith.constant 0 : index
    %get3A_41 = arith.constant 0 : index
    %get3A_42 = vector.load %arg4[%get3A_40, %get3A_41] : memref<1x1xf32, #tpu.memory_space<vmem>>, vector<1x1xf32>
    %add3A_43 = vector.broadcast %get3A_42 : vector<1x1xf32> to vector<1024x1xf32>
    %add3A_44 = arith.addf %broadcast_in_dim3A, %add3A_43 : vector<1024x1xf32>
    %swap3A_45 = arith.constant 0 : index
    %swap3A_46 = arith.constant 0 : index
    %swap3A_47 = vector.load %arg5[%swap3A_45, %swap3A_46] : memref<1024x1xf32, #tpu.memory_space<vmem>>, vector<1024x1xf32>
    tpu.vector_store %arg5[%swap3A_45, %swap3A_46], %add3A_44 {strides = array<i32>} : memref<1024x1xf32, #tpu.memory_space<vmem>>, vector<1024x1xf32>,
    return
  }
}

</mosaic_0001>

<sc_bundles>
// kernel: kernel.10.cloned.1.call-start
scs
__scs_entry_jumppad:
0x0: {  	(pc) =	sbr.rel $0x88, $3  }
0x1: {  	(tag) =	ssettag $0x0;
	lr =	simm.s32 $0x1  }
0x2: {  	[smem:$0x3F98] =	sst lr;
	_ =	strace $0xD0000000  }
0x3: {  	_ = 	snop  }
0x4: {  	_ = 	snop  }
0x5: {  	_ = 	snop  }
0x6: {  	_ = 	snop  }
0x7: {  	_ = 	snop  }
__scs_overlays_trampoline_lowered:
0x8: {  	[smem:$0x3FA7] =	sst s0  }
0x9: {  	[smem:$0x3FA8] =	sst s1  }
0xa: {  	[smem:$0x3FA9] =	sst s2  }
0xb: {  	[smem:$0x3FAA] =	sst s3  }
0xc: {  	[smem:$0x3FAB] =	sst s4  }
0xd: {  	[smem:$0x3FAC] =	sst s5  }
0xe: {  	[smem:$0x3FAD] =	sst s6  }
0xf: {  	[smem:$0x3FAE] =	sst s7  }
0x10: {  	[smem:$0x3FAF] =	sst s8  }
0x11: {  	[smem:$0x3FB0] =	sst s9;
	s0 =	simm.s32 @!p0 $0x0  }
0x12: {  	s1 =	sld [smem:$0x3F96];
	s0 =	simm.s32 @p0 $0x1  }
0x13: {  	[smem:$0x3FB1] =	sst s0;
	s0 =	simm.s32 @!p1 $0x0  }
0x14: {  	s2 =	sld [smem:$0x3F95];
	s0 =	simm.s32 @p1 $0x1  }
0x15: {  	[smem:$0x3FB2] =	sst s0;
	s0 =	simm.s32 @!p2 $0x0  }
0x16: {  	s3 =	sld [smem:$0x3FDB];
	s0 =	simm.s32 @p2 $0x1  }
0x17: {  	s4 =	simm.s32 $0x1BF5;
	[smem:$0x3FB4] =	sst s0  }
0x18: {  	s0 =	sld [smem:$0x3F97];
	_ =	swait.ge [sflag:s4], $0x0  }
0x19: {  	s7 =	sld [smem:$0x3F98]  }
0x1a: {  	s8 =	sadd.s32 $0xFFFFE003, lr  }
0x1b: {  	s9 =	sadd.s32 $0xFFFFFEF7, lr;
	s5 =	simm.s32 $0xFFFFFFFF;
	p2 =	slt.u32 s8, $0xFFFFF086  }
0x1c: {  	p1 =	slt.u32 s9, $0xF7A;
	s5 =	simm.s32 @!p2 $0x0  }
0x1d: {  	s5 =	simm.s32 @p1 $0x1;
	p0 =	seq.s32 s7, s2  }
0x1e: {  	s7 =	smul.u32 @!p0 $0xF7A, s2;
	p2 =	seq.s32 @!p0 s5, $0x0  }
0x1f: {  	s9 =	smul.u32 $0xF7A, s1;
	s8 =	simm.s32 @!p0 $0x1BF5;
	p2 =	por !p2, p0  }
0x20: {  	[sflag:s8] =	ssyncset.s32 @!p0 $0xFFFFF086;
	s6 =	sadd.s32 @!p0 s3, s7;
	s7 =	simm.s32 @!p0 $0x108  }
0x21: {  	s3 =	sadd.s32 s3, s9;
	s6 =	sadd.s32 @!p0 $0x88, s6;
	s7 =	simm.s32 @p2 $0x1082  }
0x22: {  	[simem:s7], [sflag:s8] =	dma.local @!p0 [hbm:s6], $0xF7A  }
0x23: {  	s9 =	sor.u32 $0xD0000000, s2;
	s6 =	simm.s32 $0x108;
	_ =	swait.ge @!p0 [sflag:s8], $0x0  }
0x24: {  	s3 =	sadd.s32 $0x88, s3;
	s6 =	simm.s32 @!p1 $0x1082;
	[sflag:s4] =	ssyncset.s32 $0xFFFFF086  }
0x25: {  	[simem:s6], [sflag:s4] =	dma.local [hbm:s3], $0xF7A  }
0x26: {  	[smem:$0x3F98] =	sst s1;
	(tag) =	ssettag s2;
	_ =	strace s9  }
0x27: {  	s1 =	sld [smem:$0x3FA8]  }
0x28: {  	s2 =	sld [smem:$0x3FA9]  }
0x29: {  	s4 =	sld [smem:$0x3FAB]  }
0x2a: {  	p0 =	seq.s32 s5, $0x0;
	s5 =	sld [smem:$0x3FAC]  }
0x2b: {  	s6 =	sld [smem:$0x3FAD]  }
0x2c: {  	s7 =	sld [smem:$0x3FAE]  }
0x2d: {  	s3 =	simm.s32 $0x108;
	s8 =	sld [smem:$0x3FAF]  }
0x2e: {  	s3 =	simm.s32 @!p0 $0x1082;
	s9 =	sld [smem:$0x3FB0]  }
0x2f: {  	lr =	sadd.s32 s0, s3;
	s0 =	sld [smem:$0x3FA7]  }
0x30: {  	s3 =	sld [smem:$0x3FAA]  }
0x31: {  	[smem:$0x3FB3] =	sst s10  }
0x32: {  	s10 =	sld [smem:$0x3FB1];
	_ =	sdelay $0x3  }
0x33: {  	p0 =	seq.s32 s10, $0x1;
	s10 =	sld [smem:$0x3FB3];
	_ =	sdelay $0x3  }
0x34: {  	[smem:$0x3FB3] =	sst s10  }
0x35: {  	s10 =	sld [smem:$0x3FB2];
	_ =	sdelay $0x3  }
0x36: {  	p1 =	seq.s32 s10, $0x1;
	s10 =	sld [smem:$0x3FB3];
	_ =	sdelay $0x3  }
0x37: {  	[smem:$0x3FB3] =	sst s10  }
0x38: {  	s10 =	sld [smem:$0x3FB4]  }
0x39: {  	_ = 	snop;
	(pc) =	sbr.ind lr, $3  }
0x3a: {  	_ = 	snop  }
0x3b: {  	_ = 	snop  }
0x3c: {  	p2 =	seq.s32 s10, $0x1;
	s10 =	sld [smem:$0x3FB3]  }
0x3d: {  	_ =	shalt  }
0x3e: {  	_ =	shalt  }
0x3f: {  	_ =	shalt  }
0x40: {  	_ =	shalt  }
0x41: {  	_ =	shalt  }
0x42: {  	_ =	shalt  }
0x43: {  	_ =	shalt  }
0x44: {  	_ =	shalt  }
0x45: {  	_ =	shalt  }
0x46: {  	_ =	shalt  }
0x47: {  	_ =	shalt  }
0x48: {  	_ =	shalt  }
0x49: {  	_ =	shalt  }
0x4a: {  	_ =	shalt  }
0x4b: {  	_ =	shalt  }
0x4c: {  	_ =	shalt  }
0x4d: {  	_ =	shalt  }
0x4e: {  	_ =	shalt  }
0x4f: {  	_ =	shalt  }
0x50: {  	_ =	shalt  }
0x51: {  	_ =	shalt  }
0x52: {  	_ =	shalt  }
0x53: {  	_ =	shalt  }
0x54: {  	_ =	shalt  }
0x55: {  	_ =	shalt  }
0x56: {  	_ =	shalt  }
0x57: {  	_ =	shalt  }
0x58: {  	_ =	shalt  }
0x59: {  	_ =	shalt  }
0x5a: {  	_ =	shalt  }
0x5b: {  	_ =	shalt  }
0x5c: {  	_ =	shalt  }
0x5d: {  	_ =	shalt  }
0x5e: {  	_ =	shalt  }
0x5f: {  	_ =	shalt  }
0x60: {  	_ =	shalt  }
0x61: {  	_ =	shalt  }
0x62: {  	_ =	shalt  }
0x63: {  	_ =	shalt  }
0x64: {  	_ =	shalt  }
0x65: {  	_ =	shalt  }
0x66: {  	_ =	shalt  }
0x67: {  	_ =	shalt  }
0x68: {  	_ =	shalt  }
0x69: {  	_ =	shalt  }
0x6a: {  	_ =	shalt  }
0x6b: {  	_ =	shalt  }
0x6c: {  	_ =	shalt  }
0x6d: {  	_ =	shalt  }
0x6e: {  	_ =	shalt  }
0x6f: {  	_ =	shalt  }
0x70: {  	_ =	shalt  }
0x71: {  	_ =	shalt  }
0x72: {  	_ =	shalt  }
0x73: {  	_ =	shalt  }
0x74: {  	_ =	shalt  }
0x75: {  	_ =	shalt  }
0x76: {  	_ =	shalt  }
0x77: {  	_ =	shalt  }
0x78: {  	_ =	shalt  }
0x79: {  	_ =	shalt  }
0x7a: {  	_ =	shalt  }
0x7b: {  	_ =	shalt  }
0x7c: {  	_ =	shalt  }
0x7d: {  	_ =	shalt  }
0x7e: {  	_ =	shalt  }
0x7f: {  	_ =	shalt  }
0x80: {  	_ =	shalt  }
0x81: {  	_ =	shalt  }
0x82: {  	_ =	shalt  }
0x83: {  	_ =	shalt  }
0x84: {  	_ =	shalt  }
0x85: {  	_ =	shalt  }
0x86: {  	_ =	shalt  }
0x87: {  	_ =	shalt  }
.Lfunc_end0:
.L_simem_size_0:
called_computation_lowered:
.L_overlay_start_0:
0x88: {  	s2 =	sld [smem:$0x3FD9]  }
0x89: {  	s3 =	sld [smem:$0x3FFE];
	_ =	sdelay $0x1  }
0x8a: {  	s1 =	srdreg.scid  }
0x8b: {  	s0 =	sand.u32 $0x1, s1  }
0x8c: {  	s17 =	sshll.u32 s0, $0xA;
	s2 =	sadd.s32 s3, s2  }
0x8d: {  	s2 =	sadd.s32 s2, s17  }
0x8e: {  	[smem:$0x3FBF] =	sst s2  }
0x8f: {  	_ = 	snop  }
0x90: {  	(tm) =	ssettm $0x1  }
0x91: {  	s18 =	sld [smem:$0x3FFB];
	_ =	sdelay $0x3  }
0x92: {  	_ =	strace s18  }
0x93: {  	s2 =	sld [smem:$0x3FFC];
	_ =	sdelay $0x3  }
0x94: {  	_ =	strace s2  }
0x95: {  	s2 =	sld [smem:$0x3FFD];
	_ =	sdelay $0x3  }
0x96: {  	_ =	strace s2  }
0x97: {  	_ =	strace $0x8FFFFFFF  }
0x98: {  	s19 =	sld [smem:$0x3FDB];
	_ =	sdelay $0x1  }
0x99: {  	s20 =	simm.s32 $_scs_section_size  }
0x9a: {  	s4 =	simm.s32 $_size__tile_overlayer_lowered;
	s5 =	simm.s32 $_tile_overlayer_lowered  }
0x9b: {  	s6 =	simm.s32 $0x1BFF;
	s21 =	sshll.u32 s5, $0x1;
	s3 =	sadd.s32 s20, s19  }
0x9c: {  	s22 =	simm.s32 $0x0;
	s4 =	sshll.u32 s4, $0x1;
	s5 =	sadd.s32 s21, s3  }
0x9d: {  	[timem:s22], [sflag:s6] =	dma.local [hbm:s5], s4  }
0x9e: {  	_ =	swait.ge [sflag:s6], s4  }
0x9f: {  	s4 =	ssub.s32 $0x0, s4;
	[sflag:s6] =	ssyncset.done $0x0  }
0xa0: {  	[sflag:s6] =	ssyncadd.s32 s4;
	_ =	sdelay $0x1  }
0xa1: {  	s23 =	simm.s32 $0x1B8B  }
0xa2: {  	_ =	swait.ge [sflag:s23], $0x1  }
0xa3: {  	[sflag:s23] =	ssyncset.done $0x0  }
0xa4: {  	[sflag:s23] =	ssyncadd.s32 $0xFFFFFFFF  }
0xa5: {  	s4 =	sld [smem:$0x0]  }
0xa6: {  	s5 =	sand.u32 $0xFFFFFFFE, s1  }
0xa7: {  	p0 =	sne.s32 s1, s5  }
0xa8: {  	s5 =	sshll.u32 @p0 s5, $0xE  }
0xa9: {  	s5 =	sadd.s32 @p0 $0x11B8D, s5;
	s6 =	sshll.u32 @p0 s4, $0x11  }
0xaa: {  	s5 =	sor.u32 @p0 s6, s5  }
0xab: {  	[sflag:s5] =	ssyncadd.remote.s32 @p0 $0x1;
	_ =	sdelay $0x1  }
0xac: {  	s5 =	simm.s32 @p0 $0x1B8D  }
0xad: {  	_ =	swait.eq @p0 [sflag:s5], $0x1  }
0xae: {  	[sflag:s5] =	ssyncadd.s32 @p0 $0xFFFFFFFF  }
0xaf: {  	s6 =	sshll.u32 @!p0 s1, $0xE  }
0xb0: {  	s6 =	sor.u32 @!p0 $0x4000, s6;
	s5 =	simm.s32 @!p0 $0x1B8D  }
0xb1: {  	s4 =	sshll.u32 @!p0 s4, $0x11;
	s6 =	sadd.s32 @!p0 $0x11B8D, s6;
	_ =	swait.eq @!p0 [sflag:s5], $0x1  }
0xb2: {  	s4 =	sor.u32 @!p0 s4, s6;
	[sflag:s5] =	ssyncadd.s32 @!p0 $0xFFFFFFFF  }
0xb3: {  	s25 =	simm.s32 $0x1B8E;
	s24 =	sld [smem:$0x3FFE];
	[sflag:s4] =	ssyncadd.remote.s32 @!p0 $0x1  }
0xb4: {  	s26 =	simm.s32 $execute0_lowered;
	[smem:$0x3FD2] =	sst s25  }
0xb5: {  	s5 =	sshll.u32 s26, $0x1;
	_ =	strace $0x80000049;
	[dreg:$0x1] =	wrdreg $0xFFFFFFFF  }
0xb6: {  	s28 =	simm.s32 $_size_execute0_lowered;
	s3 =	sadd.s32 s3, s5;
	[dreg:$0x0] =	wrdreg $0x0  }
0xb7: {  	s5 =	sshll.u32 s28, $0x1;
	[dreg:$0x2] =	wrdreg s3  }
0xb8: {  	[dreg:$0x3] =	wrdreg s5  }
0xb9: {  	[dreg:$0x4] =	wrdreg $0xC0  }
0xba: {  	_ =	task [dreg:s22], $0x5FFFF  }
0xbb: {  	[dreg:$0x1] =	wrdreg $0xFFFFFFFF  }
0xbc: {  	[dreg:$0x0] =	wrdreg $0x60  }
0xbd: {  	[dreg:$0x2] =	wrdreg s24  }
0xbe: {  	[dreg:$0x3] =	wrdreg $0x104000  }
0xbf: {  	[dreg:$0x4] =	wrdreg $0x9  }
0xc0: {  	_ =	task.clear_ibuf [dreg:s22], $0x5FFFF;
	_ =	strace $0x90000049  }
0xc1: {  	s29 =	simm.s32 $0x9;
	_ =	strace $0x8000004B  }
0xc2: {  	_ =	swait.ge [sflag:s29], $0x1  }
0xc3: {  	[sflag:s29] =	ssyncadd.s32 $0xFFFFFFFF  }
0xc4: {  	_ =	strace $0x9000004B  }
0xc5: {  	_ =	sfence  }
0xc6: {  	s30 =	sld [smem:$0x0];
	_ =	sdelay $0x2  }
0xc7: {  	s31 =	sshll.u32 s1, $0xD;
	s1 =	sshrl.u32 s1, $0x2  }
0xc8: {  	s4 =	sand.u32 $0x4000, s31;
	s1 =	sadd.s32 s1, s30  }
0xc9: {  	s0 =	sor.u32 s4, s0;
	s1 =	sshll.u32 s1, $0x11  }
0xca: {  	s0 =	sor.u32 s1, s0  }
0xcb: {  	s0 =	sadd.s32 $0x8F2B, s0  }
0xcc: {  	[sflag:s0] =	ssyncadd.remote.s32 $0x1  }
0xcd: {  	_ =	sfence.sel $0xFFFF  }
0xce: {  	[dreg:$0x0] =	wrdreg $0xFFFFFFFF;
	(pc) =	sbr.abs _section_cstart, $3  }
0xcf: {  	[dreg:$0x1] =	wrdreg $0xFFFFFFFF  }
0xd0: {  	_ =	task.clear_ibuf [dreg:s22], $0x2FFFF;
	_ =	strace $0x9FFFFFFF  }
0xd1: {  	(tm) =	ssettm $0x7FFFFFFF  }
tec
execute0_lowered:
.L_overlay_start_1:
0x0: {  	(tag) =	ssettag $0x1  }
0x1: {  	s6 =	rddreg [dreg:$0x0]  }
0x2: {  	s1 =	rddreg [dreg:$0x1]  }
0x3: {  	s0 =	rddreg [dreg:$0x2];
	s3 =	simm.s32 $0x0;
	s4 =	srdreg.scid  }
0x4: {  	s2 =	stileid.u32;
	s17 =	simm.s32 $0x4400;
	[smem:$0x7FF] =	sst s3  }
0x5: {  	s8 =	sadd.s32 $0x1B4800, s6;
	s9 =	sand.u32 $0x1, s4;
	s12 =	smul.u32 $0x1A000, s2  }
0x6: {  	s7 =	sshll.u32 s2, $0x1;
	s4 =	sadd.s32 $0x1A2600, s6;
	s15 =	smul.u32 $0x340, s2  }
0x7: {  	s5 =	sadd.s32 $0x1AC400, s6;
	s26 =	sshll.u32 s2, $0xD;
	s29 =	smul.u32 $0x1A, s2  }
0x8: {  	s28 =	sshll.u32 s2, $0x6;
	s19 =	sshll.u32 s2, $0xA;
	s13 =	smul.u32 $0xD000, s9  }
0x9: {  	_ =	strace $0x8000004A;
	s7 =	sor.u32 s9, s7;
	s16 =	smul.u32 $0x1A0, s9  }
0xa: {  	s10 =	sshll.u32 s9, $0xE;
	s11 =	ssub.s32 $0x2, s9;
	s31 =	smul.u32 $0xD, s9  }
0xb: {  	s14 =	sadd.s32 s26, s1;
	s7 =	smul.u32 $0xD000, s7;
	s25 =	sshrl.u32 s11, $0x1  }
0xc: {  	s10 =	sadd.s32 s10, s6;
	s6 =	sor.u32 $0x1C03, s28;
	s11 =	ssub.s32 s11, s25  }
0xd: {  	s18 =	sadd.s32 $0x354800, s10;
	s10 =	sadd.s32 s16, s15;
	s15 =	simm.s32 $0x1  }
0xe: {  	s16 =	simm.s32 $0x80;
	s7 =	sadd.s32 s8, s7;
	s8 =	sadd.s32 s12, s8  }
0xf: {  	s12 =	sshrl.u32 s14, $0x3;
	s14 =	simm.s32 $0x400;
	s18 =	sadd.s32 s19, s18  }
0x10: {  	s19 =	simm.s32 $0x0;
	s30 =	sadd.s32 s13, s8;
	s8 =	smax.u32 s11, $0x1  }
0x11: {  	s11 =	sadd.s32 s31, s29;
	s13 =	simm.s32 $0x3;
	s9 =	sadd.s32 $0x1000, s30  }
.LBB2_1:
0x12: {  	[spmem:s12], [sflag:s6] =	dma.local [hbm:s5], $0x400  }
0x13: {  	_ =	swait.ge [sflag:s13], $0x400  }
0x14: {  	[sflag:s13] =	ssyncset.done $0x0  }
0x15: {  	s20 =	smov.u32 s10;
	[sflag:s13] =	ssyncadd.s32 $0xFFFFFC00  }
0x16: {  	s21 =	smov.u32 s9;
	s22 =	simm.s32 $0x0;
	[bflag:$0x0] =	sbarrier.arrive $0xFFFF  }
0x17: {  	[tilespmem:s14], [sflag:$0x1] =	stream.linear.gather [hbm4b:s7+s3], $0x8000, $0x38;
	[tilespmem:$0x12400] =	vst v63  }
.LBB2_2:
0x18: {  	s23 =	sadd.s32 s22, s11  }
0x19: {  	p0 =	seq.s32 s22, $0x0;
	s23 =	sand.u32 $0x3, s23  }
0x1a: {  	p1 =	sne.s32 @!p0 s23, $0x0  }
0x1b: {  	p0 =	por p0, !p1  }
0x1c: {  	s24 =	sand.u32 @p0 $0x1FFFFF80, s20  }
0x1d: {  	s24 =	sadd.s32 @p0 s4, s24  }
0x1e: {  	[tilespmem:s3], [sflag:$0x3] =	stream.linear.gather @p0 [hbm4b:s24+s3], $0x400, $0x38;
	[tilespmem:$0x12400] =	vst v63  }
0x1f: {  	_ =	swait.ge @p0 [sflag:s13], $0x400  }
0x20: {  	[sflag:s13] =	ssyncset.done @p0 $0x0  }
0x21: {  	[sflag:s13] =	ssyncadd.s32 @p0 $0xFFFFFC00  }
0x22: {  	_ =	swait.ge [sflag:s15], $0x8000  }
0x23: {  	p0 =	seq.s32 s22, $0xC;
	[sflag:s15] =	ssyncset.done $0x0  }
0x24: {  	s24 =	simm.s32 @!p0 $0x0;
	s25 =	simm.s32 @!p0 $0x8400;
	[sflag:s15] =	ssyncadd.s32 $0xFFFF8000  }
0x25: {  	[tilespmem:s25], [sflag:$0x2] =	stream.linear.gather @!p0 [hbm4b:s21+s24], $0x8000, $0x38;
	[tilespmem:$0x12400] =	vst v63  }
0x26: {  	s31 =	sadd.s32 $0x1, s22;
	s23 =	sshll.u32 s23, $0x8  }
0x27: {  	[spmem:s1] =	stream.indirect.scatter.add.f32 [tilespmem:s14], [sflag:$0x1], $0x80, s23, s16, $0xb8;
	[tilespmem:$0x12400] =	vst v63  }
0x28: {  	p0 =	sgt.u32 s31, $0xC;
	s23 =	sor.u32 $0x80, s23  }
0x29: {  	[spmem:s1] =	stream.indirect.scatter.add.f32 [tilespmem:s17], [sflag:$0x1], $0x80, s23, s16, $0xb8;
	[tilespmem:$0x12400] =	vst v63  }
0x2a: {  	s23 =	sadd.s32 @!p0 s22, s11  }
0x2b: {  	s23 =	sadd.s32 @!p0 $0x1, s23  }
0x2c: {  	_ =	swait.ge [sflag:s15], $0x4000;
	s23 =	sand.u32 @!p0 $0x3, s23  }
0x2d: {  	[sflag:s15] =	ssyncset.done $0x0;
	p1 =	sne.s32 @!p0 s23, $0x0  }
0x2e: {  	[sflag:s15] =	ssyncadd.s32 $0xFFFFC000;
	p1 =	por p1, p0  }
0x2f: {  	_ =	swait.ge [sflag:s15], $0x4000;
	s24 =	sadd.s32 @!p1 $0x20, s20  }
0x30: {  	[sflag:s15] =	ssyncset.done $0x0;
	s24 =	sand.u32 @!p1 $0x1FFFFF80, s24  }
0x31: {  	s25 =	simm.s32 @!p1 $0x0;
	[sflag:s15] =	ssyncadd.s32 $0xFFFFC000;
	s24 =	sadd.s32 @!p1 s4, s24  }
0x32: {  	[tilespmem:s25], [sflag:$0x3] =	stream.linear.gather @!p1 [hbm4b:s24+s25], $0x400, $0x38;
	[tilespmem:$0x12400] =	vst v63  }
0x33: {  	s24 =	simm.s32 @!p1 $0x3  }
0x34: {  	_ =	swait.ge @!p1 [sflag:s24], $0x400  }
0x35: {  	[sflag:s24] =	ssyncset.done @!p1 $0x0  }
0x36: {  	[sflag:s24] =	ssyncadd.s32 @!p1 $0xFFFFFC00;
	s24 =	simm.s32 @!p0 $0x2  }
0x37: {  	_ =	swait.ge @!p0 [sflag:s24], $0x8000  }
0x38: {  	s26 =	simm.s32 @!p0 $0x0;
	[sflag:s24] =	ssyncset.done @!p0 $0x0  }
0x39: {  	s28 =	simm.s32 @!p0 $0x400;
	s25 =	sadd.s32 @!p0 $0x1000, s21;
	[sflag:s24] =	ssyncadd.s32 @!p0 $0xFFFF8000  }
0x3a: {  	[tilespmem:s28], [sflag:$0x1] =	stream.linear.gather @!p0 [hbm4b:s25+s26], $0x8000, $0x38;
	[tilespmem:$0x12400] =	vst v63  }
0x3b: {  	s23 =	sshll.u32 @!p0 s23, $0x8;
	s25 =	simm.s32 @!p0 $0x80;
	s26 =	simm.s32 @!p0 $0x8400  }
0x3c: {  	[spmem:s1] =	stream.indirect.scatter.add.f32 @!p0 [tilespmem:s26], [sflag:$0x2], $0x80, s23, s25, $0xb8;
	[tilespmem:$0x12400] =	vst v63  }
0x3d: {  	s22 =	sadd.s32 $0x2, s22;
	s23 =	sor.u32 @!p0 $0x80, s23;
	s26 =	simm.s32 @!p0 $0xC400  }
0x3e: {  	[spmem:s1] =	stream.indirect.scatter.add.f32 @!p0 [tilespmem:s26], [sflag:$0x2], $0x80, s23, s25, $0xb8;
	[tilespmem:$0x12400] =	vst v63  }
0x3f: {  	p1 =	sne.s32 s22, $0xE;
	_ =	swait.ge @!p0 [sflag:s24], $0x4000  }
.Ltmp0:
0x40: {  	[sflag:s24] =	ssyncset.done @!p0 $0x0;
	(pc) =	sbr.rel @p1 .LBB2_2-.Ltmp0, $4  }
0x41: {  	[sflag:s24] =	ssyncadd.s32 @!p0 $0xFFFFC000  }
0x42: {  	_ =	swait.ge @!p0 [sflag:s24], $0x4000  }
0x43: {  	[sflag:s24] =	ssyncset.done @!p0 $0x0  }
0x44: {  	s20 =	sadd.s32 $0x40, s20;
	s21 =	sadd.s32 $0x2000, s21;
	[sflag:s24] =	ssyncadd.s32 @!p0 $0xFFFFC000  }
0x45: {  	s19 =	sadd.s32 $0x1, s19  }
0x46: {  	p0 =	sne.s32 s19, s8  }
.Ltmp1:
0x47: {  	[bflag:$0x0] =	sbarrier.arrive $0xFFFF;
	(pc) =	sbr.rel @p0 .LBB2_1-.Ltmp1, $4  }
0x48: {  	[hbm:s18], [sflag:s6] =	dma.local [spmem:s12], $0x400  }
0x49: {  	_ =	swait.ge [sflag:s13], $0x400  }
0x4a: {  	[sflag:s13] =	ssyncset.done $0x0  }
0x4b: {  	[sflag:s13] =	ssyncadd.s32 $0xFFFFFC00  }
0x4c: {  	_ =	sfence.sel $0x180000  }
0x4d: {  	[bflag:$0x0] =	sbarrier.arrive $0xFFFF  }
0x4e: {  	p0 =	sne.s32 s2, $0x0;
	_ =	strace $0x9000004A  }
0x4f: {  	s0 =	sadd.s32 @!p0 $0x100000, s0;
	[bflag:$0x2] =	sbarrier.arrive $0xFFFF  }
0x50: {  	[sflag:s0] =	ssyncadd.tile.s32 @!p0 $0x1;
	_ =	shalt  }
.Lfunc_end2:
_tile_overlayer_lowered:
.L_overlay_start_2:
0x51: {  	(tag) =	ssettag $0x2  }
0x52: {  	s0 =	rddreg [dreg:$0x0];
	s2 =	stileid.u32  }
0x53: {  	s1 =	rddreg [dreg:$0x1];
	p0 =	sne.s32 s2, $0x0  }
0x54: {  	s3 =	rddreg [dreg:$0x2];
	[bflag:$0x3] =	sbarrier.arrive $0xFFFF;
	s2 =	simm.s32 @!p0 $0x1C03  }
0x55: {  	[timem:s3], [sflag:s2] =	dma.local @!p0 [hbm:s0], s1  }
0x56: {  	s0 =	simm.s32 @!p0 $0x3  }
0x57: {  	_ =	swait.ge @!p0 [sflag:s0], s1  }
0x58: {  	s1 =	ssub.s32 @!p0 $0x0, s1;
	[sflag:s0] =	ssyncset.done @!p0 $0x0  }
0x59: {  	[sflag:s0] =	ssyncadd.s32 @!p0 s1  }
0x5a: {  	[bflag:$0x3] =	sbarrier.arrive $0xFFFF  }
0x5b: {  	_ =	shalt  }

// kernel: kernel.13.cloned.1.call-start
scs
__scs_entry_jumppad:
0x0: {  	(pc) =	sbr.rel $0x88, $3  }
0x1: {  	(tag) =	ssettag $0x0;
	lr =	simm.s32 $0x1  }
0x2: {  	[smem:$0x3F98] =	sst lr;
	_ =	strace $0xD0000000  }
0x3: {  	_ = 	snop  }
0x4: {  	_ = 	snop  }
0x5: {  	_ = 	snop  }
0x6: {  	_ = 	snop  }
0x7: {  	_ = 	snop  }
__scs_overlays_trampoline_lowered:
0x8: {  	[smem:$0x3FA7] =	sst s0  }
0x9: {  	[smem:$0x3FA8] =	sst s1  }
0xa: {  	[smem:$0x3FA9] =	sst s2  }
0xb: {  	[smem:$0x3FAA] =	sst s3  }
0xc: {  	[smem:$0x3FAB] =	sst s4  }
0xd: {  	[smem:$0x3FAC] =	sst s5  }
0xe: {  	[smem:$0x3FAD] =	sst s6  }
0xf: {  	[smem:$0x3FAE] =	sst s7  }
0x10: {  	[smem:$0x3FAF] =	sst s8  }
0x11: {  	[smem:$0x3FB0] =	sst s9;
	s0 =	simm.s32 @!p0 $0x0  }
0x12: {  	s1 =	sld [smem:$0x3F96];
	s0 =	simm.s32 @p0 $0x1  }
0x13: {  	[smem:$0x3FB1] =	sst s0;
	s0 =	simm.s32 @!p1 $0x0  }
0x14: {  	s2 =	sld [smem:$0x3F95];
	s0 =	simm.s32 @p1 $0x1  }
0x15: {  	[smem:$0x3FB2] =	sst s0;
	s0 =	simm.s32 @!p2 $0x0  }
0x16: {  	s3 =	sld [smem:$0x3FDB];
	s0 =	simm.s32 @p2 $0x1  }
0x17: {  	s4 =	simm.s32 $0x1BF5;
	[smem:$0x3FB4] =	sst s0  }
0x18: {  	s0 =	sld [smem:$0x3F97];
	_ =	swait.ge [sflag:s4], $0x0  }
0x19: {  	s7 =	sld [smem:$0x3F98]  }
0x1a: {  	s8 =	sadd.s32 $0xFFFFE003, lr  }
0x1b: {  	s9 =	sadd.s32 $0xFFFFFEF7, lr;
	s5 =	simm.s32 $0xFFFFFFFF;
	p2 =	slt.u32 s8, $0xFFFFF086  }
0x1c: {  	p1 =	slt.u32 s9, $0xF7A;
	s5 =	simm.s32 @!p2 $0x0  }
0x1d: {  	s5 =	simm.s32 @p1 $0x1;
	p0 =	seq.s32 s7, s2  }
0x1e: {  	s7 =	smul.u32 @!p0 $0xF7A, s2;
	p2 =	seq.s32 @!p0 s5, $0x0  }
0x1f: {  	s9 =	smul.u32 $0xF7A, s1;
	s8 =	simm.s32 @!p0 $0x1BF5;
	p2 =	por !p2, p0  }
0x20: {  	[sflag:s8] =	ssyncset.s32 @!p0 $0xFFFFF086;
	s6 =	sadd.s32 @!p0 s3, s7;
	s7 =	simm.s32 @!p0 $0x108  }
0x21: {  	s3 =	sadd.s32 s3, s9;
	s6 =	sadd.s32 @!p0 $0x88, s6;
	s7 =	simm.s32 @p2 $0x1082  }
0x22: {  	[simem:s7], [sflag:s8] =	dma.local @!p0 [hbm:s6], $0xF7A  }
0x23: {  	s9 =	sor.u32 $0xD0000000, s2;
	s6 =	simm.s32 $0x108;
	_ =	swait.ge @!p0 [sflag:s8], $0x0  }
0x24: {  	s3 =	sadd.s32 $0x88, s3;
	s6 =	simm.s32 @!p1 $0x1082;
	[sflag:s4] =	ssyncset.s32 $0xFFFFF086  }
0x25: {  	[simem:s6], [sflag:s4] =	dma.local [hbm:s3], $0xF7A  }
0x26: {  	[smem:$0x3F98] =	sst s1;
	(tag) =	ssettag s2;
	_ =	strace s9  }
0x27: {  	s1 =	sld [smem:$0x3FA8]  }
0x28: {  	s2 =	sld [smem:$0x3FA9]  }
0x29: {  	s4 =	sld [smem:$0x3FAB]  }
0x2a: {  	p0 =	seq.s32 s5, $0x0;
	s5 =	sld [smem:$0x3FAC]  }
0x2b: {  	s6 =	sld [smem:$0x3FAD]  }
0x2c: {  	s7 =	sld [smem:$0x3FAE]  }
0x2d: {  	s3 =	simm.s32 $0x108;
	s8 =	sld [smem:$0x3FAF]  }
0x2e: {  	s3 =	simm.s32 @!p0 $0x1082;
	s9 =	sld [smem:$0x3FB0]  }
0x2f: {  	lr =	sadd.s32 s0, s3;
	s0 =	sld [smem:$0x3FA7]  }
0x30: {  	s3 =	sld [smem:$0x3FAA]  }
0x31: {  	[smem:$0x3FB3] =	sst s10  }
0x32: {  	s10 =	sld [smem:$0x3FB1];
	_ =	sdelay $0x3  }
0x33: {  	p0 =	seq.s32 s10, $0x1;
	s10 =	sld [smem:$0x3FB3];
	_ =	sdelay $0x3  }
0x34: {  	[smem:$0x3FB3] =	sst s10  }
0x35: {  	s10 =	sld [smem:$0x3FB2];
	_ =	sdelay $0x3  }
0x36: {  	p1 =	seq.s32 s10, $0x1;
	s10 =	sld [smem:$0x3FB3];
	_ =	sdelay $0x3  }
0x37: {  	[smem:$0x3FB3] =	sst s10  }
0x38: {  	s10 =	sld [smem:$0x3FB4]  }
0x39: {  	_ = 	snop;
	(pc) =	sbr.ind lr, $3  }
0x3a: {  	_ = 	snop  }
0x3b: {  	_ = 	snop  }
0x3c: {  	p2 =	seq.s32 s10, $0x1;
	s10 =	sld [smem:$0x3FB3]  }
0x3d: {  	_ =	shalt  }
0x3e: {  	_ =	shalt  }
0x3f: {  	_ =	shalt  }
0x40: {  	_ =	shalt  }
0x41: {  	_ =	shalt  }
0x42: {  	_ =	shalt  }
0x43: {  	_ =	shalt  }
0x44: {  	_ =	shalt  }
0x45: {  	_ =	shalt  }
0x46: {  	_ =	shalt  }
0x47: {  	_ =	shalt  }
0x48: {  	_ =	shalt  }
0x49: {  	_ =	shalt  }
0x4a: {  	_ =	shalt  }
0x4b: {  	_ =	shalt  }
0x4c: {  	_ =	shalt  }
0x4d: {  	_ =	shalt  }
0x4e: {  	_ =	shalt  }
0x4f: {  	_ =	shalt  }
0x50: {  	_ =	shalt  }
0x51: {  	_ =	shalt  }
0x52: {  	_ =	shalt  }
0x53: {  	_ =	shalt  }
0x54: {  	_ =	shalt  }
0x55: {  	_ =	shalt  }
0x56: {  	_ =	shalt  }
0x57: {  	_ =	shalt  }
0x58: {  	_ =	shalt  }
0x59: {  	_ =	shalt  }
0x5a: {  	_ =	shalt  }
0x5b: {  	_ =	shalt  }
0x5c: {  	_ =	shalt  }
0x5d: {  	_ =	shalt  }
0x5e: {  	_ =	shalt  }
0x5f: {  	_ =	shalt  }
0x60: {  	_ =	shalt  }
0x61: {  	_ =	shalt  }
0x62: {  	_ =	shalt  }
0x63: {  	_ =	shalt  }
0x64: {  	_ =	shalt  }
0x65: {  	_ =	shalt  }
0x66: {  	_ =	shalt  }
0x67: {  	_ =	shalt  }
0x68: {  	_ =	shalt  }
0x69: {  	_ =	shalt  }
0x6a: {  	_ =	shalt  }
0x6b: {  	_ =	shalt  }
0x6c: {  	_ =	shalt  }
0x6d: {  	_ =	shalt  }
0x6e: {  	_ =	shalt  }
0x6f: {  	_ =	shalt  }
0x70: {  	_ =	shalt  }
0x71: {  	_ =	shalt  }
0x72: {  	_ =	shalt  }
0x73: {  	_ =	shalt  }
0x74: {  	_ =	shalt  }
0x75: {  	_ =	shalt  }
0x76: {  	_ =	shalt  }
0x77: {  	_ =	shalt  }
0x78: {  	_ =	shalt  }
0x79: {  	_ =	shalt  }
0x7a: {  	_ =	shalt  }
0x7b: {  	_ =	shalt  }
0x7c: {  	_ =	shalt  }
0x7d: {  	_ =	shalt  }
0x7e: {  	_ =	shalt  }
0x7f: {  	_ =	shalt  }
0x80: {  	_ =	shalt  }
0x81: {  	_ =	shalt  }
0x82: {  	_ =	shalt  }
0x83: {  	_ =	shalt  }
0x84: {  	_ =	shalt  }
0x85: {  	_ =	shalt  }
0x86: {  	_ =	shalt  }
0x87: {  	_ =	shalt  }
.Lfunc_end0:
.L_simem_size_0:
called_computation.1_lowered:
.L_overlay_start_0:
0x88: {  	s2 =	sld [smem:$0x3FD9]  }
0x89: {  	s3 =	sld [smem:$0x3FFE];
	_ =	sdelay $0x1  }
0x8a: {  	s1 =	srdreg.scid  }
0x8b: {  	s0 =	sand.u32 $0x1, s1  }
0x8c: {  	s17 =	sshll.u32 s0, $0xA;
	s2 =	sadd.s32 s3, s2  }
0x8d: {  	s2 =	sadd.s32 s2, s17  }
0x8e: {  	[smem:$0x3FBF] =	sst s2  }
0x8f: {  	_ = 	snop  }
0x90: {  	(tm) =	ssettm $0x1  }
0x91: {  	s18 =	sld [smem:$0x3FFB];
	_ =	sdelay $0x3  }
0x92: {  	_ =	strace s18  }
0x93: {  	s2 =	sld [smem:$0x3FFC];
	_ =	sdelay $0x3  }
0x94: {  	_ =	strace s2  }
0x95: {  	s2 =	sld [smem:$0x3FFD];
	_ =	sdelay $0x3  }
0x96: {  	_ =	strace s2  }
0x97: {  	_ =	strace $0x8FFFFFFF  }
0x98: {  	s19 =	sld [smem:$0x3FDB];
	_ =	sdelay $0x1  }
0x99: {  	s20 =	simm.s32 $_scs_section_size  }
0x9a: {  	s4 =	simm.s32 $_size__tile_overlayer_lowered;
	s5 =	simm.s32 $_tile_overlayer_lowered  }
0x9b: {  	s6 =	simm.s32 $0x1BFF;
	s21 =	sshll.u32 s5, $0x1;
	s3 =	sadd.s32 s20, s19  }
0x9c: {  	s22 =	simm.s32 $0x0;
	s4 =	sshll.u32 s4, $0x1;
	s5 =	sadd.s32 s21, s3  }
0x9d: {  	[timem:s22], [sflag:s6] =	dma.local [hbm:s5], s4  }
0x9e: {  	_ =	swait.ge [sflag:s6], s4  }
0x9f: {  	s4 =	ssub.s32 $0x0, s4;
	[sflag:s6] =	ssyncset.done $0x0  }
0xa0: {  	[sflag:s6] =	ssyncadd.s32 s4;
	_ =	sdelay $0x1  }
0xa1: {  	s23 =	simm.s32 $0x1B8B  }
0xa2: {  	_ =	swait.ge [sflag:s23], $0x1  }
0xa3: {  	[sflag:s23] =	ssyncset.done $0x0  }
0xa4: {  	[sflag:s23] =	ssyncadd.s32 $0xFFFFFFFF  }
0xa5: {  	s4 =	sld [smem:$0x0]  }
0xa6: {  	s5 =	sand.u32 $0xFFFFFFFE, s1  }
0xa7: {  	p0 =	sne.s32 s1, s5  }
0xa8: {  	s5 =	sshll.u32 @p0 s5, $0xE  }
0xa9: {  	s5 =	sadd.s32 @p0 $0x11B8D, s5;
	s6 =	sshll.u32 @p0 s4, $0x11  }
0xaa: {  	s5 =	sor.u32 @p0 s6, s5  }
0xab: {  	[sflag:s5] =	ssyncadd.remote.s32 @p0 $0x1;
	_ =	sdelay $0x1  }
0xac: {  	s5 =	simm.s32 @p0 $0x1B8D  }
0xad: {  	_ =	swait.eq @p0 [sflag:s5], $0x1  }
0xae: {  	[sflag:s5] =	ssyncadd.s32 @p0 $0xFFFFFFFF  }
0xaf: {  	s6 =	sshll.u32 @!p0 s1, $0xE  }
0xb0: {  	s6 =	sor.u32 @!p0 $0x4000, s6;
	s5 =	simm.s32 @!p0 $0x1B8D  }
0xb1: {  	s4 =	sshll.u32 @!p0 s4, $0x11;
	s6 =	sadd.s32 @!p0 $0x11B8D, s6;
	_ =	swait.eq @!p0 [sflag:s5], $0x1  }
0xb2: {  	s4 =	sor.u32 @!p0 s4, s6;
	[sflag:s5] =	ssyncadd.s32 @!p0 $0xFFFFFFFF  }
0xb3: {  	s25 =	simm.s32 $0x1B8E;
	s24 =	sld [smem:$0x3FFE];
	[sflag:s4] =	ssyncadd.remote.s32 @!p0 $0x1  }
0xb4: {  	s26 =	simm.s32 $execute0_lowered;
	[smem:$0x3FD2] =	sst s25  }
0xb5: {  	s5 =	sshll.u32 s26, $0x1;
	_ =	strace $0x8000004C;
	[dreg:$0x1] =	wrdreg $0xFFFFFFFF  }
0xb6: {  	s28 =	simm.s32 $_size_execute0_lowered;
	s3 =	sadd.s32 s3, s5;
	[dreg:$0x0] =	wrdreg $0x0  }
0xb7: {  	s5 =	sshll.u32 s28, $0x1;
	[dreg:$0x2] =	wrdreg s3  }
0xb8: {  	[dreg:$0x3] =	wrdreg s5  }
0xb9: {  	[dreg:$0x4] =	wrdreg $0xC0  }
0xba: {  	_ =	task [dreg:s22], $0x5FFFF  }
0xbb: {  	[dreg:$0x1] =	wrdreg $0xFFFFFFFF  }
0xbc: {  	[dreg:$0x0] =	wrdreg $0x60  }
0xbd: {  	[dreg:$0x2] =	wrdreg s24  }
0xbe: {  	[dreg:$0x3] =	wrdreg $0x104000  }
0xbf: {  	[dreg:$0x4] =	wrdreg $0xA  }
0xc0: {  	_ =	task.clear_ibuf [dreg:s22], $0x5FFFF;
	_ =	strace $0x9000004C  }
0xc1: {  	s29 =	simm.s32 $0xA;
	_ =	strace $0x8000004E  }
0xc2: {  	_ =	swait.ge [sflag:s29], $0x1  }
0xc3: {  	[sflag:s29] =	ssyncadd.s32 $0xFFFFFFFF  }
0xc4: {  	_ =	strace $0x9000004E  }
0xc5: {  	_ =	sfence  }
0xc6: {  	s30 =	sld [smem:$0x0];
	_ =	sdelay $0x2  }
0xc7: {  	s31 =	sshll.u32 s1, $0xD;
	s1 =	sshrl.u32 s1, $0x2  }
0xc8: {  	s4 =	sand.u32 $0x4000, s31;
	s1 =	sadd.s32 s1, s30  }
0xc9: {  	s0 =	sor.u32 s4, s0;
	s1 =	sshll.u32 s1, $0x11  }
0xca: {  	s0 =	sor.u32 s1, s0  }
0xcb: {  	s0 =	sadd.s32 $0x8F2B, s0  }
0xcc: {  	[sflag:s0] =	ssyncadd.remote.s32 $0x1  }
0xcd: {  	_ =	sfence.sel $0xFFFF  }
0xce: {  	[dreg:$0x0] =	wrdreg $0xFFFFFFFF;
	(pc) =	sbr.abs _section_cstart, $3  }
0xcf: {  	[dreg:$0x1] =	wrdreg $0xFFFFFFFF  }
0xd0: {  	_ =	task.clear_ibuf [dreg:s22], $0x2FFFF;
	_ =	strace $0x9FFFFFFF  }
0xd1: {  	(tm) =	ssettm $0x7FFFFFFF  }
tec
execute0_lowered:
.L_overlay_start_1:
0x0: {  	(tag) =	ssettag $0x1  }
0x1: {  	s12 =	rddreg [dreg:$0x0]  }
0x2: {  	s2 =	rddreg [dreg:$0x1]  }
0x3: {  	s0 =	rddreg [dreg:$0x2]  }
0x4: {  	s3 =	simm.s32 $0x0;
	s4 =	srdreg.scid;
	s1 =	stileid.u32  }
0x5: {  	[smem:$0x7FF] =	sst s3;
	s8 =	sand.u32 $0x1, s4;
	s11 =	smul.u32 $0x1A000, s1  }
0x6: {  	s26 =	sshll.u32 s1, $0x1;
	s9 =	sadd.s32 $0x35C800, s12;
	s15 =	smul.u32 $0x340, s1  }
0x7: {  	s4 =	sadd.s32 $0x1AC400, s12;
	s29 =	sshll.u32 s1, $0xD;
	s18 =	smul.u32 $0x1A, s1  }
0x8: {  	s30 =	sshll.u32 s1, $0x6;
	s20 =	sshll.u32 s1, $0xA;
	s14 =	smul.u32 $0xD000, s8  }
0x9: {  	_ =	strace $0x8000004D;
	s5 =	sor.u32 s8, s26;
	s17 =	smul.u32 $0x1A0, s8  }
0xa: {  	s6 =	ssub.s32 $0x2, s8;
	s28 =	sshll.u32 s8, $0xE;
	s31 =	smul.u32 $0xD, s8  }
0xb: {  	s16 =	sadd.s32 s29, s2;
	s7 =	smul.u32 $0xD000, s5;
	s10 =	sshrl.u32 s6, $0x1  }
0xc: {  	s13 =	sadd.s32 s28, s12;
	s5 =	sor.u32 $0x1C03, s30;
	s10 =	ssub.s32 s6, s10  }
0xd: {  	s19 =	sadd.s32 $0x4FC800, s13;
	s13 =	sshrl.u32 s16, $0x3;
	s16 =	simm.s32 $0x1  }
0xe: {  	s6 =	sadd.s32 s9, s7;
	s7 =	sadd.s32 $0x1A5A00, s12;
	s9 =	sadd.s32 s11, s9  }
0xf: {  	s8 =	smax.u32 s10, $0x1;
	s10 =	sadd.s32 s17, s15;
	s11 =	sadd.s32 s31, s18  }
0x10: {  	s12 =	sadd.s32 $0x1A5A20, s12;
	s15 =	simm.s32 $0x400;
	s17 =	simm.s32 $0x80  }
0x11: {  	s18 =	simm.s32 $0x4400;
	s19 =	sadd.s32 s20, s19;
	s9 =	sadd.s32 s14, s9  }
0x12: {  	s20 =	simm.s32 $0x0;
	s14 =	simm.s32 $0x3;
	s9 =	sadd.s32 $0x1000, s9  }
.LBB2_1:
0x13: {  	[spmem:s13], [sflag:s5] =	dma.local [hbm:s4], $0x400  }
0x14: {  	_ =	swait.ge [sflag:s14], $0x400  }
0x15: {  	[sflag:s14] =	ssyncset.done $0x0  }
0x16: {  	s21 =	smov.u32 s10;
	[sflag:s14] =	ssyncadd.s32 $0xFFFFFC00  }
0x17: {  	s22 =	smov.u32 s9;
	s23 =	simm.s32 $0x0;
	[bflag:$0x0] =	sbarrier.arrive $0xFFFF  }
0x18: {  	[tilespmem:s15], [sflag:$0x1] =	stream.linear.gather [hbm4b:s6+s3], $0x8000, $0x38;
	[tilespmem:$0x12400] =	vst v63  }
.LBB2_2:
0x19: {  	s24 =	sadd.s32 s23, s11  }
0x1a: {  	p0 =	seq.s32 s23, $0x0;
	s24 =	sand.u32 $0x3, s24  }
0x1b: {  	p1 =	sne.s32 @!p0 s24, $0x0  }
0x1c: {  	p0 =	por p0, !p1  }
0x1d: {  	s25 =	sand.u32 @p0 $0xFFFFF80, s21  }
0x1e: {  	s25 =	sadd.s32 @p0 s25, s7  }
0x1f: {  	[tilespmem:s3], [sflag:$0x3] =	stream.linear.gather @p0 [hbm4b:s25+s3], $0x400, $0x38;
	[tilespmem:$0x12400] =	vst v63  }
0x20: {  	_ =	swait.ge @p0 [sflag:s14], $0x400  }
0x21: {  	[sflag:s14] =	ssyncset.done @p0 $0x0  }
0x22: {  	[sflag:s14] =	ssyncadd.s32 @p0 $0xFFFFFC00  }
0x23: {  	_ =	swait.ge [sflag:s16], $0x8000  }
0x24: {  	p0 =	seq.s32 s23, $0xC;
	[sflag:s16] =	ssyncset.done $0x0  }
0x25: {  	s25 =	simm.s32 @!p0 $0x0;
	s26 =	simm.s32 @!p0 $0x8400;
	[sflag:s16] =	ssyncadd.s32 $0xFFFF8000  }
0x26: {  	[tilespmem:s26], [sflag:$0x2] =	stream.linear.gather @!p0 [hbm4b:s22+s25], $0x8000, $0x38;
	[tilespmem:$0x12400] =	vst v63  }
0x27: {  	s31 =	sadd.s32 $0x1, s23;
	s24 =	sshll.u32 s24, $0x8  }
0x28: {  	[spmem:s2] =	stream.indirect.scatter.add.f32 [tilespmem:s15], [sflag:$0x1], $0x80, s24, s17, $0xb8;
	[tilespmem:$0x12400] =	vst v63  }
0x29: {  	p0 =	sgt.u32 s31, $0xC;
	s24 =	sor.u32 $0x80, s24  }
0x2a: {  	[spmem:s2] =	stream.indirect.scatter.add.f32 [tilespmem:s18], [sflag:$0x1], $0x80, s24, s17, $0xb8;
	[tilespmem:$0x12400] =	vst v63  }
0x2b: {  	s24 =	sadd.s32 @!p0 s23, s11;
	_ =	swait.ge [sflag:s16], $0x4000  }
0x2c: {  	s24 =	sadd.s32 @!p0 $0x1, s24;
	[sflag:s16] =	ssyncset.done $0x0  }
0x2d: {  	s24 =	sand.u32 @!p0 $0x3, s24;
	[sflag:s16] =	ssyncadd.s32 $0xFFFFC000  }
0x2e: {  	p1 =	sne.s32 @!p0 s24, $0x0;
	_ =	swait.ge [sflag:s16], $0x4000  }
0x2f: {  	p1 =	por p1, p0;
	[sflag:s16] =	ssyncset.done $0x0  }
0x30: {  	s25 =	sadd.s32 @!p1 s21, s12;
	s26 =	simm.s32 @!p1 $0x0;
	[sflag:s16] =	ssyncadd.s32 $0xFFFFC000  }
0x31: {  	[tilespmem:s26], [sflag:$0x3] =	stream.linear.gather @!p1 [hbm4b:s25+s26], $0x400, $0x38;
	[tilespmem:$0x12400] =	vst v63  }
0x32: {  	s25 =	simm.s32 @!p1 $0x3  }
0x33: {  	_ =	swait.ge @!p1 [sflag:s25], $0x400  }
0x34: {  	[sflag:s25] =	ssyncset.done @!p1 $0x0  }
0x35: {  	[sflag:s25] =	ssyncadd.s32 @!p1 $0xFFFFFC00;
	s25 =	simm.s32 @!p0 $0x2  }
0x36: {  	_ =	swait.ge @!p0 [sflag:s25], $0x8000  }
0x37: {  	s28 =	simm.s32 @!p0 $0x0;
	[sflag:s25] =	ssyncset.done @!p0 $0x0  }
0x38: {  	s29 =	simm.s32 @!p0 $0x400;
	s26 =	sadd.s32 @!p0 $0x1000, s22;
	[sflag:s25] =	ssyncadd.s32 @!p0 $0xFFFF8000  }
0x39: {  	[tilespmem:s29], [sflag:$0x1] =	stream.linear.gather @!p0 [hbm4b:s26+s28], $0x8000, $0x38;
	[tilespmem:$0x12400] =	vst v63  }
0x3a: {  	s24 =	sshll.u32 @!p0 s24, $0x8;
	s26 =	simm.s32 @!p0 $0x80;
	s28 =	simm.s32 @!p0 $0x8400  }
0x3b: {  	[spmem:s2] =	stream.indirect.scatter.add.f32 @!p0 [tilespmem:s28], [sflag:$0x2], $0x80, s24, s26, $0xb8;
	[tilespmem:$0x12400] =	vst v63  }
0x3c: {  	s23 =	sadd.s32 $0x2, s23;
	s24 =	sor.u32 @!p0 $0x80, s24;
	s28 =	simm.s32 @!p0 $0xC400  }
0x3d: {  	[spmem:s2] =	stream.indirect.scatter.add.f32 @!p0 [tilespmem:s28], [sflag:$0x2], $0x80, s24, s26, $0xb8;
	[tilespmem:$0x12400] =	vst v63  }
0x3e: {  	p1 =	sne.s32 s23, $0xE;
	_ =	swait.ge @!p0 [sflag:s25], $0x4000  }
.Ltmp0:
0x3f: {  	[sflag:s25] =	ssyncset.done @!p0 $0x0;
	(pc) =	sbr.rel @p1 .LBB2_2-.Ltmp0, $4  }
0x40: {  	[sflag:s25] =	ssyncadd.s32 @!p0 $0xFFFFC000  }
0x41: {  	_ =	swait.ge @!p0 [sflag:s25], $0x4000  }
0x42: {  	[sflag:s25] =	ssyncset.done @!p0 $0x0  }
0x43: {  	s21 =	sadd.s32 $0x40, s21;
	s22 =	sadd.s32 $0x2000, s22;
	[sflag:s25] =	ssyncadd.s32 @!p0 $0xFFFFC000  }
0x44: {  	s20 =	sadd.s32 $0x1, s20  }
0x45: {  	p0 =	sne.s32 s20, s8  }
.Ltmp1:
0x46: {  	[bflag:$0x0] =	sbarrier.arrive $0xFFFF;
	(pc) =	sbr.rel @p0 .LBB2_1-.Ltmp1, $4  }
0x47: {  	[hbm:s19], [sflag:s5] =	dma.local [spmem:s13], $0x400  }
0x48: {  	_ =	swait.ge [sflag:s14], $0x400  }
0x49: {  	[sflag:s14] =	ssyncset.done $0x0  }
0x4a: {  	[sflag:s14] =	ssyncadd.s32 $0xFFFFFC00  }
0x4b: {  	_ =	sfence.sel $0x180000  }
0x4c: {  	[bflag:$0x0] =	sbarrier.arrive $0xFFFF  }
0x4d: {  	p0 =	sne.s32 s1, $0x0;
	_ =	strace $0x9000004D  }
0x4e: {  	s0 =	sadd.s32 @!p0 $0x100000, s0;
	[bflag:$0x2] =	sbarrier.arrive $0xFFFF  }
0x4f: {  	[sflag:s0] =	ssyncadd.tile.s32 @!p0 $0x1;
	_ =	shalt  }
.Lfunc_end2:
_tile_overlayer_lowered:
.L_overlay_start_2:
0x50: {  	(tag) =	ssettag $0x2  }
0x51: {  	s0 =	rddreg [dreg:$0x0];
	s2 =	stileid.u32  }
0x52: {  	s1 =	rddreg [dreg:$0x1];
	p0 =	sne.s32 s2, $0x0  }
0x53: {  	s3 =	rddreg [dreg:$0x2];
	[bflag:$0x3] =	sbarrier.arrive $0xFFFF;
	s2 =	simm.s32 @!p0 $0x1C03  }
0x54: {  	[timem:s3], [sflag:s2] =	dma.local @!p0 [hbm:s0], s1  }
0x55: {  	s0 =	simm.s32 @!p0 $0x3  }
0x56: {  	_ =	swait.ge @!p0 [sflag:s0], s1  }
0x57: {  	s1 =	ssub.s32 @!p0 $0x0, s1;
	[sflag:s0] =	ssyncset.done @!p0 $0x0  }
0x58: {  	[sflag:s0] =	ssyncadd.s32 @!p0 s1  }
0x59: {  	[bflag:$0x3] =	sbarrier.arrive $0xFFFF  }
0x5a: {  	_ =	shalt  }

// kernel: kernel.16.cloned.1.call-start
scs
__scs_entry_jumppad:
0x0: {  	(pc) =	sbr.rel $0x88, $3  }
0x1: {  	(tag) =	ssettag $0x0;
	lr =	simm.s32 $0x1  }
0x2: {  	[smem:$0x3F98] =	sst lr;
	_ =	strace $0xD0000000  }
0x3: {  	_ = 	snop  }
0x4: {  	_ = 	snop  }
0x5: {  	_ = 	snop  }
0x6: {  	_ = 	snop  }
0x7: {  	_ = 	snop  }
__scs_overlays_trampoline_lowered:
0x8: {  	[smem:$0x3FA7] =	sst s0  }
0x9: {  	[smem:$0x3FA8] =	sst s1  }
0xa: {  	[smem:$0x3FA9] =	sst s2  }
0xb: {  	[smem:$0x3FAA] =	sst s3  }
0xc: {  	[smem:$0x3FAB] =	sst s4  }
0xd: {  	[smem:$0x3FAC] =	sst s5  }
0xe: {  	[smem:$0x3FAD] =	sst s6  }
0xf: {  	[smem:$0x3FAE] =	sst s7  }
0x10: {  	[smem:$0x3FAF] =	sst s8  }
0x11: {  	[smem:$0x3FB0] =	sst s9;
	s0 =	simm.s32 @!p0 $0x0  }
0x12: {  	s1 =	sld [smem:$0x3F96];
	s0 =	simm.s32 @p0 $0x1  }
0x13: {  	[smem:$0x3FB1] =	sst s0;
	s0 =	simm.s32 @!p1 $0x0  }
0x14: {  	s2 =	sld [smem:$0x3F95];
	s0 =	simm.s32 @p1 $0x1  }
0x15: {  	[smem:$0x3FB2] =	sst s0;
	s0 =	simm.s32 @!p2 $0x0  }
0x16: {  	s3 =	sld [smem:$0x3FDB];
	s0 =	simm.s32 @p2 $0x1  }
0x17: {  	s4 =	simm.s32 $0x1BF5;
	[smem:$0x3FB4] =	sst s0  }
0x18: {  	s0 =	sld [smem:$0x3F97];
	_ =	swait.ge [sflag:s4], $0x0  }
0x19: {  	s7 =	sld [smem:$0x3F98]  }
0x1a: {  	s8 =	sadd.s32 $0xFFFFE003, lr  }
0x1b: {  	s9 =	sadd.s32 $0xFFFFFEF7, lr;
	s5 =	simm.s32 $0xFFFFFFFF;
	p2 =	slt.u32 s8, $0xFFFFF086  }
0x1c: {  	p1 =	slt.u32 s9, $0xF7A;
	s5 =	simm.s32 @!p2 $0x0  }
0x1d: {  	s5 =	simm.s32 @p1 $0x1;
	p0 =	seq.s32 s7, s2  }
0x1e: {  	s7 =	smul.u32 @!p0 $0xF7A, s2;
	p2 =	seq.s32 @!p0 s5, $0x0  }
0x1f: {  	s9 =	smul.u32 $0xF7A, s1;
	s8 =	simm.s32 @!p0 $0x1BF5;
	p2 =	por !p2, p0  }
0x20: {  	[sflag:s8] =	ssyncset.s32 @!p0 $0xFFFFF086;
	s6 =	sadd.s32 @!p0 s3, s7;
	s7 =	simm.s32 @!p0 $0x108  }
0x21: {  	s3 =	sadd.s32 s3, s9;
	s6 =	sadd.s32 @!p0 $0x88, s6;
	s7 =	simm.s32 @p2 $0x1082  }
0x22: {  	[simem:s7], [sflag:s8] =	dma.local @!p0 [hbm:s6], $0xF7A  }
0x23: {  	s9 =	sor.u32 $0xD0000000, s2;
	s6 =	simm.s32 $0x108;
	_ =	swait.ge @!p0 [sflag:s8], $0x0  }
0x24: {  	s3 =	sadd.s32 $0x88, s3;
	s6 =	simm.s32 @!p1 $0x1082;
	[sflag:s4] =	ssyncset.s32 $0xFFFFF086  }
0x25: {  	[simem:s6], [sflag:s4] =	dma.local [hbm:s3], $0xF7A  }
0x26: {  	[smem:$0x3F98] =	sst s1;
	(tag) =	ssettag s2;
	_ =	strace s9  }
0x27: {  	s1 =	sld [smem:$0x3FA8]  }
0x28: {  	s2 =	sld [smem:$0x3FA9]  }
0x29: {  	s4 =	sld [smem:$0x3FAB]  }
0x2a: {  	p0 =	seq.s32 s5, $0x0;
	s5 =	sld [smem:$0x3FAC]  }
0x2b: {  	s6 =	sld [smem:$0x3FAD]  }
0x2c: {  	s7 =	sld [smem:$0x3FAE]  }
0x2d: {  	s3 =	simm.s32 $0x108;
	s8 =	sld [smem:$0x3FAF]  }
0x2e: {  	s3 =	simm.s32 @!p0 $0x1082;
	s9 =	sld [smem:$0x3FB0]  }
0x2f: {  	lr =	sadd.s32 s0, s3;
	s0 =	sld [smem:$0x3FA7]  }
0x30: {  	s3 =	sld [smem:$0x3FAA]  }
0x31: {  	[smem:$0x3FB3] =	sst s10  }
0x32: {  	s10 =	sld [smem:$0x3FB1];
	_ =	sdelay $0x3  }
0x33: {  	p0 =	seq.s32 s10, $0x1;
	s10 =	sld [smem:$0x3FB3];
	_ =	sdelay $0x3  }
0x34: {  	[smem:$0x3FB3] =	sst s10  }
0x35: {  	s10 =	sld [smem:$0x3FB2];
	_ =	sdelay $0x3  }
0x36: {  	p1 =	seq.s32 s10, $0x1;
	s10 =	sld [smem:$0x3FB3];
	_ =	sdelay $0x3  }
0x37: {  	[smem:$0x3FB3] =	sst s10  }
0x38: {  	s10 =	sld [smem:$0x3FB4]  }
0x39: {  	_ = 	snop;
	(pc) =	sbr.ind lr, $3  }
0x3a: {  	_ = 	snop  }
0x3b: {  	_ = 	snop  }
0x3c: {  	p2 =	seq.s32 s10, $0x1;
	s10 =	sld [smem:$0x3FB3]  }
0x3d: {  	_ =	shalt  }
0x3e: {  	_ =	shalt  }
0x3f: {  	_ =	shalt  }
0x40: {  	_ =	shalt  }
0x41: {  	_ =	shalt  }
0x42: {  	_ =	shalt  }
0x43: {  	_ =	shalt  }
0x44: {  	_ =	shalt  }
0x45: {  	_ =	shalt  }
0x46: {  	_ =	shalt  }
0x47: {  	_ =	shalt  }
0x48: {  	_ =	shalt  }
0x49: {  	_ =	shalt  }
0x4a: {  	_ =	shalt  }
0x4b: {  	_ =	shalt  }
0x4c: {  	_ =	shalt  }
0x4d: {  	_ =	shalt  }
0x4e: {  	_ =	shalt  }
0x4f: {  	_ =	shalt  }
0x50: {  	_ =	shalt  }
0x51: {  	_ =	shalt  }
0x52: {  	_ =	shalt  }
0x53: {  	_ =	shalt  }
0x54: {  	_ =	shalt  }
0x55: {  	_ =	shalt  }
0x56: {  	_ =	shalt  }
0x57: {  	_ =	shalt  }
0x58: {  	_ =	shalt  }
0x59: {  	_ =	shalt  }
0x5a: {  	_ =	shalt  }
0x5b: {  	_ =	shalt  }
0x5c: {  	_ =	shalt  }
0x5d: {  	_ =	shalt  }
0x5e: {  	_ =	shalt  }
0x5f: {  	_ =	shalt  }
0x60: {  	_ =	shalt  }
0x61: {  	_ =	shalt  }
0x62: {  	_ =	shalt  }
0x63: {  	_ =	shalt  }
0x64: {  	_ =	shalt  }
0x65: {  	_ =	shalt  }
0x66: {  	_ =	shalt  }
0x67: {  	_ =	shalt  }
0x68: {  	_ =	shalt  }
0x69: {  	_ =	shalt  }
0x6a: {  	_ =	shalt  }
0x6b: {  	_ =	shalt  }
0x6c: {  	_ =	shalt  }
0x6d: {  	_ =	shalt  }
0x6e: {  	_ =	shalt  }
0x6f: {  	_ =	shalt  }
0x70: {  	_ =	shalt  }
0x71: {  	_ =	shalt  }
0x72: {  	_ =	shalt  }
0x73: {  	_ =	shalt  }
0x74: {  	_ =	shalt  }
0x75: {  	_ =	shalt  }
0x76: {  	_ =	shalt  }
0x77: {  	_ =	shalt  }
0x78: {  	_ =	shalt  }
0x79: {  	_ =	shalt  }
0x7a: {  	_ =	shalt  }
0x7b: {  	_ =	shalt  }
0x7c: {  	_ =	shalt  }
0x7d: {  	_ =	shalt  }
0x7e: {  	_ =	shalt  }
0x7f: {  	_ =	shalt  }
0x80: {  	_ =	shalt  }
0x81: {  	_ =	shalt  }
0x82: {  	_ =	shalt  }
0x83: {  	_ =	shalt  }
0x84: {  	_ =	shalt  }
0x85: {  	_ =	shalt  }
0x86: {  	_ =	shalt  }
0x87: {  	_ =	shalt  }
.Lfunc_end0:
.L_simem_size_0:
called_computation.2_lowered:
.L_overlay_start_0:
0x88: {  	s2 =	sld [smem:$0x3FD9]  }
0x89: {  	s3 =	sld [smem:$0x3FFE];
	_ =	sdelay $0x1  }
0x8a: {  	s1 =	srdreg.scid  }
0x8b: {  	s0 =	sand.u32 $0x1, s1  }
0x8c: {  	s14 =	sshll.u32 s0, $0xA;
	s2 =	sadd.s32 s3, s2  }
0x8d: {  	s2 =	sadd.s32 s2, s14  }
0x8e: {  	[smem:$0x3FBF] =	sst s2  }
0x8f: {  	_ = 	snop  }
0x90: {  	s2 =	sld [smem:$0x3FD0];
	_ =	sdelay $0x2  }
0x91: {  	s15 =	simm.s32 $0xC;
	s4 =	simm.s32 $0x10  }
0x92: {  	[smem:s4], [sflag:s15] =	dma.local [hbm:s2], $0x1  }
0x93: {  	_ =	swait.eq [sflag:s15], $0x1  }
0x94: {  	[sflag:s15] =	ssyncset.done $0x0  }
0x95: {  	[sflag:s15] =	ssyncadd.s32 $0xFFFFFFFF  }
0x96: {  	s16 =	sld [smem:$0x11];
	(tm) =	ssettm $0x1  }
0x97: {  	s17 =	sld [smem:$0x3FFB];
	_ =	sdelay $0x3  }
0x98: {  	_ =	strace s17  }
0x99: {  	s3 =	sld [smem:$0x3FFC];
	_ =	sdelay $0x3  }
0x9a: {  	_ =	strace s3  }
0x9b: {  	s3 =	sld [smem:$0x3FFD];
	_ =	sdelay $0x3  }
0x9c: {  	_ =	strace s3  }
0x9d: {  	_ =	strace $0x8FFFFFFF  }
0x9e: {  	s18 =	sld [smem:$0x3FDB];
	_ =	sdelay $0x1  }
0x9f: {  	s19 =	simm.s32 $_scs_section_size  }
0xa0: {  	s5 =	simm.s32 $_size__tile_overlayer_lowered;
	s6 =	simm.s32 $_tile_overlayer_lowered  }
0xa1: {  	s22 =	simm.s32 $0x1BFF;
	s21 =	sshll.u32 s6, $0x1;
	s3 =	sadd.s32 s19, s18  }
0xa2: {  	s7 =	simm.s32 $0x0;
	s20 =	sshll.u32 s5, $0x1;
	s5 =	sadd.s32 s21, s3  }
0xa3: {  	[timem:s7], [sflag:s22] =	dma.local [hbm:s5], s20  }
0xa4: {  	_ =	swait.ge [sflag:s22], s20  }
0xa5: {  	s4 =	ssub.s32 $0x0, s20;
	[sflag:s22] =	ssyncset.done $0x0  }
0xa6: {  	[sflag:s22] =	ssyncadd.s32 s4;
	_ =	sdelay $0x1  }
0xa7: {  	s23 =	simm.s32 $0x1B8B  }
0xa8: {  	_ =	swait.ge [sflag:s23], $0x1  }
0xa9: {  	[sflag:s23] =	ssyncset.done $0x0  }
0xaa: {  	s25 =	simm.s32 $0x1B8E;
	s24 =	sld [smem:$0x3FFE];
	[sflag:s23] =	ssyncadd.s32 $0xFFFFFFFF  }
0xab: {  	s26 =	simm.s32 $execute0_lowered;
	[smem:$0x3FD2] =	sst s25  }
0xac: {  	s5 =	sshll.u32 s26, $0x1;
	_ =	strace $0x80000046;
	[dreg:$0x1] =	wrdreg $0xFFFFFFFF  }
0xad: {  	s28 =	simm.s32 $_size_execute0_lowered;
	s3 =	sadd.s32 s3, s5;
	[dreg:$0x0] =	wrdreg $0x0  }
0xae: {  	s5 =	sshll.u32 s28, $0x1;
	[dreg:$0x2] =	wrdreg s3  }
0xaf: {  	[dreg:$0x3] =	wrdreg s5  }
0xb0: {  	[dreg:$0x4] =	wrdreg $0xC0  }
0xb1: {  	_ =	task [dreg:s7], $0x5FFFF  }
0xb2: {  	[dreg:$0x1] =	wrdreg $0xFFFFFFFF  }
0xb3: {  	[dreg:$0x0] =	wrdreg $0x60  }
0xb4: {  	[dreg:$0x2] =	wrdreg s24  }
0xb5: {  	[dreg:$0x3] =	wrdreg s16  }
0xb6: {  	[dreg:$0x4] =	wrdreg $0x104000  }
0xb7: {  	[dreg:$0x5] =	wrdreg $0xB  }
0xb8: {  	_ =	task.clear_ibuf [dreg:s7], $0x6FFFF;
	_ =	strace $0x90000046  }
0xb9: {  	s29 =	simm.s32 $0xB;
	_ =	strace $0x80000048  }
0xba: {  	_ =	swait.ge [sflag:s29], $0x1  }
0xbb: {  	[sflag:s29] =	ssyncadd.s32 $0xFFFFFFFF  }
0xbc: {  	_ =	strace $0x90000048  }
0xbd: {  	_ =	sfence  }
0xbe: {  	s30 =	sld [smem:$0x0];
	_ =	sdelay $0x2  }
0xbf: {  	s31 =	sshll.u32 s1, $0xD;
	s1 =	sshrl.u32 s1, $0x2  }
0xc0: {  	s3 =	sand.u32 $0x4000, s31;
	s1 =	sadd.s32 s1, s30  }
0xc1: {  	s0 =	sor.u32 s3, s0;
	s1 =	sshll.u32 s1, $0x11  }
0xc2: {  	s0 =	sor.u32 s1, s0  }
0xc3: {  	s0 =	sadd.s32 $0x8F2B, s0  }
0xc4: {  	[sflag:s0] =	ssyncadd.remote.s32 $0x1  }
0xc5: {  	_ =	sfence.sel $0xFFFF  }
0xc6: {  	[dreg:$0x0] =	wrdreg $0xFFFFFFFF;
	(pc) =	sbr.abs _section_cstart, $3  }
0xc7: {  	[dreg:$0x1] =	wrdreg $0xFFFFFFFF  }
0xc8: {  	_ =	task.clear_ibuf [dreg:s7], $0x2FFFF;
	_ =	strace $0x9FFFFFFF  }
0xc9: {  	(tm) =	ssettm $0x7FFFFFFF  }
tec
execute0_lowered:
.L_overlay_start_1:
0x0: {  	(tag) =	ssettag $0x1  }
0x1: {  	s15 =	rddreg [dreg:$0x0]  }
0x2: {  	s1 =	rddreg [dreg:$0x1]  }
0x3: {  	s2 =	rddreg [dreg:$0x2]  }
0x4: {  	s3 =	simm.s32 $0x0;
	s6 =	srdreg.scid;
	s4 =	stileid.u32  }
0x5: {  	s21 =	simm.s32 $0x4400;
	[smem:$0x7FF] =	sst s3;
	s11 =	sadd.s32 $0x2600, s15  }
0x6: {  	s5 =	sadd.s32 $0x1AC400, s15;
	s12 =	sand.u32 $0x1, s6;
	s16 =	smul.u32 $0x1A000, s4  }
0x7: {  	s24 =	sshll.u32 s4, $0x1;
	s26 =	sshll.u32 s4, $0xD;
	s19 =	smul.u32 $0x340, s4  }
0x8: {  	s28 =	sshll.u32 s4, $0x6;
	s10 =	sadd.s32 $0x1000, s1;
	s29 =	smul.u32 $0x1A, s4  }
0x9: {  	_ =	strace $0x80000047;
	s7 =	sshll.u32 s12, $0xE;
	s18 =	smul.u32 $0xD000, s12  }
0xa: {  	s8 =	ssub.s32 $0x2, s12;
	s22 =	sor.u32 s12, s24;
	s20 =	smul.u32 $0x1A0, s12  }
0xb: {  	s17 =	sadd.s32 s26, s2;
	s6 =	sor.u32 $0x1C03, s28;
	s31 =	smul.u32 $0xD, s12  }
0xc: {  	s24 =	sshll.u32 s4, $0xA;
	s13 =	sadd.s32 s7, s15;
	s25 =	sshrl.u32 s8, $0x1  }
0xd: {  	s9 =	smul.u32 $0xD000, s22;
	s7 =	sadd.s32 $0x1A8E00, s15;
	p0 =	sne.s32 s22, $0x1F  }
0xe: {  	s14 =	ssub.s32 s8, s25;
	s23 =	sadd.s32 $0x1AC800, s13;
	s13 =	sadd.s32 s20, s19  }
0xf: {  	s19 =	simm.s32 $0x1;
	s20 =	simm.s32 $0x80;
	s8 =	sadd.s32 s11, s9  }
0x10: {  	s9 =	sadd.s32 $0x1AC200, s15;
	s11 =	sadd.s32 s16, s11;
	s15 =	sadd.s32 $0x1A8E20, s15  }
0x11: {  	s16 =	sshrl.u32 s17, $0x3;
	s17 =	simm.s32 $0x3;
	s22 =	sadd.s32 s24, s23  }
0x12: {  	s23 =	simm.s32 $0x0;
	s30 =	sadd.s32 s18, s11;
	s11 =	smax.u32 s14, $0x1  }
0x13: {  	s14 =	sadd.s32 s31, s29;
	s18 =	simm.s32 $0x400;
	s12 =	sadd.s32 $0x1000, s30  }
.LBB2_1:
0x14: {  	[spmem:s16], [sflag:s6] =	dma.local [hbm:s5], $0x400  }
0x15: {  	_ =	swait.ge [sflag:s17], $0x400  }
0x16: {  	[sflag:s17] =	ssyncset.done $0x0  }
0x17: {  	s24 =	smov.u32 s13;
	[sflag:s17] =	ssyncadd.s32 $0xFFFFFC00  }
0x18: {  	s25 =	smov.u32 s12;
	s26 =	simm.s32 $0x0;
	[bflag:$0x0] =	sbarrier.arrive $0xFFFF  }
0x19: {  	[tilespmem:s18], [sflag:$0x1] =	stream.linear.gather [hbm4b:s8+s3], $0x8000, $0x38;
	[tilespmem:$0x12400] =	vst v63  }
.LBB2_2:
0x1a: {  	s28 =	sadd.s32 s26, s14  }
0x1b: {  	p1 =	seq.s32 s26, $0x0;
	s28 =	sand.u32 $0x3, s28  }
0x1c: {  	p2 =	sne.s32 @!p1 s28, $0x0  }
0x1d: {  	p1 =	por p1, !p2  }
0x1e: {  	s29 =	sand.u32 @p1 $0xFFFFF80, s24  }
0x1f: {  	s29 =	sadd.s32 @p1 s29, s7  }
0x20: {  	[tilespmem:s3], [sflag:$0x3] =	stream.linear.gather @p1 [hbm4b:s29+s3], $0x400, $0x38;
	[tilespmem:$0x12400] =	vst v63  }
0x21: {  	_ =	swait.ge @p1 [sflag:s17], $0x400  }
0x22: {  	[sflag:s17] =	ssyncset.done @p1 $0x0  }
0x23: {  	[sflag:s17] =	ssyncadd.s32 @p1 $0xFFFFFC00  }
0x24: {  	_ =	swait.ge [sflag:s19], $0x8000  }
0x25: {  	p1 =	seq.s32 s26, $0xC;
	[sflag:s19] =	ssyncset.done $0x0  }
0x26: {  	s29 =	simm.s32 @!p1 $0x0;
	s30 =	simm.s32 @!p1 $0x8400;
	[sflag:s19] =	ssyncadd.s32 $0xFFFF8000  }
0x27: {  	[tilespmem:s30], [sflag:$0x2] =	stream.linear.gather @!p1 [hbm4b:s25+s29], $0x8000, $0x38;
	[tilespmem:$0x12400] =	vst v63  }
0x28: {  	s31 =	sadd.s32 $0x1, s26;
	s28 =	sshll.u32 s28, $0x8  }
0x29: {  	[spmem:s2] =	stream.indirect.scatter.add.f32 [tilespmem:s18], [sflag:$0x1], $0x80, s28, s20, $0xb8;
	[tilespmem:$0x12400] =	vst v63  }
0x2a: {  	p1 =	sgt.u32 s31, $0xC;
	s28 =	sor.u32 $0x80, s28  }
0x2b: {  	[spmem:s2] =	stream.indirect.scatter.add.f32 [tilespmem:s21], [sflag:$0x1], $0x80, s28, s20, $0xb8;
	[tilespmem:$0x12400] =	vst v63  }
0x2c: {  	s28 =	sadd.s32 @!p1 s26, s14;
	_ =	swait.ge [sflag:s19], $0x4000  }
0x2d: {  	s28 =	sadd.s32 @!p1 $0x1, s28;
	[sflag:s19] =	ssyncset.done $0x0  }
0x2e: {  	s28 =	sand.u32 @!p1 $0x3, s28;
	[sflag:s19] =	ssyncadd.s32 $0xFFFFC000  }
0x2f: {  	p2 =	sne.s32 @!p1 s28, $0x0;
	_ =	swait.ge [sflag:s19], $0x4000  }
0x30: {  	p2 =	por p2, p1;
	[sflag:s19] =	ssyncset.done $0x0  }
0x31: {  	s29 =	sadd.s32 @!p2 s24, s15;
	s30 =	simm.s32 @!p2 $0x0;
	[sflag:s19] =	ssyncadd.s32 $0xFFFFC000  }
0x32: {  	[tilespmem:s30], [sflag:$0x3] =	stream.linear.gather @!p2 [hbm4b:s29+s30], $0x400, $0x38;
	[tilespmem:$0x12400] =	vst v63  }
0x33: {  	s29 =	simm.s32 @!p2 $0x3  }
0x34: {  	_ =	swait.ge @!p2 [sflag:s29], $0x400  }
0x35: {  	[sflag:s29] =	ssyncset.done @!p2 $0x0  }
0x36: {  	[sflag:s29] =	ssyncadd.s32 @!p2 $0xFFFFFC00;
	s29 =	simm.s32 @!p1 $0x2  }
0x37: {  	_ =	swait.ge @!p1 [sflag:s29], $0x8000  }
0x38: {  	s31 =	simm.s32 @!p1 $0x0;
	[sflag:s29] =	ssyncset.done @!p1 $0x0  }
0x39: {  	s0 =	simm.s32 @!p1 $0x400;
	s30 =	sadd.s32 @!p1 $0x1000, s25;
	[sflag:s29] =	ssyncadd.s32 @!p1 $0xFFFF8000  }
0x3a: {  	[tilespmem:s0], [sflag:$0x1] =	stream.linear.gather @!p1 [hbm4b:s30+s31], $0x8000, $0x38;
	[tilespmem:$0x12400] =	vst v63  }
0x3b: {  	s0 =	sshll.u32 @!p1 s28, $0x8;
	s28 =	simm.s32 @!p1 $0x80;
	s30 =	simm.s32 @!p1 $0x8400  }
0x3c: {  	[spmem:s2] =	stream.indirect.scatter.add.f32 @!p1 [tilespmem:s30], [sflag:$0x2], $0x80, s0, s28, $0xb8;
	[tilespmem:$0x12400] =	vst v63  }
0x3d: {  	s26 =	sadd.s32 $0x2, s26;
	s0 =	sor.u32 @!p1 $0x80, s0;
	s30 =	simm.s32 @!p1 $0xC400  }
0x3e: {  	[spmem:s2] =	stream.indirect.scatter.add.f32 @!p1 [tilespmem:s30], [sflag:$0x2], $0x80, s0, s28, $0xb8;
	[tilespmem:$0x12400] =	vst v63  }
0x3f: {  	p2 =	sne.s32 s26, $0xE;
	_ =	swait.ge @!p1 [sflag:s29], $0x4000  }
.Ltmp0:
0x40: {  	[sflag:s29] =	ssyncset.done @!p1 $0x0;
	(pc) =	sbr.rel @p2 .LBB2_2-.Ltmp0, $4  }
0x41: {  	[sflag:s29] =	ssyncadd.s32 @!p1 $0xFFFFC000  }
0x42: {  	_ =	swait.ge @!p1 [sflag:s29], $0x4000  }
0x43: {  	[sflag:s29] =	ssyncset.done @!p1 $0x0  }
0x44: {  	s24 =	sadd.s32 $0x40, s24;
	s25 =	sadd.s32 $0x2000, s25;
	[sflag:s29] =	ssyncadd.s32 @!p1 $0xFFFFC000  }
0x45: {  	s0 =	simm.s32 @!p0 $0x0;
	s24 =	simm.s32 @!p0 $0x3  }
0x46: {  	[tilespmem:s0], [sflag:$0x3] =	stream.linear.gather @!p0 [hbm4b:s9+s0], $0x400, $0x38;
	[tilespmem:$0x12400] =	vst v63  }
0x47: {  	_ =	swait.ge @!p0 [sflag:s24], $0x400  }
0x48: {  	[sflag:s24] =	ssyncset.done @!p0 $0x0  }
0x49: {  	s25 =	simm.s32 @!p0 $0x400;
	[sflag:s24] =	ssyncadd.s32 @!p0 $0xFFFFFC00  }
0x4a: {  	[tilespmem:s25], [sflag:$0x3] =	stream.linear.gather @!p0 [hbm4b:s1+s0], $0x8000, $0x38;
	[tilespmem:$0x12400] =	vst v63  }
0x4b: {  	_ =	swait.ge @!p0 [sflag:s24], $0x8000  }
0x4c: {  	[sflag:s24] =	ssyncset.done @!p0 $0x0  }
0x4d: {  	s26 =	simm.s32 @!p0 $0x80;
	[sflag:s24] =	ssyncadd.s32 @!p0 $0xFFFF8000  }
0x4e: {  	[spmem:s2] =	stream.indirect.scatter.add.f32 @!p0 [tilespmem:s25], [sflag:$0x3], $0x80, s0, s26, $0xb8;
	[tilespmem:$0x12400] =	vst v63  }
0x4f: {  	_ =	swait.ge @!p0 [sflag:s24], $0x4000  }
0x50: {  	[sflag:s24] =	ssyncset.done @!p0 $0x0  }
0x51: {  	s28 =	simm.s32 @!p0 $0x4400;
	[sflag:s24] =	ssyncadd.s32 @!p0 $0xFFFFC000  }
0x52: {  	[spmem:s2] =	stream.indirect.scatter.add.f32 @!p0 [tilespmem:s28], [sflag:$0x3], $0x80, s26, s26, $0xb8;
	[tilespmem:$0x12400] =	vst v63  }
0x53: {  	_ =	swait.ge @!p0 [sflag:s24], $0x4000  }
0x54: {  	[sflag:s24] =	ssyncset.done @!p0 $0x0  }
0x55: {  	[sflag:s24] =	ssyncadd.s32 @!p0 $0xFFFFC000  }
0x56: {  	[tilespmem:s25], [sflag:$0x3] =	stream.linear.gather @!p0 [hbm4b:s10+s0], $0x8000, $0x38;
	[tilespmem:$0x12400] =	vst v63  }
0x57: {  	_ =	swait.ge @!p0 [sflag:s24], $0x8000  }
0x58: {  	[sflag:s24] =	ssyncset.done @!p0 $0x0  }
0x59: {  	s0 =	simm.s32 @!p0 $0x100;
	[sflag:s24] =	ssyncadd.s32 @!p0 $0xFFFF8000  }
0x5a: {  	[spmem:s2] =	stream.indirect.scatter.add.f32 @!p0 [tilespmem:s25], [sflag:$0x3], $0x80, s0, s26, $0xb8;
	[tilespmem:$0x12400] =	vst v63  }
0x5b: {  	_ =	swait.ge @!p0 [sflag:s24], $0x4000  }
0x5c: {  	[sflag:s24] =	ssyncset.done @!p0 $0x0  }
0x5d: {  	s0 =	simm.s32 @!p0 $0x180;
	[sflag:s24] =	ssyncadd.s32 @!p0 $0xFFFFC000  }
0x5e: {  	[spmem:s2] =	stream.indirect.scatter.add.f32 @!p0 [tilespmem:s28], [sflag:$0x3], $0x80, s0, s26, $0xb8;
	[tilespmem:$0x12400] =	vst v63  }
0x5f: {  	_ =	swait.ge @!p0 [sflag:s24], $0x4000  }
0x60: {  	s23 =	sadd.s32 $0x1, s23;
	[sflag:s24] =	ssyncset.done @!p0 $0x0  }
0x61: {  	p1 =	sne.s32 s23, s11;
	[sflag:s24] =	ssyncadd.s32 @!p0 $0xFFFFC000  }
.Ltmp1:
0x62: {  	[bflag:$0x0] =	sbarrier.arrive $0xFFFF;
	(pc) =	sbr.rel @p1 .LBB2_1-.Ltmp1, $4  }
0x63: {  	[hbm:s22], [sflag:s6] =	dma.local [spmem:s16], $0x400  }
0x64: {  	_ =	swait.ge [sflag:s17], $0x400  }
0x65: {  	[sflag:s17] =	ssyncset.done $0x0  }
0x66: {  	[sflag:s17] =	ssyncadd.s32 $0xFFFFFC00  }
0x67: {  	_ =	sfence.sel $0x180000  }
0x68: {  	[bflag:$0x0] =	sbarrier.arrive $0xFFFF  }
0x69: {  	_ =	strace $0x90000047  }
0x6a: {  	[bflag:$0x2] =	sbarrier.arrive $0xFFFF  }
0x6b: {  	p0 =	sne.s32 s4, $0x0;
	s0 =	rddreg [dreg:$0x3]  }
0x6c: {  	s0 =	sadd.s32 @!p0 $0x100000, s0  }
0x6d: {  	[sflag:s0] =	ssyncadd.tile.s32 @!p0 $0x1;
	_ =	shalt  }
.Lfunc_end2:
_tile_overlayer_lowered:
.L_overlay_start_2:
0x6e: {  	(tag) =	ssettag $0x2  }
0x6f: {  	s0 =	rddreg [dreg:$0x0];
	s2 =	stileid.u32  }
0x70: {  	s1 =	rddreg [dreg:$0x1];
	p0 =	sne.s32 s2, $0x0  }
0x71: {  	s3 =	rddreg [dreg:$0x2];
	[bflag:$0x3] =	sbarrier.arrive $0xFFFF;
	s2 =	simm.s32 @!p0 $0x1C03  }
0x72: {  	[timem:s3], [sflag:s2] =	dma.local @!p0 [hbm:s0], s1  }
0x73: {  	s0 =	simm.s32 @!p0 $0x3  }
0x74: {  	_ =	swait.ge @!p0 [sflag:s0], s1  }
0x75: {  	s1 =	ssub.s32 @!p0 $0x0, s1;
	[sflag:s0] =	ssyncset.done @!p0 $0x0  }
0x76: {  	[sflag:s0] =	ssyncadd.s32 @!p0 s1  }
0x77: {  	[bflag:$0x3] =	sbarrier.arrive $0xFFFF  }
0x78: {  	_ =	shalt  }

</sc_bundles>
